<compile_context>
chip_gen: v7x
topology: tpu7x:2x2x1
jax: 0.10.2.dev20260603
libtpu: 0.0.44.dev20260713+nightly
codegen_flags: <defaults>
</compile_context>

<pallas_src>
import functools

import jax
import jax.numpy as jnp
import numpy as np
from jax import lax
from jax.experimental import pallas as pl
from jax.experimental.pallas import tpu as pltpu
from jax.experimental.pallas import tpu_sc as plsc

BATCH, POINTS, DIMS = 4, 32768, 128
N_VOX, PPV = 64, 128
NC, NS = 2, 16
NW = NC * NS
TPB = NW // BATCH
PPT = POINTS // TPB
GPT = (BATCH * N_VOX) // NW

_HI = jax.lax.Precision.DEFAULT


def _sc_mesh():
    return plsc.VectorSubcoreMesh(
        core_axis_name="c", subcore_axis_name="s", num_cores=NC, num_subcores=NS
    )


def _routing_kernel(eg_hbm, groups_hbm, feat_hbm, row_src_hbm, src1_hbm,
                    gath_hbm, eg_v, groups_v, k_v, win_v, src1_v, idx_v,
                    rows_v, gs0, gs1, gs2, gs3, ss0, ss1, ss2, ss3):
    wid = lax.axis_index("s") * NC + lax.axis_index("c")
    th = wid // TPB
    sub = wid % TPB
    lo = sub * PPT
    lanes = lax.iota(jnp.int32, 16)
    gsem = [gs0, gs1, gs2, gs3]
    ssem = [ss0, ss1, ss2, ss3]

    gth = wid // (NW // BATCH)
    for k in range(GPT):
        pltpu.sync_copy(groups_hbm.at[pl.ds((wid * GPT + k) * PPV, PPV)],
                        idx_v.at[k])
        for cc in range(PPV // 16):
            sl = pl.ds(cc * 16, 16)
            idx_v[k, sl] = idx_v[k, sl] + gth * POINTS

    def fire(k):
        return pltpu.async_copy(feat_hbm.at[idx_v.at[k]], rows_v.at[k % 4],
                                gsem[k % 4])

    def push(k):
        return pltpu.async_copy(
            rows_v.at[k % 4], gath_hbm.at[pl.ds((wid * GPT + k) * PPV, PPV)],
            ssem[k % 4])

    gathers = [fire(k) for k in range(4)]

    pltpu.sync_copy(eg_hbm.at[pl.ds(th * N_VOX, N_VOX)], eg_v)
    pltpu.sync_copy(groups_hbm.at[pl.ds(th * (N_VOX * PPV), N_VOX * PPV)],
                    groups_v)

    neg1 = jnp.full((16,), -1, jnp.int32)
    for kc in range(N_VOX // 16):
        k_v[pl.ds(kc * 16, 16)] = neg1

    def j_body(j, carry):
        egj = plsc.load_gather(eg_v, [jnp.full((16,), j, jnp.int32)])
        plsc.store_scatter(k_v, [egj], j * 64 + egj)
        return carry
    lax.fori_loop(0, N_VOX, j_body, 0)

    def init_body(i, carry):
        win_v[pl.ds(i * 16, 16)] = neg1
        return carry
    lax.fori_loop(0, PPT // 16, init_body, 0)

    def v_body(v, carry):
        kv = plsc.load_gather(k_v, [jnp.full((16,), v, jnp.int32)])
        present = kv >= 0
        for cc in range(PPV // 16):
            gidx = plsc.load_gather(groups_v, [v * PPV + cc * 16 + lanes])
            local = gidx - lo
            m = present & (local >= 0) & (local < PPT)
            safe = jnp.where(m, local, 0)
            cur = plsc.load_gather(win_v, [safe], mask=m)
            plsc.store_scatter(win_v, [safe], jnp.maximum(cur, kv), mask=m)
        return carry
    lax.fori_loop(0, N_VOX, v_body, 0)

    def o_body(i, carry):
        w = win_v[pl.ds(i * 16, 16)]
        win_v[pl.ds(i * 16, 16)] = jnp.where(w >= 0, w % 64, N_VOX)
        return carry
    lax.fori_loop(0, PPT // 16, o_body, 0)
    pltpu.sync_copy(win_v, row_src_hbm.at[pl.ds(th * POINTS + lo, PPT)])

    @pl.when(sub == 0)
    def _():
        for fc in range(N_VOX // 16):
            fv = fc * 16 + lanes
            pf = (fv % 4) * 16 + ((fv // 4) % 4) * 4 + fv // 16
            kv = plsc.load_gather(k_v, [pf])
            src1_v[pl.ds(fc * 16, 16)] = jnp.where(kv >= 0, pf, N_VOX)
        pltpu.sync_copy(src1_v, src1_hbm.at[pl.ds(th * N_VOX, N_VOX)])

    stores = []
    for k in range(4):
        gathers[k].wait()
        stores.append(push(k))
    for k in range(4, GPT):
        stores[k - 4].wait()
        gathers.append(fire(k))
        gathers[k].wait()
        stores.append(push(k))
    for k in range(GPT - 4, GPT):
        stores[k].wait()


@functools.partial(jax.jit, static_argnums=())
def _routing(eg_flat, groups_flat, feat):
    return pl.kernel(
        _routing_kernel,
        out_type=(
            jax.ShapeDtypeStruct((BATCH * POINTS,), jnp.int32),
            jax.ShapeDtypeStruct((BATCH * N_VOX,), jnp.int32),
            jax.ShapeDtypeStruct((BATCH * N_VOX * PPV, DIMS), jnp.float32),
        ),
        mesh=_sc_mesh(),
        compiler_params=pltpu.CompilerParams(needs_layout_passes=False),
        scratch_types=[
            pltpu.VMEM((N_VOX,), jnp.int32),
            pltpu.VMEM((N_VOX * PPV,), jnp.int32),
            pltpu.VMEM((N_VOX,), jnp.int32),
            pltpu.VMEM((PPT,), jnp.int32),
            pltpu.VMEM((N_VOX,), jnp.int32),
            pltpu.VMEM((GPT, PPV), jnp.int32),
            pltpu.VMEM((4, PPV, DIMS), jnp.float32),
        ] + [pltpu.SemaphoreType.DMA] * 8,
    )(eg_flat, groups_flat, feat)


_NB = 8


def _attn_block(vf, w, b):
    qkv = lax.dot_general(vf.astype(jnp.bfloat16), w.astype(jnp.bfloat16),
                          (((1,), (1,)), ((), ())),
                          preferred_element_type=jnp.float32,
                          precision=_HI) + b
    q = qkv[:, 0:DIMS].astype(jnp.bfloat16)
    k = qkv[:, DIMS:2 * DIMS].astype(jnp.bfloat16)
    v = qkv[:, 2 * DIMS:3 * DIMS].astype(jnp.bfloat16)
    ss = []
    for t in range(_NB):
        sl = slice(t * PPV, (t + 1) * PPV)
        ss.append(lax.dot_general(q[sl], k[sl], (((1,), (1,)), ((), ())),
                                  preferred_element_type=jnp.float32,
                                  precision=_HI))
    s = jnp.concatenate(ss, axis=0) * (1.0 / np.sqrt(DIMS))
    e = jnp.exp(s)
    a = (e / jnp.sum(e, axis=-1, keepdims=True)).astype(jnp.bfloat16)
    outs = []
    for t in range(_NB):
        sl = slice(t * PPV, (t + 1) * PPV)
        outs.append(lax.dot_general(a[sl], v[sl], (((1,), (0,)), ((), ())),
                                    preferred_element_type=jnp.float32,
                                    precision=_HI))
    return jnp.concatenate(outs, axis=0)


def _attn_kernel(gath_ref, qw_ref, qb_ref, tw_ref, tb_ref, lg_ref, lb_ref,
                 y_ref):
    vf = gath_ref[...]
    parts = [vf]
    for l in range(qw_ref.shape[0]):
        vf = _attn_block(vf, qw_ref[l], qb_ref[l])
        parts.append(vf)
    tw = tw_ref[...].astype(jnp.bfloat16)
    x = jnp.concatenate([xp.astype(jnp.bfloat16) for xp in parts], axis=1)
    y = lax.dot_general(x, tw, (((1,), (1,)), ((), ())),
                        preferred_element_type=jnp.float32,
                        precision=_HI) + tb_ref[...]
    mu = jnp.mean(y, axis=-1, keepdims=True)
    var = jnp.mean((y - mu) ** 2, axis=-1, keepdims=True)
    yn = (y - mu) * lax.rsqrt(var + 1e-5) * lg_ref[...] + lb_ref[...]
    y_ref[...] = jnp.max(jnp.maximum(yn, 0.0).reshape(_NB, PPV, DIMS),
                         axis=1)[None]


@functools.partial(jax.jit, static_argnums=())
def _attention(gath, qkv_w, qkv_b, trans_w, trans_b, ln_g, ln_b):
    grid = ((BATCH * N_VOX) // _NB,)
    return pl.pallas_call(
        _attn_kernel,
        grid=grid,
        in_specs=[
            pl.BlockSpec((_NB * PPV, DIMS), lambda i: (i, 0)),
            pl.BlockSpec(qkv_w.shape, lambda i: (0, 0, 0)),
            pl.BlockSpec(qkv_b.shape, lambda i: (0, 0)),
            pl.BlockSpec(trans_w.shape, lambda i: (0, 0)),
            pl.BlockSpec(trans_b.shape, lambda i: (0,)),
            pl.BlockSpec(ln_g.shape, lambda i: (0,)),
            pl.BlockSpec(ln_b.shape, lambda i: (0,)),
        ],
        out_specs=pl.BlockSpec((1, _NB, DIMS), lambda i: (i, 0, 0)),
        out_shape=jax.ShapeDtypeStruct(((BATCH * N_VOX) // _NB, _NB, DIMS),
                                       jnp.float32),
    )(gath, qkv_w, qkv_b, trans_w, trans_b, ln_g, ln_b)


_RET_BLK = 4096
_RET_GRID = (BATCH * POINTS) // _RET_BLK
_BLK_PER_BATCH = POINTS // _RET_BLK


def _onehot_rows(r, y):
    oh = (r[:, None] == lax.broadcasted_iota(jnp.int32, (r.shape[0], N_VOX), 1)
          ).astype(jnp.float32)
    return lax.dot_general(oh, y, (((1,), (0,)), ((), ())),
                           preferred_element_type=jnp.float32,
                           precision=_HI)


def _expand_kernel(src_ref, src1_ref, y_ref, out_ref, out1_ref):
    y = y_ref[...]
    out_ref[...] = _onehot_rows(src_ref[0, 0, :], y)
    out1_ref[...] = _onehot_rows(src1_ref[0, 0, :], y)


@functools.partial(jax.jit, static_argnums=())
def _expand(y, row_src, src1):
    return pl.pallas_call(
        _expand_kernel,
        grid=(_RET_GRID,),
        in_specs=[
            pl.BlockSpec((1, 1, _RET_BLK), lambda i: (i, 0, 0)),
            pl.BlockSpec((1, 1, N_VOX), lambda i: (i // _BLK_PER_BATCH, 0, 0)),
            pl.BlockSpec((N_VOX, DIMS), lambda i: (i // _BLK_PER_BATCH, 0)),
        ],
        out_specs=[
            pl.BlockSpec((_RET_BLK, DIMS), lambda i: (i, 0)),
            pl.BlockSpec((N_VOX, DIMS), lambda i: (i // _BLK_PER_BATCH, 0)),
        ],
        out_shape=[
            jax.ShapeDtypeStruct((BATCH * POINTS, DIMS), jnp.float32),
            jax.ShapeDtypeStruct((BATCH * N_VOX, DIMS), jnp.float32),
        ],
    )(row_src, src1, y)


def kernel(inputs, coordinates, groups, effective_groups, qkv_w, qkv_b,
           trans_w, trans_b, ln_g, ln_b):
    del coordinates
    batch, points, dims = inputs.shape
    feat = inputs.reshape(batch * points, dims)
    groups_flat = groups.reshape(-1)
    eg_flat = effective_groups.reshape(-1)

    row_src, src1, gath = _routing(eg_flat, groups_flat, feat)
    y = _attention(gath, qkv_w, qkv_b, trans_w, trans_b, ln_g,
                   ln_b).reshape(batch * N_VOX, dims)
    for_ret, out1 = _expand(y, row_src.reshape(_RET_GRID, 1, _RET_BLK),
                            src1.reshape(batch, 1, N_VOX))
    return out1.reshape(batch, N_VOX, dims), for_ret.reshape(batch, points, dims)

# --- scband reference (transcript-rebuilt; emitter-appended) ---
"""Pipeline reference for scband-voxel-encoder-13718125543640 (READ-ONLY COPY).

The authoritative reference and input builder live on the scoring server;
editing this copy changes nothing except your own understanding.
"""

import jax, jax.numpy as jnp
import numpy as np

BATCH, POINTS, DIMS = 4, 32768, 128
N_VOX, PPV, GRID, N_MODS = 64, 128, 4, 2

def _attn(feat, w, b, dims):
    P = feat.shape[0]
    qkv = feat @ w.T + b
    qkv = qkv.reshape(P, 3, dims).transpose(1, 0, 2)
    q, k, v = qkv[0], qkv[1], qkv[2]
    attn = jax.nn.softmax((q @ k.T) / np.sqrt(dims), axis=-1)
    return attn @ v

def setup_inputs(seed: int = 0):
    key = jax.random.key(seed)
    ks = jax.random.split(key, 8)
    inputs = jax.random.normal(ks[0], (BATCH, POINTS, DIMS), dtype=jnp.float32)
    coordinates = jax.random.uniform(ks[1], (BATCH, POINTS, 3), dtype=jnp.float32)
    groups = jax.random.randint(ks[2], (BATCH, N_VOX, PPV), 0, POINTS, dtype=jnp.int32)
    effective_groups = jax.random.randint(ks[3], (BATCH, N_VOX), 0, N_VOX, dtype=jnp.int32)
    qkv_w = jax.random.normal(ks[4], (N_MODS, 3 * DIMS, DIMS), dtype=jnp.float32) * 0.02
    qkv_b = jnp.zeros((N_MODS, 3 * DIMS), dtype=jnp.float32)
    trans_w = jax.random.normal(ks[5], (DIMS, DIMS * (N_MODS + 1)), dtype=jnp.float32) * 0.02
    trans_b = jnp.zeros((DIMS,), dtype=jnp.float32)
    ln_g = jnp.ones((DIMS,), dtype=jnp.float32)
    ln_b = jnp.zeros((DIMS,), dtype=jnp.float32)
    return {"inputs": inputs, "coordinates": coordinates, "groups": groups, "effective_groups": effective_groups, "qkv_w": qkv_w, "qkv_b": qkv_b, "trans_w": trans_w, "trans_b": trans_b, "ln_g": ln_g, "ln_b": ln_b}

def reference(inputs, coordinates, groups, effective_groups, qkv_w, qkv_b, trans_w, trans_b, ln_g, ln_b):
    batch, points_num, dims = inputs.shape
    outs, rets = [], []
    for th in range(batch):
        features = inputs[th]
        output = jnp.zeros((GRID, GRID, GRID, dims), dtype=inputs.dtype)
        for_ret = jnp.zeros((points_num, dims), dtype=inputs.dtype)

        def body(carry, i):
            output, for_ret = carry
            voxel = groups[th, i]
            vf = features[voxel]
            x = vf
            for l in range(qkv_w.shape[0]):
                vf = _attn(vf, qkv_w[l], qkv_b[l], dims)
                x = jnp.concatenate([x, vf], axis=-1)
            y = x @ trans_w.T + trans_b
            mu = y.mean(-1, keepdims=True)
            var = ((y - mu) ** 2).mean(-1, keepdims=True)
            y = (y - mu) / jnp.sqrt(var + 1e-5) * ln_g + ln_b
            y = jax.nn.relu(y)
            y = jnp.max(y, axis=0)
            m, n, t = i // (GRID * GRID), (i // GRID) % GRID, i % GRID
            output = output.at[t, n, m, :].set(y)
            for_ret = for_ret.at[voxel].set(jnp.broadcast_to(y, (voxel.shape[0], dims)))
            return (output, for_ret), None

        (output, for_ret), _ = jax.lax.scan(body, (output, for_ret), effective_groups[th])
        outs.append(output)
        rets.append(for_ret)
    return (jnp.stack(outs, 0).reshape(batch, -1, dims), jnp.stack(rets, 0))

if __name__ == "__main__":
    import jax
    _d = setup_inputs()
    print(jax.jit(kernel)(*tuple(_d.values())))

</pallas_src>

<mosaic_0001>
#map = affine_map<(d0, d1) -> (0)>
#map1 = affine_map<(d0, d1) -> (0, 0)>
module attributes {stable_mosaic.version = 14 : i64} {
  func.func @_routing_kernel(%arg0: i32, %arg1: i32, %arg2: memref<256xi32, #tpu.memory_space<hbm>>, %arg3: memref<32768xi32, #tpu.memory_space<hbm>>, %arg4: memref<131072x128xf32, #tpu.memory_space<hbm>>, %arg5: memref<131072xi32, #tpu.memory_space<hbm>>, %arg6: memref<256xi32, #tpu.memory_space<hbm>>, %arg7: memref<32768x128xf32, #tpu.memory_space<hbm>>, %arg8: memref<64xi32, #tpu.memory_space<vmem>>, %arg9: memref<8192xi32, #tpu.memory_space<vmem>>, %arg10: memref<64xi32, #tpu.memory_space<vmem>>, %arg11: memref<4096xi32, #tpu.memory_space<vmem>>, %arg12: memref<64xi32, #tpu.memory_space<vmem>>, %arg13: memref<8x128xi32, #tpu.memory_space<vmem>>, %arg14: memref<4x128x128xf32, #tpu.memory_space<vmem>>, %arg15: memref<!tpu.dma_semaphore, #tpu.memory_space<semaphore_mem>>, %arg16: memref<!tpu.dma_semaphore, #tpu.memory_space<semaphore_mem>>, %arg17: memref<!tpu.dma_semaphore, #tpu.memory_space<semaphore_mem>>, %arg18: memref<!tpu.dma_semaphore, #tpu.memory_space<semaphore_mem>>, %arg19: memref<!tpu.dma_semaphore, #tpu.memory_space<semaphore_mem>>, %arg20: memref<!tpu.dma_semaphore, #tpu.memory_space<semaphore_mem>>, %arg21: memref<!tpu.dma_semaphore, #tpu.memory_space<semaphore_mem>>, %arg22: memref<!tpu.dma_semaphore, #tpu.memory_space<semaphore_mem>>) attributes {dimension_semantics = [#tpu.dimension_semantics<core_parallel>, #tpu.dimension_semantics<subcore_parallel>], iteration_bounds = array<i64: 2, 16>, scalar_prefetch = 0 : i64, scratch_operands = 15 : i64, tpu.core_type = #tpu.core_type<sc_vector_subcore>, window_params = [{transform_indices = #map}, {transform_indices = #map}, {transform_indices = #map1}, {transform_indices = #map}, {transform_indices = #map}, {transform_indices = #map1}]} {
    %mul3A = arith.constant 2 : i32
    %mul3A_0 = arith.muli %arg1, %mul3A : i32
    %add3A = arith.addi %mul3A_0, %arg0 : i32
    %jit3A = arith.constant 8 : i32
    %div3A = arith.divsi %add3A, %jit3A : i32
    %sign3A = arith.constant 0 : i32
    %sign3A_1 = arith.cmpi sgt, %add3A, %sign3A : i32
    %sign3A_2 = arith.extui %sign3A_1 : i1 to i32
    %sign3A_3 = arith.constant 0 : i32
    %sign3A_4 = arith.cmpi slt, %add3A, %sign3A_3 : i32
    %sign3A_5 = arith.extui %sign3A_4 : i1 to i32
    %sign3A_6 = arith.subi %sign3A_2, %sign3A_5 : i32
    %sign3A_7 = arith.constant 0 : i32
    %sign3A_8 = arith.cmpi sgt, %jit3A, %sign3A_7 : i32
    %sign3A_9 = arith.extui %sign3A_8 : i1 to i32
    %sign3A_10 = arith.constant 0 : i32
    %sign3A_11 = arith.cmpi slt, %jit3A, %sign3A_10 : i32
    %sign3A_12 = arith.extui %sign3A_11 : i1 to i32
    %sign3A_13 = arith.subi %sign3A_9, %sign3A_12 : i32
    %ne3A = arith.cmpi ne, %sign3A_6, %sign3A_13 : i32
    %rem3A = arith.remsi %add3A, %jit3A : i32
    %ne3A_14 = arith.constant 0 : i32
    %ne3A_15 = arith.cmpi ne, %rem3A, %ne3A_14 : i32
    %and3A = arith.andi %ne3A, %ne3A_15 : i1
    %sub3A = arith.constant 1 : i32
    %sub3A_16 = arith.subi %div3A, %sub3A : i32
    %select_n3A = arith.select %and3A, %sub3A_16, %div3A : i32
    %jit3A_17 = arith.constant 8 : i32
    %eq3A = arith.constant 0 : i32
    %eq3A_18 = arith.cmpi eq, %jit3A_17, %eq3A : i32
    %jit3A_19 = arith.constant 1 : i32
    %select_n3A_20 = arith.select %eq3A_18, %jit3A_19, %jit3A_17 : i32
    %rem3A_21 = arith.remsi %add3A, %select_n3A_20 : i32
    %ne3A_22 = arith.constant 0 : i32
    %ne3A_23 = arith.cmpi ne, %rem3A_21, %ne3A_22 : i32
    %lt3A = arith.constant 0 : i32
    %lt3A_24 = arith.cmpi slt, %rem3A_21, %lt3A : i32
    %lt3A_25 = arith.constant 0 : i32
    %lt3A_26 = arith.cmpi slt, %select_n3A_20, %lt3A_25 : i32
    %ne3A_27 = arith.xori %lt3A_24, %lt3A_26 : i1
    %and3A_28 = arith.andi %ne3A_27, %ne3A_23 : i1
    %add3A_29 = arith.addi %rem3A_21, %select_n3A_20 : i32
    %select_n3A_30 = arith.select %and3A_28, %add3A_29, %rem3A_21 : i32
    %mul3A_31 = arith.constant 4096 : i32
    %mul3A_32 = arith.muli %select_n3A_30, %mul3A_31 : i32
    %iota3A = tpu.iota {dimensions = array<i32: 0>} : vector<16xi32>
    %jit3A_33 = arith.constant 8 : i32
    %div3A_34 = arith.divsi %add3A, %jit3A_33 : i32
    %sign3A_35 = arith.constant 0 : i32
    %sign3A_36 = arith.cmpi sgt, %add3A, %sign3A_35 : i32
    %sign3A_37 = arith.extui %sign3A_36 : i1 to i32
    %sign3A_38 = arith.constant 0 : i32
    %sign3A_39 = arith.cmpi slt, %add3A, %sign3A_38 : i32
    %sign3A_40 = arith.extui %sign3A_39 : i1 to i32
    %sign3A_41 = arith.subi %sign3A_37, %sign3A_40 : i32
    %sign3A_42 = arith.constant 0 : i32
    %sign3A_43 = arith.cmpi sgt, %jit3A_33, %sign3A_42 : i32
    %sign3A_44 = arith.extui %sign3A_43 : i1 to i32
    %sign3A_45 = arith.constant 0 : i32
    %sign3A_46 = arith.cmpi slt, %jit3A_33, %sign3A_45 : i32
    %sign3A_47 = arith.extui %sign3A_46 : i1 to i32
    %sign3A_48 = arith.subi %sign3A_44, %sign3A_47 : i32
    %ne3A_49 = arith.cmpi ne, %sign3A_41, %sign3A_48 : i32
    %rem3A_50 = arith.remsi %add3A, %jit3A_33 : i32
    %ne3A_51 = arith.constant 0 : i32
    %ne3A_52 = arith.cmpi ne, %rem3A_50, %ne3A_51 : i32
    %and3A_53 = arith.andi %ne3A_49, %ne3A_52 : i1
    %sub3A_54 = arith.constant 1 : i32
    %sub3A_55 = arith.subi %div3A_34, %sub3A_54 : i32
    %select_n3A_56 = arith.select %and3A_53, %sub3A_55, %div3A_34 : i32
    %mul3A_57 = arith.constant 8 : i32
    %mul3A_58 = arith.muli %add3A, %mul3A_57 : i32
    %add3A_59 = arith.constant 0 : i32
    %add3A_60 = arith.addi %mul3A_58, %add3A_59 : i32
    %mul3A_61 = arith.constant 128 : i32
    %mul3A_62 = arith.muli %add3A_60, %mul3A_61 : i32
    %run_scoped3A = arith.constant 0 : i32
    "tpu.region"() ({
      %run_scoped3A_1366 = tpu.sem_alloc : memref<!tpu.dma_semaphore, #tpu.memory_space<semaphore_mem>>
      %dma_start3A_1367 = arith.constant 0 : i32
      %dma_start3A_1368 = tpu.memref_slice %arg13[%run_scoped3A, %dma_start3A_1367] : memref<8x128xi32, #tpu.memory_space<vmem>> -> memref<1x128xi32, #tpu.memory_space<vmem>>
      %dma_start3A_1369 = tpu.memref_squeeze %dma_start3A_1368 : memref<1x128xi32, #tpu.memory_space<vmem>> -> memref<128xi32, #tpu.memory_space<vmem>>
      %dma_start3A_1370 = tpu.memref_slice %arg3[%mul3A_62] : memref<32768xi32, #tpu.memory_space<hbm>> -> memref<128xi32, #tpu.memory_space<hbm>>
      %dma_start3A_1371 = arith.constant 0 : i32
      %dma_start3A_1372 = tpu.memref_slice %arg13[%run_scoped3A, %dma_start3A_1371] : memref<8x128xi32, #tpu.memory_space<vmem>> -> memref<1x128xi32, #tpu.memory_space<vmem>>
      %dma_start3A_1373 = tpu.memref_squeeze %dma_start3A_1372 : memref<1x128xi32, #tpu.memory_space<vmem>> -> memref<128xi32, #tpu.memory_space<vmem>>
      %dma_start3A_1374 = tpu.memref_slice %arg3[%mul3A_62] : memref<32768xi32, #tpu.memory_space<hbm>> -> memref<128xi32, #tpu.memory_space<hbm>>
      tpu.enqueue_dma source(%dma_start3A_1374 : memref<128xi32, #tpu.memory_space<hbm>>) target(%dma_start3A_1373 : memref<128xi32, #tpu.memory_space<vmem>>) target_semaphore(%run_scoped3A_1366 : memref<!tpu.dma_semaphore, #tpu.memory_space<semaphore_mem>>)
      %dma_wait3A_1375 = arith.constant 0 : i32
      %dma_wait3A_1376 = tpu.memref_slice %arg13[%run_scoped3A, %dma_wait3A_1375] : memref<8x128xi32, #tpu.memory_space<vmem>> -> memref<1x128xi32, #tpu.memory_space<vmem>>
      %dma_wait3A_1377 = tpu.memref_squeeze %dma_wait3A_1376 : memref<1x128xi32, #tpu.memory_space<vmem>> -> memref<128xi32, #tpu.memory_space<vmem>>
      %dma_wait3A_1378 = tpu.memref_slice %arg3[%mul3A_62] : memref<32768xi32, #tpu.memory_space<hbm>> -> memref<128xi32, #tpu.memory_space<hbm>>
      %dma_wait3A_1379 = arith.constant 0 : i32
      %dma_wait3A_1380 = tpu.memref_slice %arg13[%run_scoped3A, %dma_wait3A_1379] : memref<8x128xi32, #tpu.memory_space<vmem>> -> memref<1x128xi32, #tpu.memory_space<vmem>>
      %dma_wait3A_1381 = tpu.memref_squeeze %dma_wait3A_1380 : memref<1x128xi32, #tpu.memory_space<vmem>> -> memref<128xi32, #tpu.memory_space<vmem>>
      %dma_wait3A_1382 = tpu.memref_slice %arg3[%mul3A_62] : memref<32768xi32, #tpu.memory_space<hbm>> -> memref<128xi32, #tpu.memory_space<hbm>>
      tpu.wait_dma2 semaphore(%run_scoped3A_1366 : memref<!tpu.dma_semaphore, #tpu.memory_space<semaphore_mem>>) src(%dma_wait3A_1382 : memref<128xi32, #tpu.memory_space<hbm>>) dst(%dma_wait3A_1381 : memref<128xi32, #tpu.memory_space<vmem>>)
      tpu.yield
    }) : () -> ()
    %get3A = arith.constant 0 : i32
    %get3A_63 = arith.index_cast %get3A : i32 to index
    %get3A_64 = arith.constant 0 : index
    %get3A_65 = tpu.vector_load %arg13[%get3A_63, %get3A_64] {strides = array<i32>} : memref<8x128xi32, #tpu.memory_space<vmem>>, vector<16xi32>,
    %mul3A_66 = arith.constant 32768 : i32
    %mul3A_67 = arith.muli %select_n3A_56, %mul3A_66 : i32
    %add3A_68 = vector.broadcast %mul3A_67 : i32 to vector<16xi32>
    %add3A_69 = arith.addi %get3A_65, %add3A_68 : vector<16xi32>
    %swap3A = arith.constant 0 : i32
    %swap3A_70 = arith.index_cast %swap3A : i32 to index
    %swap3A_71 = arith.constant 0 : index
    %swap3A_72 = tpu.vector_load %arg13[%swap3A_70, %swap3A_71] {strides = array<i32>} : memref<8x128xi32, #tpu.memory_space<vmem>>, vector<16xi32>,
    tpu.vector_store %arg13[%swap3A_70, %swap3A_71], %add3A_69 {strides = array<i32>} : memref<8x128xi32, #tpu.memory_space<vmem>>, vector<16xi32>,
    %get3A_73 = arith.constant 0 : i32
    %get3A_74 = arith.index_cast %get3A_73 : i32 to index
    %get3A_75 = arith.constant 16 : index
    %get3A_76 = tpu.vector_load %arg13[%get3A_74, %get3A_75] {strides = array<i32>} : memref<8x128xi32, #tpu.memory_space<vmem>>, vector<16xi32>,
    %mul3A_77 = arith.constant 32768 : i32
    %mul3A_78 = arith.muli %select_n3A_56, %mul3A_77 : i32
    %add3A_79 = vector.broadcast %mul3A_78 : i32 to vector<16xi32>
    %add3A_80 = arith.addi %get3A_76, %add3A_79 : vector<16xi32>
    %swap3A_81 = arith.constant 0 : i32
    %swap3A_82 = arith.index_cast %swap3A_81 : i32 to index
    %swap3A_83 = arith.constant 16 : index
    %swap3A_84 = tpu.vector_load %arg13[%swap3A_82, %swap3A_83] {strides = array<i32>} : memref<8x128xi32, #tpu.memory_space<vmem>>, vector<16xi32>,
    tpu.vector_store %arg13[%swap3A_82, %swap3A_83], %add3A_80 {strides = array<i32>} : memref<8x128xi32, #tpu.memory_space<vmem>>, vector<16xi32>,
    %get3A_85 = arith.constant 0 : i32
    %get3A_86 = arith.index_cast %get3A_85 : i32 to index
    %get3A_87 = arith.constant 32 : index
    %get3A_88 = tpu.vector_load %arg13[%get3A_86, %get3A_87] {strides = array<i32>} : memref<8x128xi32, #tpu.memory_space<vmem>>, vector<16xi32>,
    %mul3A_89 = arith.constant 32768 : i32
    %mul3A_90 = arith.muli %select_n3A_56, %mul3A_89 : i32
    %add3A_91 = vector.broadcast %mul3A_90 : i32 to vector<16xi32>
    %add3A_92 = arith.addi %get3A_88, %add3A_91 : vector<16xi32>
    %swap3A_93 = arith.constant 0 : i32
    %swap3A_94 = arith.index_cast %swap3A_93 : i32 to index
    %swap3A_95 = arith.constant 32 : index
    %swap3A_96 = tpu.vector_load %arg13[%swap3A_94, %swap3A_95] {strides = array<i32>} : memref<8x128xi32, #tpu.memory_space<vmem>>, vector<16xi32>,
    tpu.vector_store %arg13[%swap3A_94, %swap3A_95], %add3A_92 {strides = array<i32>} : memref<8x128xi32, #tpu.memory_space<vmem>>, vector<16xi32>,
    %get3A_97 = arith.constant 0 : i32
    %get3A_98 = arith.index_cast %get3A_97 : i32 to index
    %get3A_99 = arith.constant 48 : index
    %get3A_100 = tpu.vector_load %arg13[%get3A_98, %get3A_99] {strides = array<i32>} : memref<8x128xi32, #tpu.memory_space<vmem>>, vector<16xi32>,
    %mul3A_101 = arith.constant 32768 : i32
    %mul3A_102 = arith.muli %select_n3A_56, %mul3A_101 : i32
    %add3A_103 = vector.broadcast %mul3A_102 : i32 to vector<16xi32>
    %add3A_104 = arith.addi %get3A_100, %add3A_103 : vector<16xi32>
    %swap3A_105 = arith.constant 0 : i32
    %swap3A_106 = arith.index_cast %swap3A_105 : i32 to index
    %swap3A_107 = arith.constant 48 : index
    %swap3A_108 = tpu.vector_load %arg13[%swap3A_106, %swap3A_107] {strides = array<i32>} : memref<8x128xi32, #tpu.memory_space<vmem>>, vector<16xi32>,
    tpu.vector_store %arg13[%swap3A_106, %swap3A_107], %add3A_104 {strides = array<i32>} : memref<8x128xi32, #tpu.memory_space<vmem>>, vector<16xi32>,
    %get3A_109 = arith.constant 0 : i32
    %get3A_110 = arith.index_cast %get3A_109 : i32 to index
    %get3A_111 = arith.constant 64 : index
    %get3A_112 = tpu.vector_load %arg13[%get3A_110, %get3A_111] {strides = array<i32>} : memref<8x128xi32, #tpu.memory_space<vmem>>, vector<16xi32>,
    %mul3A_113 = arith.constant 32768 : i32
    %mul3A_114 = arith.muli %select_n3A_56, %mul3A_113 : i32
    %add3A_115 = vector.broadcast %mul3A_114 : i32 to vector<16xi32>
    %add3A_116 = arith.addi %get3A_112, %add3A_115 : vector<16xi32>
    %swap3A_117 = arith.constant 0 : i32
    %swap3A_118 = arith.index_cast %swap3A_117 : i32 to index
    %swap3A_119 = arith.constant 64 : index
    %swap3A_120 = tpu.vector_load %arg13[%swap3A_118, %swap3A_119] {strides = array<i32>} : memref<8x128xi32, #tpu.memory_space<vmem>>, vector<16xi32>,
    tpu.vector_store %arg13[%swap3A_118, %swap3A_119], %add3A_116 {strides = array<i32>} : memref<8x128xi32, #tpu.memory_space<vmem>>, vector<16xi32>,
    %get3A_121 = arith.constant 0 : i32
    %get3A_122 = arith.index_cast %get3A_121 : i32 to index
    %get3A_123 = arith.constant 80 : index
    %get3A_124 = tpu.vector_load %arg13[%get3A_122, %get3A_123] {strides = array<i32>} : memref<8x128xi32, #tpu.memory_space<vmem>>, vector<16xi32>,
    %mul3A_125 = arith.constant 32768 : i32
    %mul3A_126 = arith.muli %select_n3A_56, %mul3A_125 : i32
    %add3A_127 = vector.broadcast %mul3A_126 : i32 to vector<16xi32>
    %add3A_128 = arith.addi %get3A_124, %add3A_127 : vector<16xi32>
    %swap3A_129 = arith.constant 0 : i32
    %swap3A_130 = arith.index_cast %swap3A_129 : i32 to index
    %swap3A_131 = arith.constant 80 : index
    %swap3A_132 = tpu.vector_load %arg13[%swap3A_130, %swap3A_131] {strides = array<i32>} : memref<8x128xi32, #tpu.memory_space<vmem>>, vector<16xi32>,
    tpu.vector_store %arg13[%swap3A_130, %swap3A_131], %add3A_128 {strides = array<i32>} : memref<8x128xi32, #tpu.memory_space<vmem>>, vector<16xi32>,
    %get3A_133 = arith.constant 0 : i32
    %get3A_134 = arith.index_cast %get3A_133 : i32 to index
    %get3A_135 = arith.constant 96 : index
    %get3A_136 = tpu.vector_load %arg13[%get3A_134, %get3A_135] {strides = array<i32>} : memref<8x128xi32, #tpu.memory_space<vmem>>, vector<16xi32>,
    %mul3A_137 = arith.constant 32768 : i32
    %mul3A_138 = arith.muli %select_n3A_56, %mul3A_137 : i32
    %add3A_139 = vector.broadcast %mul3A_138 : i32 to vector<16xi32>
    %add3A_140 = arith.addi %get3A_136, %add3A_139 : vector<16xi32>
    %swap3A_141 = arith.constant 0 : i32
    %swap3A_142 = arith.index_cast %swap3A_141 : i32 to index
    %swap3A_143 = arith.constant 96 : index
    %swap3A_144 = tpu.vector_load %arg13[%swap3A_142, %swap3A_143] {strides = array<i32>} : memref<8x128xi32, #tpu.memory_space<vmem>>, vector<16xi32>,
    tpu.vector_store %arg13[%swap3A_142, %swap3A_143], %add3A_140 {strides = array<i32>} : memref<8x128xi32, #tpu.memory_space<vmem>>, vector<16xi32>,
    %get3A_145 = arith.constant 0 : i32
    %get3A_146 = arith.index_cast %get3A_145 : i32 to index
    %get3A_147 = arith.constant 112 : index
    %get3A_148 = tpu.vector_load %arg13[%get3A_146, %get3A_147] {strides = array<i32>} : memref<8x128xi32, #tpu.memory_space<vmem>>, vector<16xi32>,
    %mul3A_149 = arith.constant 32768 : i32
    %mul3A_150 = arith.muli %select_n3A_56, %mul3A_149 : i32
    %add3A_151 = vector.broadcast %mul3A_150 : i32 to vector<16xi32>
    %add3A_152 = arith.addi %get3A_148, %add3A_151 : vector<16xi32>
    %swap3A_153 = arith.constant 0 : i32
    %swap3A_154 = arith.index_cast %swap3A_153 : i32 to index
    %swap3A_155 = arith.constant 112 : index
    %swap3A_156 = tpu.vector_load %arg13[%swap3A_154, %swap3A_155] {strides = array<i32>} : memref<8x128xi32, #tpu.memory_space<vmem>>, vector<16xi32>,
    tpu.vector_store %arg13[%swap3A_154, %swap3A_155], %add3A_152 {strides = array<i32>} : memref<8x128xi32, #tpu.memory_space<vmem>>, vector<16xi32>,
    %mul3A_157 = arith.constant 8 : i32
    %mul3A_158 = arith.muli %add3A, %mul3A_157 : i32
    %add3A_159 = arith.constant 1 : i32
    %add3A_160 = arith.addi %mul3A_158, %add3A_159 : i32
    %mul3A_161 = arith.constant 128 : i32
    %mul3A_162 = arith.muli %add3A_160, %mul3A_161 : i32
    %run_scoped3A_163 = arith.constant 1 : i32
    "tpu.region"() ({
      %run_scoped3A_1366 = tpu.sem_alloc : memref<!tpu.dma_semaphore, #tpu.memory_space<semaphore_mem>>
      %dma_start3A_1367 = arith.constant 0 : i32
      %dma_start3A_1368 = tpu.memref_slice %arg13[%run_scoped3A_163, %dma_start3A_1367] : memref<8x128xi32, #tpu.memory_space<vmem>> -> memref<1x128xi32, #tpu.memory_space<vmem>>
      %dma_start3A_1369 = tpu.memref_squeeze %dma_start3A_1368 : memref<1x128xi32, #tpu.memory_space<vmem>> -> memref<128xi32, #tpu.memory_space<vmem>>
      %dma_start3A_1370 = tpu.memref_slice %arg3[%mul3A_162] : memref<32768xi32, #tpu.memory_space<hbm>> -> memref<128xi32, #tpu.memory_space<hbm>>
      %dma_start3A_1371 = arith.constant 0 : i32
      %dma_start3A_1372 = tpu.memref_slice %arg13[%run_scoped3A_163, %dma_start3A_1371] : memref<8x128xi32, #tpu.memory_space<vmem>> -> memref<1x128xi32, #tpu.memory_space<vmem>>
      %dma_start3A_1373 = tpu.memref_squeeze %dma_start3A_1372 : memref<1x128xi32, #tpu.memory_space<vmem>> -> memref<128xi32, #tpu.memory_space<vmem>>
      %dma_start3A_1374 = tpu.memref_slice %arg3[%mul3A_162] : memref<32768xi32, #tpu.memory_space<hbm>> -> memref<128xi32, #tpu.memory_space<hbm>>
      tpu.enqueue_dma source(%dma_start3A_1374 : memref<128xi32, #tpu.memory_space<hbm>>) target(%dma_start3A_1373 : memref<128xi32, #tpu.memory_space<vmem>>) target_semaphore(%run_scoped3A_1366 : memref<!tpu.dma_semaphore, #tpu.memory_space<semaphore_mem>>)
      %dma_wait3A_1375 = arith.constant 0 : i32
      %dma_wait3A_1376 = tpu.memref_slice %arg13[%run_scoped3A_163, %dma_wait3A_1375] : memref<8x128xi32, #tpu.memory_space<vmem>> -> memref<1x128xi32, #tpu.memory_space<vmem>>
      %dma_wait3A_1377 = tpu.memref_squeeze %dma_wait3A_1376 : memref<1x128xi32, #tpu.memory_space<vmem>> -> memref<128xi32, #tpu.memory_space<vmem>>
      %dma_wait3A_1378 = tpu.memref_slice %arg3[%mul3A_162] : memref<32768xi32, #tpu.memory_space<hbm>> -> memref<128xi32, #tpu.memory_space<hbm>>
      %dma_wait3A_1379 = arith.constant 0 : i32
      %dma_wait3A_1380 = tpu.memref_slice %arg13[%run_scoped3A_163, %dma_wait3A_1379] : memref<8x128xi32, #tpu.memory_space<vmem>> -> memref<1x128xi32, #tpu.memory_space<vmem>>
      %dma_wait3A_1381 = tpu.memref_squeeze %dma_wait3A_1380 : memref<1x128xi32, #tpu.memory_space<vmem>> -> memref<128xi32, #tpu.memory_space<vmem>>
      %dma_wait3A_1382 = tpu.memref_slice %arg3[%mul3A_162] : memref<32768xi32, #tpu.memory_space<hbm>> -> memref<128xi32, #tpu.memory_space<hbm>>
      tpu.wait_dma2 semaphore(%run_scoped3A_1366 : memref<!tpu.dma_semaphore, #tpu.memory_space<semaphore_mem>>) src(%dma_wait3A_1382 : memref<128xi32, #tpu.memory_space<hbm>>) dst(%dma_wait3A_1381 : memref<128xi32, #tpu.memory_space<vmem>>)
      tpu.yield
    }) : () -> ()
    %get3A_164 = arith.constant 1 : i32
    %get3A_165 = arith.index_cast %get3A_164 : i32 to index
    %get3A_166 = arith.constant 0 : index
    %get3A_167 = tpu.vector_load %arg13[%get3A_165, %get3A_166] {strides = array<i32>} : memref<8x128xi32, #tpu.memory_space<vmem>>, vector<16xi32>,
    %mul3A_168 = arith.constant 32768 : i32
    %mul3A_169 = arith.muli %select_n3A_56, %mul3A_168 : i32
    %add3A_170 = vector.broadcast %mul3A_169 : i32 to vector<16xi32>
    %add3A_171 = arith.addi %get3A_167, %add3A_170 : vector<16xi32>
    %swap3A_172 = arith.constant 1 : i32
    %swap3A_173 = arith.index_cast %swap3A_172 : i32 to index
    %swap3A_174 = arith.constant 0 : index
    %swap3A_175 = tpu.vector_load %arg13[%swap3A_173, %swap3A_174] {strides = array<i32>} : memref<8x128xi32, #tpu.memory_space<vmem>>, vector<16xi32>,
    tpu.vector_store %arg13[%swap3A_173, %swap3A_174], %add3A_171 {strides = array<i32>} : memref<8x128xi32, #tpu.memory_space<vmem>>, vector<16xi32>,
    %get3A_176 = arith.constant 1 : i32
    %get3A_177 = arith.index_cast %get3A_176 : i32 to index
    %get3A_178 = arith.constant 16 : index
    %get3A_179 = tpu.vector_load %arg13[%get3A_177, %get3A_178] {strides = array<i32>} : memref<8x128xi32, #tpu.memory_space<vmem>>, vector<16xi32>,
    %mul3A_180 = arith.constant 32768 : i32
    %mul3A_181 = arith.muli %select_n3A_56, %mul3A_180 : i32
    %add3A_182 = vector.broadcast %mul3A_181 : i32 to vector<16xi32>
    %add3A_183 = arith.addi %get3A_179, %add3A_182 : vector<16xi32>
    %swap3A_184 = arith.constant 1 : i32
    %swap3A_185 = arith.index_cast %swap3A_184 : i32 to index
    %swap3A_186 = arith.constant 16 : index
    %swap3A_187 = tpu.vector_load %arg13[%swap3A_185, %swap3A_186] {strides = array<i32>} : memref<8x128xi32, #tpu.memory_space<vmem>>, vector<16xi32>,
    tpu.vector_store %arg13[%swap3A_185, %swap3A_186], %add3A_183 {strides = array<i32>} : memref<8x128xi32, #tpu.memory_space<vmem>>, vector<16xi32>,
    %get3A_188 = arith.constant 1 : i32
    %get3A_189 = arith.index_cast %get3A_188 : i32 to index
    %get3A_190 = arith.constant 32 : index
    %get3A_191 = tpu.vector_load %arg13[%get3A_189, %get3A_190] {strides = array<i32>} : memref<8x128xi32, #tpu.memory_space<vmem>>, vector<16xi32>,
    %mul3A_192 = arith.constant 32768 : i32
    %mul3A_193 = arith.muli %select_n3A_56, %mul3A_192 : i32
    %add3A_194 = vector.broadcast %mul3A_193 : i32 to vector<16xi32>
    %add3A_195 = arith.addi %get3A_191, %add3A_194 : vector<16xi32>
    %swap3A_196 = arith.constant 1 : i32
    %swap3A_197 = arith.index_cast %swap3A_196 : i32 to index
    %swap3A_198 = arith.constant 32 : index
    %swap3A_199 = tpu.vector_load %arg13[%swap3A_197, %swap3A_198] {strides = array<i32>} : memref<8x128xi32, #tpu.memory_space<vmem>>, vector<16xi32>,
    tpu.vector_store %arg13[%swap3A_197, %swap3A_198], %add3A_195 {strides = array<i32>} : memref<8x128xi32, #tpu.memory_space<vmem>>, vector<16xi32>,
    %get3A_200 = arith.constant 1 : i32
    %get3A_201 = arith.index_cast %get3A_200 : i32 to index
    %get3A_202 = arith.constant 48 : index
    %get3A_203 = tpu.vector_load %arg13[%get3A_201, %get3A_202] {strides = array<i32>} : memref<8x128xi32, #tpu.memory_space<vmem>>, vector<16xi32>,
    %mul3A_204 = arith.constant 32768 : i32
    %mul3A_205 = arith.muli %select_n3A_56, %mul3A_204 : i32
    %add3A_206 = vector.broadcast %mul3A_205 : i32 to vector<16xi32>
    %add3A_207 = arith.addi %get3A_203, %add3A_206 : vector<16xi32>
    %swap3A_208 = arith.constant 1 : i32
    %swap3A_209 = arith.index_cast %swap3A_208 : i32 to index
    %swap3A_210 = arith.constant 48 : index
    %swap3A_211 = tpu.vector_load %arg13[%swap3A_209, %swap3A_210] {strides = array<i32>} : memref<8x128xi32, #tpu.memory_space<vmem>>, vector<16xi32>,
    tpu.vector_store %arg13[%swap3A_209, %swap3A_210], %add3A_207 {strides = array<i32>} : memref<8x128xi32, #tpu.memory_space<vmem>>, vector<16xi32>,
    %get3A_212 = arith.constant 1 : i32
    %get3A_213 = arith.index_cast %get3A_212 : i32 to index
    %get3A_214 = arith.constant 64 : index
    %get3A_215 = tpu.vector_load %arg13[%get3A_213, %get3A_214] {strides = array<i32>} : memref<8x128xi32, #tpu.memory_space<vmem>>, vector<16xi32>,
    %mul3A_216 = arith.constant 32768 : i32
    %mul3A_217 = arith.muli %select_n3A_56, %mul3A_216 : i32
    %add3A_218 = vector.broadcast %mul3A_217 : i32 to vector<16xi32>
    %add3A_219 = arith.addi %get3A_215, %add3A_218 : vector<16xi32>
    %swap3A_220 = arith.constant 1 : i32
    %swap3A_221 = arith.index_cast %swap3A_220 : i32 to index
    %swap3A_222 = arith.constant 64 : index
    %swap3A_223 = tpu.vector_load %arg13[%swap3A_221, %swap3A_222] {strides = array<i32>} : memref<8x128xi32, #tpu.memory_space<vmem>>, vector<16xi32>,
    tpu.vector_store %arg13[%swap3A_221, %swap3A_222], %add3A_219 {strides = array<i32>} : memref<8x128xi32, #tpu.memory_space<vmem>>, vector<16xi32>,
    %get3A_224 = arith.constant 1 : i32
    %get3A_225 = arith.index_cast %get3A_224 : i32 to index
    %get3A_226 = arith.constant 80 : index
    %get3A_227 = tpu.vector_load %arg13[%get3A_225, %get3A_226] {strides = array<i32>} : memref<8x128xi32, #tpu.memory_space<vmem>>, vector<16xi32>,
    %mul3A_228 = arith.constant 32768 : i32
    %mul3A_229 = arith.muli %select_n3A_56, %mul3A_228 : i32
    %add3A_230 = vector.broadcast %mul3A_229 : i32 to vector<16xi32>
    %add3A_231 = arith.addi %get3A_227, %add3A_230 : vector<16xi32>
    %swap3A_232 = arith.constant 1 : i32
    %swap3A_233 = arith.index_cast %swap3A_232 : i32 to index
    %swap3A_234 = arith.constant 80 : index
    %swap3A_235 = tpu.vector_load %arg13[%swap3A_233, %swap3A_234] {strides = array<i32>} : memref<8x128xi32, #tpu.memory_space<vmem>>, vector<16xi32>,
    tpu.vector_store %arg13[%swap3A_233, %swap3A_234], %add3A_231 {strides = array<i32>} : memref<8x128xi32, #tpu.memory_space<vmem>>, vector<16xi32>,
    %get3A_236 = arith.constant 1 : i32
    %get3A_237 = arith.index_cast %get3A_236 : i32 to index
    %get3A_238 = arith.constant 96 : index
    %get3A_239 = tpu.vector_load %arg13[%get3A_237, %get3A_238] {strides = array<i32>} : memref<8x128xi32, #tpu.memory_space<vmem>>, vector<16xi32>,
    %mul3A_240 = arith.constant 32768 : i32
    %mul3A_241 = arith.muli %select_n3A_56, %mul3A_240 : i32
    %add3A_242 = vector.broadcast %mul3A_241 : i32 to vector<16xi32>
    %add3A_243 = arith.addi %get3A_239, %add3A_242 : vector<16xi32>
    %swap3A_244 = arith.constant 1 : i32
    %swap3A_245 = arith.index_cast %swap3A_244 : i32 to index
    %swap3A_246 = arith.constant 96 : index
    %swap3A_247 = tpu.vector_load %arg13[%swap3A_245, %swap3A_246] {strides = array<i32>} : memref<8x128xi32, #tpu.memory_space<vmem>>, vector<16xi32>,
    tpu.vector_store %arg13[%swap3A_245, %swap3A_246], %add3A_243 {strides = array<i32>} : memref<8x128xi32, #tpu.memory_space<vmem>>, vector<16xi32>,
    %get3A_248 = arith.constant 1 : i32
    %get3A_249 = arith.index_cast %get3A_248 : i32 to index
    %get3A_250 = arith.constant 112 : index
    %get3A_251 = tpu.vector_load %arg13[%get3A_249, %get3A_250] {strides = array<i32>} : memref<8x128xi32, #tpu.memory_space<vmem>>, vector<16xi32>,
    %mul3A_252 = arith.constant 32768 : i32
    %mul3A_253 = arith.muli %select_n3A_56, %mul3A_252 : i32
    %add3A_254 = vector.broadcast %mul3A_253 : i32 to vector<16xi32>
    %add3A_255 = arith.addi %get3A_251, %add3A_254 : vector<16xi32>
    %swap3A_256 = arith.constant 1 : i32
    %swap3A_257 = arith.index_cast %swap3A_256 : i32 to index
    %swap3A_258 = arith.constant 112 : index
    %swap3A_259 = tpu.vector_load %arg13[%swap3A_257, %swap3A_258] {strides = array<i32>} : memref<8x128xi32, #tpu.memory_space<vmem>>, vector<16xi32>,
    tpu.vector_store %arg13[%swap3A_257, %swap3A_258], %add3A_255 {strides = array<i32>} : memref<8x128xi32, #tpu.memory_space<vmem>>, vector<16xi32>,
    %mul3A_260 = arith.constant 8 : i32
    %mul3A_261 = arith.muli %add3A, %mul3A_260 : i32
    %add3A_262 = arith.constant 2 : i32
    %add3A_263 = arith.addi %mul3A_261, %add3A_262 : i32
    %mul3A_264 = arith.constant 128 : i32
    %mul3A_265 = arith.muli %add3A_263, %mul3A_264 : i32
    %run_scoped3A_266 = arith.constant 2 : i32
    "tpu.region"() ({
      %run_scoped3A_1366 = tpu.sem_alloc : memref<!tpu.dma_semaphore, #tpu.memory_space<semaphore_mem>>
      %dma_start3A_1367 = arith.constant 0 : i32
      %dma_start3A_1368 = tpu.memref_slice %arg13[%run_scoped3A_266, %dma_start3A_1367] : memref<8x128xi32, #tpu.memory_space<vmem>> -> memref<1x128xi32, #tpu.memory_space<vmem>>
      %dma_start3A_1369 = tpu.memref_squeeze %dma_start3A_1368 : memref<1x128xi32, #tpu.memory_space<vmem>> -> memref<128xi32, #tpu.memory_space<vmem>>
      %dma_start3A_1370 = tpu.memref_slice %arg3[%mul3A_265] : memref<32768xi32, #tpu.memory_space<hbm>> -> memref<128xi32, #tpu.memory_space<hbm>>
      %dma_start3A_1371 = arith.constant 0 : i32
      %dma_start3A_1372 = tpu.memref_slice %arg13[%run_scoped3A_266, %dma_start3A_1371] : memref<8x128xi32, #tpu.memory_space<vmem>> -> memref<1x128xi32, #tpu.memory_space<vmem>>
      %dma_start3A_1373 = tpu.memref_squeeze %dma_start3A_1372 : memref<1x128xi32, #tpu.memory_space<vmem>> -> memref<128xi32, #tpu.memory_space<vmem>>
      %dma_start3A_1374 = tpu.memref_slice %arg3[%mul3A_265] : memref<32768xi32, #tpu.memory_space<hbm>> -> memref<128xi32, #tpu.memory_space<hbm>>
      tpu.enqueue_dma source(%dma_start3A_1374 : memref<128xi32, #tpu.memory_space<hbm>>) target(%dma_start3A_1373 : memref<128xi32, #tpu.memory_space<vmem>>) target_semaphore(%run_scoped3A_1366 : memref<!tpu.dma_semaphore, #tpu.memory_space<semaphore_mem>>)
      %dma_wait3A_1375 = arith.constant 0 : i32
      %dma_wait3A_1376 = tpu.memref_slice %arg13[%run_scoped3A_266, %dma_wait3A_1375] : memref<8x128xi32, #tpu.memory_space<vmem>> -> memref<1x128xi32, #tpu.memory_space<vmem>>
      %dma_wait3A_1377 = tpu.memref_squeeze %dma_wait3A_1376 : memref<1x128xi32, #tpu.memory_space<vmem>> -> memref<128xi32, #tpu.memory_space<vmem>>
      %dma_wait3A_1378 = tpu.memref_slice %arg3[%mul3A_265] : memref<32768xi32, #tpu.memory_space<hbm>> -> memref<128xi32, #tpu.memory_space<hbm>>
      %dma_wait3A_1379 = arith.constant 0 : i32
      %dma_wait3A_1380 = tpu.memref_slice %arg13[%run_scoped3A_266, %dma_wait3A_1379] : memref<8x128xi32, #tpu.memory_space<vmem>> -> memref<1x128xi32, #tpu.memory_space<vmem>>
      %dma_wait3A_1381 = tpu.memref_squeeze %dma_wait3A_1380 : memref<1x128xi32, #tpu.memory_space<vmem>> -> memref<128xi32, #tpu.memory_space<vmem>>
      %dma_wait3A_1382 = tpu.memref_slice %arg3[%mul3A_265] : memref<32768xi32, #tpu.memory_space<hbm>> -> memref<128xi32, #tpu.memory_space<hbm>>
      tpu.wait_dma2 semaphore(%run_scoped3A_1366 : memref<!tpu.dma_semaphore, #tpu.memory_space<semaphore_mem>>) src(%dma_wait3A_1382 : memref<128xi32, #tpu.memory_space<hbm>>) dst(%dma_wait3A_1381 : memref<128xi32, #tpu.memory_space<vmem>>)
      tpu.yield
    }) : () -> ()
    %get3A_267 = arith.constant 2 : i32
    %get3A_268 = arith.index_cast %get3A_267 : i32 to index
    %get3A_269 = arith.constant 0 : index
    %get3A_270 = tpu.vector_load %arg13[%get3A_268, %get3A_269] {strides = array<i32>} : memref<8x128xi32, #tpu.memory_space<vmem>>, vector<16xi32>,
    %mul3A_271 = arith.constant 32768 : i32
    %mul3A_272 = arith.muli %select_n3A_56, %mul3A_271 : i32
    %add3A_273 = vector.broadcast %mul3A_272 : i32 to vector<16xi32>
    %add3A_274 = arith.addi %get3A_270, %add3A_273 : vector<16xi32>
    %swap3A_275 = arith.constant 2 : i32
    %swap3A_276 = arith.index_cast %swap3A_275 : i32 to index
    %swap3A_277 = arith.constant 0 : index
    %swap3A_278 = tpu.vector_load %arg13[%swap3A_276, %swap3A_277] {strides = array<i32>} : memref<8x128xi32, #tpu.memory_space<vmem>>, vector<16xi32>,
    tpu.vector_store %arg13[%swap3A_276, %swap3A_277], %add3A_274 {strides = array<i32>} : memref<8x128xi32, #tpu.memory_space<vmem>>, vector<16xi32>,
    %get3A_279 = arith.constant 2 : i32
    %get3A_280 = arith.index_cast %get3A_279 : i32 to index
    %get3A_281 = arith.constant 16 : index
    %get3A_282 = tpu.vector_load %arg13[%get3A_280, %get3A_281] {strides = array<i32>} : memref<8x128xi32, #tpu.memory_space<vmem>>, vector<16xi32>,
    %mul3A_283 = arith.constant 32768 : i32
    %mul3A_284 = arith.muli %select_n3A_56, %mul3A_283 : i32
    %add3A_285 = vector.broadcast %mul3A_284 : i32 to vector<16xi32>
    %add3A_286 = arith.addi %get3A_282, %add3A_285 : vector<16xi32>
    %swap3A_287 = arith.constant 2 : i32
    %swap3A_288 = arith.index_cast %swap3A_287 : i32 to index
    %swap3A_289 = arith.constant 16 : index
    %swap3A_290 = tpu.vector_load %arg13[%swap3A_288, %swap3A_289] {strides = array<i32>} : memref<8x128xi32, #tpu.memory_space<vmem>>, vector<16xi32>,
    tpu.vector_store %arg13[%swap3A_288, %swap3A_289], %add3A_286 {strides = array<i32>} : memref<8x128xi32, #tpu.memory_space<vmem>>, vector<16xi32>,
    %get3A_291 = arith.constant 2 : i32
    %get3A_292 = arith.index_cast %get3A_291 : i32 to index
    %get3A_293 = arith.constant 32 : index
    %get3A_294 = tpu.vector_load %arg13[%get3A_292, %get3A_293] {strides = array<i32>} : memref<8x128xi32, #tpu.memory_space<vmem>>, vector<16xi32>,
    %mul3A_295 = arith.constant 32768 : i32
    %mul3A_296 = arith.muli %select_n3A_56, %mul3A_295 : i32
    %add3A_297 = vector.broadcast %mul3A_296 : i32 to vector<16xi32>
    %add3A_298 = arith.addi %get3A_294, %add3A_297 : vector<16xi32>
    %swap3A_299 = arith.constant 2 : i32
    %swap3A_300 = arith.index_cast %swap3A_299 : i32 to index
    %swap3A_301 = arith.constant 32 : index
    %swap3A_302 = tpu.vector_load %arg13[%swap3A_300, %swap3A_301] {strides = array<i32>} : memref<8x128xi32, #tpu.memory_space<vmem>>, vector<16xi32>,
    tpu.vector_store %arg13[%swap3A_300, %swap3A_301], %add3A_298 {strides = array<i32>} : memref<8x128xi32, #tpu.memory_space<vmem>>, vector<16xi32>,
    %get3A_303 = arith.constant 2 : i32
    %get3A_304 = arith.index_cast %get3A_303 : i32 to index
    %get3A_305 = arith.constant 48 : index
    %get3A_306 = tpu.vector_load %arg13[%get3A_304, %get3A_305] {strides = array<i32>} : memref<8x128xi32, #tpu.memory_space<vmem>>, vector<16xi32>,
    %mul3A_307 = arith.constant 32768 : i32
    %mul3A_308 = arith.muli %select_n3A_56, %mul3A_307 : i32
    %add3A_309 = vector.broadcast %mul3A_308 : i32 to vector<16xi32>
    %add3A_310 = arith.addi %get3A_306, %add3A_309 : vector<16xi32>
    %swap3A_311 = arith.constant 2 : i32
    %swap3A_312 = arith.index_cast %swap3A_311 : i32 to index
    %swap3A_313 = arith.constant 48 : index
    %swap3A_314 = tpu.vector_load %arg13[%swap3A_312, %swap3A_313] {strides = array<i32>} : memref<8x128xi32, #tpu.memory_space<vmem>>, vector<16xi32>,
    tpu.vector_store %arg13[%swap3A_312, %swap3A_313], %add3A_310 {strides = array<i32>} : memref<8x128xi32, #tpu.memory_space<vmem>>, vector<16xi32>,
    %get3A_315 = arith.constant 2 : i32
    %get3A_316 = arith.index_cast %get3A_315 : i32 to index
    %get3A_317 = arith.constant 64 : index
    %get3A_318 = tpu.vector_load %arg13[%get3A_316, %get3A_317] {strides = array<i32>} : memref<8x128xi32, #tpu.memory_space<vmem>>, vector<16xi32>,
    %mul3A_319 = arith.constant 32768 : i32
    %mul3A_320 = arith.muli %select_n3A_56, %mul3A_319 : i32
    %add3A_321 = vector.broadcast %mul3A_320 : i32 to vector<16xi32>
    %add3A_322 = arith.addi %get3A_318, %add3A_321 : vector<16xi32>
    %swap3A_323 = arith.constant 2 : i32
    %swap3A_324 = arith.index_cast %swap3A_323 : i32 to index
    %swap3A_325 = arith.constant 64 : index
    %swap3A_326 = tpu.vector_load %arg13[%swap3A_324, %swap3A_325] {strides = array<i32>} : memref<8x128xi32, #tpu.memory_space<vmem>>, vector<16xi32>,
    tpu.vector_store %arg13[%swap3A_324, %swap3A_325], %add3A_322 {strides = array<i32>} : memref<8x128xi32, #tpu.memory_space<vmem>>, vector<16xi32>,
    %get3A_327 = arith.constant 2 : i32
    %get3A_328 = arith.index_cast %get3A_327 : i32 to index
    %get3A_329 = arith.constant 80 : index
    %get3A_330 = tpu.vector_load %arg13[%get3A_328, %get3A_329] {strides = array<i32>} : memref<8x128xi32, #tpu.memory_space<vmem>>, vector<16xi32>,
    %mul3A_331 = arith.constant 32768 : i32
    %mul3A_332 = arith.muli %select_n3A_56, %mul3A_331 : i32
    %add3A_333 = vector.broadcast %mul3A_332 : i32 to vector<16xi32>
    %add3A_334 = arith.addi %get3A_330, %add3A_333 : vector<16xi32>
    %swap3A_335 = arith.constant 2 : i32
    %swap3A_336 = arith.index_cast %swap3A_335 : i32 to index
    %swap3A_337 = arith.constant 80 : index
    %swap3A_338 = tpu.vector_load %arg13[%swap3A_336, %swap3A_337] {strides = array<i32>} : memref<8x128xi32, #tpu.memory_space<vmem>>, vector<16xi32>,
    tpu.vector_store %arg13[%swap3A_336, %swap3A_337], %add3A_334 {strides = array<i32>} : memref<8x128xi32, #tpu.memory_space<vmem>>, vector<16xi32>,
    %get3A_339 = arith.constant 2 : i32
    %get3A_340 = arith.index_cast %get3A_339 : i32 to index
    %get3A_341 = arith.constant 96 : index
    %get3A_342 = tpu.vector_load %arg13[%get3A_340, %get3A_341] {strides = array<i32>} : memref<8x128xi32, #tpu.memory_space<vmem>>, vector<16xi32>,
    %mul3A_343 = arith.constant 32768 : i32
    %mul3A_344 = arith.muli %select_n3A_56, %mul3A_343 : i32
    %add3A_345 = vector.broadcast %mul3A_344 : i32 to vector<16xi32>
    %add3A_346 = arith.addi %get3A_342, %add3A_345 : vector<16xi32>
    %swap3A_347 = arith.constant 2 : i32
    %swap3A_348 = arith.index_cast %swap3A_347 : i32 to index
    %swap3A_349 = arith.constant 96 : index
    %swap3A_350 = tpu.vector_load %arg13[%swap3A_348, %swap3A_349] {strides = array<i32>} : memref<8x128xi32, #tpu.memory_space<vmem>>, vector<16xi32>,
    tpu.vector_store %arg13[%swap3A_348, %swap3A_349], %add3A_346 {strides = array<i32>} : memref<8x128xi32, #tpu.memory_space<vmem>>, vector<16xi32>,
    %get3A_351 = arith.constant 2 : i32
    %get3A_352 = arith.index_cast %get3A_351 : i32 to index
    %get3A_353 = arith.constant 112 : index
    %get3A_354 = tpu.vector_load %arg13[%get3A_352, %get3A_353] {strides = array<i32>} : memref<8x128xi32, #tpu.memory_space<vmem>>, vector<16xi32>,
    %mul3A_355 = arith.constant 32768 : i32
    %mul3A_356 = arith.muli %select_n3A_56, %mul3A_355 : i32
    %add3A_357 = vector.broadcast %mul3A_356 : i32 to vector<16xi32>
    %add3A_358 = arith.addi %get3A_354, %add3A_357 : vector<16xi32>
    %swap3A_359 = arith.constant 2 : i32
    %swap3A_360 = arith.index_cast %swap3A_359 : i32 to index
    %swap3A_361 = arith.constant 112 : index
    %swap3A_362 = tpu.vector_load %arg13[%swap3A_360, %swap3A_361] {strides = array<i32>} : memref<8x128xi32, #tpu.memory_space<vmem>>, vector<16xi32>,
    tpu.vector_store %arg13[%swap3A_360, %swap3A_361], %add3A_358 {strides = array<i32>} : memref<8x128xi32, #tpu.memory_space<vmem>>, vector<16xi32>,
    %mul3A_363 = arith.constant 8 : i32
    %mul3A_364 = arith.muli %add3A, %mul3A_363 : i32
    %add3A_365 = arith.constant 3 : i32
    %add3A_366 = arith.addi %mul3A_364, %add3A_365 : i32
    %mul3A_367 = arith.constant 128 : i32
    %mul3A_368 = arith.muli %add3A_366, %mul3A_367 : i32
    %run_scoped3A_369 = arith.constant 3 : i32
    "tpu.region"() ({
      %run_scoped3A_1366 = tpu.sem_alloc : memref<!tpu.dma_semaphore, #tpu.memory_space<semaphore_mem>>
      %dma_start3A_1367 = arith.constant 0 : i32
      %dma_start3A_1368 = tpu.memref_slice %arg13[%run_scoped3A_369, %dma_start3A_1367] : memref<8x128xi32, #tpu.memory_space<vmem>> -> memref<1x128xi32, #tpu.memory_space<vmem>>
      %dma_start3A_1369 = tpu.memref_squeeze %dma_start3A_1368 : memref<1x128xi32, #tpu.memory_space<vmem>> -> memref<128xi32, #tpu.memory_space<vmem>>
      %dma_start3A_1370 = tpu.memref_slice %arg3[%mul3A_368] : memref<32768xi32, #tpu.memory_space<hbm>> -> memref<128xi32, #tpu.memory_space<hbm>>
      %dma_start3A_1371 = arith.constant 0 : i32
      %dma_start3A_1372 = tpu.memref_slice %arg13[%run_scoped3A_369, %dma_start3A_1371] : memref<8x128xi32, #tpu.memory_space<vmem>> -> memref<1x128xi32, #tpu.memory_space<vmem>>
      %dma_start3A_1373 = tpu.memref_squeeze %dma_start3A_1372 : memref<1x128xi32, #tpu.memory_space<vmem>> -> memref<128xi32, #tpu.memory_space<vmem>>
      %dma_start3A_1374 = tpu.memref_slice %arg3[%mul3A_368] : memref<32768xi32, #tpu.memory_space<hbm>> -> memref<128xi32, #tpu.memory_space<hbm>>
      tpu.enqueue_dma source(%dma_start3A_1374 : memref<128xi32, #tpu.memory_space<hbm>>) target(%dma_start3A_1373 : memref<128xi32, #tpu.memory_space<vmem>>) target_semaphore(%run_scoped3A_1366 : memref<!tpu.dma_semaphore, #tpu.memory_space<semaphore_mem>>)
      %dma_wait3A_1375 = arith.constant 0 : i32
      %dma_wait3A_1376 = tpu.memref_slice %arg13[%run_scoped3A_369, %dma_wait3A_1375] : memref<8x128xi32, #tpu.memory_space<vmem>> -> memref<1x128xi32, #tpu.memory_space<vmem>>
      %dma_wait3A_1377 = tpu.memref_squeeze %dma_wait3A_1376 : memref<1x128xi32, #tpu.memory_space<vmem>> -> memref<128xi32, #tpu.memory_space<vmem>>
      %dma_wait3A_1378 = tpu.memref_slice %arg3[%mul3A_368] : memref<32768xi32, #tpu.memory_space<hbm>> -> memref<128xi32, #tpu.memory_space<hbm>>
      %dma_wait3A_1379 = arith.constant 0 : i32
      %dma_wait3A_1380 = tpu.memref_slice %arg13[%run_scoped3A_369, %dma_wait3A_1379] : memref<8x128xi32, #tpu.memory_space<vmem>> -> memref<1x128xi32, #tpu.memory_space<vmem>>
      %dma_wait3A_1381 = tpu.memref_squeeze %dma_wait3A_1380 : memref<1x128xi32, #tpu.memory_space<vmem>> -> memref<128xi32, #tpu.memory_space<vmem>>
      %dma_wait3A_1382 = tpu.memref_slice %arg3[%mul3A_368] : memref<32768xi32, #tpu.memory_space<hbm>> -> memref<128xi32, #tpu.memory_space<hbm>>
      tpu.wait_dma2 semaphore(%run_scoped3A_1366 : memref<!tpu.dma_semaphore, #tpu.memory_space<semaphore_mem>>) src(%dma_wait3A_1382 : memref<128xi32, #tpu.memory_space<hbm>>) dst(%dma_wait3A_1381 : memref<128xi32, #tpu.memory_space<vmem>>)
      tpu.yield
    }) : () -> ()
    %get3A_370 = arith.constant 3 : i32
    %get3A_371 = arith.index_cast %get3A_370 : i32 to index
    %get3A_372 = arith.constant 0 : index
    %get3A_373 = tpu.vector_load %arg13[%get3A_371, %get3A_372] {strides = array<i32>} : memref<8x128xi32, #tpu.memory_space<vmem>>, vector<16xi32>,
    %mul3A_374 = arith.constant 32768 : i32
    %mul3A_375 = arith.muli %select_n3A_56, %mul3A_374 : i32
    %add3A_376 = vector.broadcast %mul3A_375 : i32 to vector<16xi32>
    %add3A_377 = arith.addi %get3A_373, %add3A_376 : vector<16xi32>
    %swap3A_378 = arith.constant 3 : i32
    %swap3A_379 = arith.index_cast %swap3A_378 : i32 to index
    %swap3A_380 = arith.constant 0 : index
    %swap3A_381 = tpu.vector_load %arg13[%swap3A_379, %swap3A_380] {strides = array<i32>} : memref<8x128xi32, #tpu.memory_space<vmem>>, vector<16xi32>,
    tpu.vector_store %arg13[%swap3A_379, %swap3A_380], %add3A_377 {strides = array<i32>} : memref<8x128xi32, #tpu.memory_space<vmem>>, vector<16xi32>,
    %get3A_382 = arith.constant 3 : i32
    %get3A_383 = arith.index_cast %get3A_382 : i32 to index
    %get3A_384 = arith.constant 16 : index
    %get3A_385 = tpu.vector_load %arg13[%get3A_383, %get3A_384] {strides = array<i32>} : memref<8x128xi32, #tpu.memory_space<vmem>>, vector<16xi32>,
    %mul3A_386 = arith.constant 32768 : i32
    %mul3A_387 = arith.muli %select_n3A_56, %mul3A_386 : i32
    %add3A_388 = vector.broadcast %mul3A_387 : i32 to vector<16xi32>
    %add3A_389 = arith.addi %get3A_385, %add3A_388 : vector<16xi32>
    %swap3A_390 = arith.constant 3 : i32
    %swap3A_391 = arith.index_cast %swap3A_390 : i32 to index
    %swap3A_392 = arith.constant 16 : index
    %swap3A_393 = tpu.vector_load %arg13[%swap3A_391, %swap3A_392] {strides = array<i32>} : memref<8x128xi32, #tpu.memory_space<vmem>>, vector<16xi32>,
    tpu.vector_store %arg13[%swap3A_391, %swap3A_392], %add3A_389 {strides = array<i32>} : memref<8x128xi32, #tpu.memory_space<vmem>>, vector<16xi32>,
    %get3A_394 = arith.constant 3 : i32
    %get3A_395 = arith.index_cast %get3A_394 : i32 to index
    %get3A_396 = arith.constant 32 : index
    %get3A_397 = tpu.vector_load %arg13[%get3A_395, %get3A_396] {strides = array<i32>} : memref<8x128xi32, #tpu.memory_space<vmem>>, vector<16xi32>,
    %mul3A_398 = arith.constant 32768 : i32
    %mul3A_399 = arith.muli %select_n3A_56, %mul3A_398 : i32
    %add3A_400 = vector.broadcast %mul3A_399 : i32 to vector<16xi32>
    %add3A_401 = arith.addi %get3A_397, %add3A_400 : vector<16xi32>
    %swap3A_402 = arith.constant 3 : i32
    %swap3A_403 = arith.index_cast %swap3A_402 : i32 to index
    %swap3A_404 = arith.constant 32 : index
    %swap3A_405 = tpu.vector_load %arg13[%swap3A_403, %swap3A_404] {strides = array<i32>} : memref<8x128xi32, #tpu.memory_space<vmem>>, vector<16xi32>,
    tpu.vector_store %arg13[%swap3A_403, %swap3A_404], %add3A_401 {strides = array<i32>} : memref<8x128xi32, #tpu.memory_space<vmem>>, vector<16xi32>,
    %get3A_406 = arith.constant 3 : i32
    %get3A_407 = arith.index_cast %get3A_406 : i32 to index
    %get3A_408 = arith.constant 48 : index
    %get3A_409 = tpu.vector_load %arg13[%get3A_407, %get3A_408] {strides = array<i32>} : memref<8x128xi32, #tpu.memory_space<vmem>>, vector<16xi32>,
    %mul3A_410 = arith.constant 32768 : i32
    %mul3A_411 = arith.muli %select_n3A_56, %mul3A_410 : i32
    %add3A_412 = vector.broadcast %mul3A_411 : i32 to vector<16xi32>
    %add3A_413 = arith.addi %get3A_409, %add3A_412 : vector<16xi32>
    %swap3A_414 = arith.constant 3 : i32
    %swap3A_415 = arith.index_cast %swap3A_414 : i32 to index
    %swap3A_416 = arith.constant 48 : index
    %swap3A_417 = tpu.vector_load %arg13[%swap3A_415, %swap3A_416] {strides = array<i32>} : memref<8x128xi32, #tpu.memory_space<vmem>>, vector<16xi32>,
    tpu.vector_store %arg13[%swap3A_415, %swap3A_416], %add3A_413 {strides = array<i32>} : memref<8x128xi32, #tpu.memory_space<vmem>>, vector<16xi32>,
    %get3A_418 = arith.constant 3 : i32
    %get3A_419 = arith.index_cast %get3A_418 : i32 to index
    %get3A_420 = arith.constant 64 : index
    %get3A_421 = tpu.vector_load %arg13[%get3A_419, %get3A_420] {strides = array<i32>} : memref<8x128xi32, #tpu.memory_space<vmem>>, vector<16xi32>,
    %mul3A_422 = arith.constant 32768 : i32
    %mul3A_423 = arith.muli %select_n3A_56, %mul3A_422 : i32
    %add3A_424 = vector.broadcast %mul3A_423 : i32 to vector<16xi32>
    %add3A_425 = arith.addi %get3A_421, %add3A_424 : vector<16xi32>
    %swap3A_426 = arith.constant 3 : i32
    %swap3A_427 = arith.index_cast %swap3A_426 : i32 to index
    %swap3A_428 = arith.constant 64 : index
    %swap3A_429 = tpu.vector_load %arg13[%swap3A_427, %swap3A_428] {strides = array<i32>} : memref<8x128xi32, #tpu.memory_space<vmem>>, vector<16xi32>,
    tpu.vector_store %arg13[%swap3A_427, %swap3A_428], %add3A_425 {strides = array<i32>} : memref<8x128xi32, #tpu.memory_space<vmem>>, vector<16xi32>,
    %get3A_430 = arith.constant 3 : i32
    %get3A_431 = arith.index_cast %get3A_430 : i32 to index
    %get3A_432 = arith.constant 80 : index
    %get3A_433 = tpu.vector_load %arg13[%get3A_431, %get3A_432] {strides = array<i32>} : memref<8x128xi32, #tpu.memory_space<vmem>>, vector<16xi32>,
    %mul3A_434 = arith.constant 32768 : i32
    %mul3A_435 = arith.muli %select_n3A_56, %mul3A_434 : i32
    %add3A_436 = vector.broadcast %mul3A_435 : i32 to vector<16xi32>
    %add3A_437 = arith.addi %get3A_433, %add3A_436 : vector<16xi32>
    %swap3A_438 = arith.constant 3 : i32
    %swap3A_439 = arith.index_cast %swap3A_438 : i32 to index
    %swap3A_440 = arith.constant 80 : index
    %swap3A_441 = tpu.vector_load %arg13[%swap3A_439, %swap3A_440] {strides = array<i32>} : memref<8x128xi32, #tpu.memory_space<vmem>>, vector<16xi32>,
    tpu.vector_store %arg13[%swap3A_439, %swap3A_440], %add3A_437 {strides = array<i32>} : memref<8x128xi32, #tpu.memory_space<vmem>>, vector<16xi32>,
    %get3A_442 = arith.constant 3 : i32
    %get3A_443 = arith.index_cast %get3A_442 : i32 to index
    %get3A_444 = arith.constant 96 : index
    %get3A_445 = tpu.vector_load %arg13[%get3A_443, %get3A_444] {strides = array<i32>} : memref<8x128xi32, #tpu.memory_space<vmem>>, vector<16xi32>,
    %mul3A_446 = arith.constant 32768 : i32
    %mul3A_447 = arith.muli %select_n3A_56, %mul3A_446 : i32
    %add3A_448 = vector.broadcast %mul3A_447 : i32 to vector<16xi32>
    %add3A_449 = arith.addi %get3A_445, %add3A_448 : vector<16xi32>
    %swap3A_450 = arith.constant 3 : i32
    %swap3A_451 = arith.index_cast %swap3A_450 : i32 to index
    %swap3A_452 = arith.constant 96 : index
    %swap3A_453 = tpu.vector_load %arg13[%swap3A_451, %swap3A_452] {strides = array<i32>} : memref<8x128xi32, #tpu.memory_space<vmem>>, vector<16xi32>,
    tpu.vector_store %arg13[%swap3A_451, %swap3A_452], %add3A_449 {strides = array<i32>} : memref<8x128xi32, #tpu.memory_space<vmem>>, vector<16xi32>,
    %get3A_454 = arith.constant 3 : i32
    %get3A_455 = arith.index_cast %get3A_454 : i32 to index
    %get3A_456 = arith.constant 112 : index
    %get3A_457 = tpu.vector_load %arg13[%get3A_455, %get3A_456] {strides = array<i32>} : memref<8x128xi32, #tpu.memory_space<vmem>>, vector<16xi32>,
    %mul3A_458 = arith.constant 32768 : i32
    %mul3A_459 = arith.muli %select_n3A_56, %mul3A_458 : i32
    %add3A_460 = vector.broadcast %mul3A_459 : i32 to vector<16xi32>
    %add3A_461 = arith.addi %get3A_457, %add3A_460 : vector<16xi32>
    %swap3A_462 = arith.constant 3 : i32
    %swap3A_463 = arith.index_cast %swap3A_462 : i32 to index
    %swap3A_464 = arith.constant 112 : index
    %swap3A_465 = tpu.vector_load %arg13[%swap3A_463, %swap3A_464] {strides = array<i32>} : memref<8x128xi32, #tpu.memory_space<vmem>>, vector<16xi32>,
    tpu.vector_store %arg13[%swap3A_463, %swap3A_464], %add3A_461 {strides = array<i32>} : memref<8x128xi32, #tpu.memory_space<vmem>>, vector<16xi32>,
    %mul3A_466 = arith.constant 8 : i32
    %mul3A_467 = arith.muli %add3A, %mul3A_466 : i32
    %add3A_468 = arith.constant 4 : i32
    %add3A_469 = arith.addi %mul3A_467, %add3A_468 : i32
    %mul3A_470 = arith.constant 128 : i32
    %mul3A_471 = arith.muli %add3A_469, %mul3A_470 : i32
    %run_scoped3A_472 = arith.constant 4 : i32
    "tpu.region"() ({
      %run_scoped3A_1366 = tpu.sem_alloc : memref<!tpu.dma_semaphore, #tpu.memory_space<semaphore_mem>>
      %dma_start3A_1367 = arith.constant 0 : i32
      %dma_start3A_1368 = tpu.memref_slice %arg13[%run_scoped3A_472, %dma_start3A_1367] : memref<8x128xi32, #tpu.memory_space<vmem>> -> memref<1x128xi32, #tpu.memory_space<vmem>>
      %dma_start3A_1369 = tpu.memref_squeeze %dma_start3A_1368 : memref<1x128xi32, #tpu.memory_space<vmem>> -> memref<128xi32, #tpu.memory_space<vmem>>
      %dma_start3A_1370 = tpu.memref_slice %arg3[%mul3A_471] : memref<32768xi32, #tpu.memory_space<hbm>> -> memref<128xi32, #tpu.memory_space<hbm>>
      %dma_start3A_1371 = arith.constant 0 : i32
      %dma_start3A_1372 = tpu.memref_slice %arg13[%run_scoped3A_472, %dma_start3A_1371] : memref<8x128xi32, #tpu.memory_space<vmem>> -> memref<1x128xi32, #tpu.memory_space<vmem>>
      %dma_start3A_1373 = tpu.memref_squeeze %dma_start3A_1372 : memref<1x128xi32, #tpu.memory_space<vmem>> -> memref<128xi32, #tpu.memory_space<vmem>>
      %dma_start3A_1374 = tpu.memref_slice %arg3[%mul3A_471] : memref<32768xi32, #tpu.memory_space<hbm>> -> memref<128xi32, #tpu.memory_space<hbm>>
      tpu.enqueue_dma source(%dma_start3A_1374 : memref<128xi32, #tpu.memory_space<hbm>>) target(%dma_start3A_1373 : memref<128xi32, #tpu.memory_space<vmem>>) target_semaphore(%run_scoped3A_1366 : memref<!tpu.dma_semaphore, #tpu.memory_space<semaphore_mem>>)
      %dma_wait3A_1375 = arith.constant 0 : i32
      %dma_wait3A_1376 = tpu.memref_slice %arg13[%run_scoped3A_472, %dma_wait3A_1375] : memref<8x128xi32, #tpu.memory_space<vmem>> -> memref<1x128xi32, #tpu.memory_space<vmem>>
      %dma_wait3A_1377 = tpu.memref_squeeze %dma_wait3A_1376 : memref<1x128xi32, #tpu.memory_space<vmem>> -> memref<128xi32, #tpu.memory_space<vmem>>
      %dma_wait3A_1378 = tpu.memref_slice %arg3[%mul3A_471] : memref<32768xi32, #tpu.memory_space<hbm>> -> memref<128xi32, #tpu.memory_space<hbm>>
      %dma_wait3A_1379 = arith.constant 0 : i32
      %dma_wait3A_1380 = tpu.memref_slice %arg13[%run_scoped3A_472, %dma_wait3A_1379] : memref<8x128xi32, #tpu.memory_space<vmem>> -> memref<1x128xi32, #tpu.memory_space<vmem>>
      %dma_wait3A_1381 = tpu.memref_squeeze %dma_wait3A_1380 : memref<1x128xi32, #tpu.memory_space<vmem>> -> memref<128xi32, #tpu.memory_space<vmem>>
      %dma_wait3A_1382 = tpu.memref_slice %arg3[%mul3A_471] : memref<32768xi32, #tpu.memory_space<hbm>> -> memref<128xi32, #tpu.memory_space<hbm>>
      tpu.wait_dma2 semaphore(%run_scoped3A_1366 : memref<!tpu.dma_semaphore, #tpu.memory_space<semaphore_mem>>) src(%dma_wait3A_1382 : memref<128xi32, #tpu.memory_space<hbm>>) dst(%dma_wait3A_1381 : memref<128xi32, #tpu.memory_space<vmem>>)
      tpu.yield
    }) : () -> ()
    %get3A_473 = arith.constant 4 : i32
    %get3A_474 = arith.index_cast %get3A_473 : i32 to index
    %get3A_475 = arith.constant 0 : index
    %get3A_476 = tpu.vector_load %arg13[%get3A_474, %get3A_475] {strides = array<i32>} : memref<8x128xi32, #tpu.memory_space<vmem>>, vector<16xi32>,
    %mul3A_477 = arith.constant 32768 : i32
    %mul3A_478 = arith.muli %select_n3A_56, %mul3A_477 : i32
    %add3A_479 = vector.broadcast %mul3A_478 : i32 to vector<16xi32>
    %add3A_480 = arith.addi %get3A_476, %add3A_479 : vector<16xi32>
    %swap3A_481 = arith.constant 4 : i32
    %swap3A_482 = arith.index_cast %swap3A_481 : i32 to index
    %swap3A_483 = arith.constant 0 : index
    %swap3A_484 = tpu.vector_load %arg13[%swap3A_482, %swap3A_483] {strides = array<i32>} : memref<8x128xi32, #tpu.memory_space<vmem>>, vector<16xi32>,
    tpu.vector_store %arg13[%swap3A_482, %swap3A_483], %add3A_480 {strides = array<i32>} : memref<8x128xi32, #tpu.memory_space<vmem>>, vector<16xi32>,
    %get3A_485 = arith.constant 4 : i32
    %get3A_486 = arith.index_cast %get3A_485 : i32 to index
    %get3A_487 = arith.constant 16 : index
    %get3A_488 = tpu.vector_load %arg13[%get3A_486, %get3A_487] {strides = array<i32>} : memref<8x128xi32, #tpu.memory_space<vmem>>, vector<16xi32>,
    %mul3A_489 = arith.constant 32768 : i32
    %mul3A_490 = arith.muli %select_n3A_56, %mul3A_489 : i32
    %add3A_491 = vector.broadcast %mul3A_490 : i32 to vector<16xi32>
    %add3A_492 = arith.addi %get3A_488, %add3A_491 : vector<16xi32>
    %swap3A_493 = arith.constant 4 : i32
    %swap3A_494 = arith.index_cast %swap3A_493 : i32 to index
    %swap3A_495 = arith.constant 16 : index
    %swap3A_496 = tpu.vector_load %arg13[%swap3A_494, %swap3A_495] {strides = array<i32>} : memref<8x128xi32, #tpu.memory_space<vmem>>, vector<16xi32>,
    tpu.vector_store %arg13[%swap3A_494, %swap3A_495], %add3A_492 {strides = array<i32>} : memref<8x128xi32, #tpu.memory_space<vmem>>, vector<16xi32>,
    %get3A_497 = arith.constant 4 : i32
    %get3A_498 = arith.index_cast %get3A_497 : i32 to index
    %get3A_499 = arith.constant 32 : index
    %get3A_500 = tpu.vector_load %arg13[%get3A_498, %get3A_499] {strides = array<i32>} : memref<8x128xi32, #tpu.memory_space<vmem>>, vector<16xi32>,
    %mul3A_501 = arith.constant 32768 : i32
    %mul3A_502 = arith.muli %select_n3A_56, %mul3A_501 : i32
    %add3A_503 = vector.broadcast %mul3A_502 : i32 to vector<16xi32>
    %add3A_504 = arith.addi %get3A_500, %add3A_503 : vector<16xi32>
    %swap3A_505 = arith.constant 4 : i32
    %swap3A_506 = arith.index_cast %swap3A_505 : i32 to index
    %swap3A_507 = arith.constant 32 : index
    %swap3A_508 = tpu.vector_load %arg13[%swap3A_506, %swap3A_507] {strides = array<i32>} : memref<8x128xi32, #tpu.memory_space<vmem>>, vector<16xi32>,
    tpu.vector_store %arg13[%swap3A_506, %swap3A_507], %add3A_504 {strides = array<i32>} : memref<8x128xi32, #tpu.memory_space<vmem>>, vector<16xi32>,
    %get3A_509 = arith.constant 4 : i32
    %get3A_510 = arith.index_cast %get3A_509 : i32 to index
    %get3A_511 = arith.constant 48 : index
    %get3A_512 = tpu.vector_load %arg13[%get3A_510, %get3A_511] {strides = array<i32>} : memref<8x128xi32, #tpu.memory_space<vmem>>, vector<16xi32>,
    %mul3A_513 = arith.constant 32768 : i32
    %mul3A_514 = arith.muli %select_n3A_56, %mul3A_513 : i32
    %add3A_515 = vector.broadcast %mul3A_514 : i32 to vector<16xi32>
    %add3A_516 = arith.addi %get3A_512, %add3A_515 : vector<16xi32>
    %swap3A_517 = arith.constant 4 : i32
    %swap3A_518 = arith.index_cast %swap3A_517 : i32 to index
    %swap3A_519 = arith.constant 48 : index
    %swap3A_520 = tpu.vector_load %arg13[%swap3A_518, %swap3A_519] {strides = array<i32>} : memref<8x128xi32, #tpu.memory_space<vmem>>, vector<16xi32>,
    tpu.vector_store %arg13[%swap3A_518, %swap3A_519], %add3A_516 {strides = array<i32>} : memref<8x128xi32, #tpu.memory_space<vmem>>, vector<16xi32>,
    %get3A_521 = arith.constant 4 : i32
    %get3A_522 = arith.index_cast %get3A_521 : i32 to index
    %get3A_523 = arith.constant 64 : index
    %get3A_524 = tpu.vector_load %arg13[%get3A_522, %get3A_523] {strides = array<i32>} : memref<8x128xi32, #tpu.memory_space<vmem>>, vector<16xi32>,
    %mul3A_525 = arith.constant 32768 : i32
    %mul3A_526 = arith.muli %select_n3A_56, %mul3A_525 : i32
    %add3A_527 = vector.broadcast %mul3A_526 : i32 to vector<16xi32>
    %add3A_528 = arith.addi %get3A_524, %add3A_527 : vector<16xi32>
    %swap3A_529 = arith.constant 4 : i32
    %swap3A_530 = arith.index_cast %swap3A_529 : i32 to index
    %swap3A_531 = arith.constant 64 : index
    %swap3A_532 = tpu.vector_load %arg13[%swap3A_530, %swap3A_531] {strides = array<i32>} : memref<8x128xi32, #tpu.memory_space<vmem>>, vector<16xi32>,
    tpu.vector_store %arg13[%swap3A_530, %swap3A_531], %add3A_528 {strides = array<i32>} : memref<8x128xi32, #tpu.memory_space<vmem>>, vector<16xi32>,
    %get3A_533 = arith.constant 4 : i32
    %get3A_534 = arith.index_cast %get3A_533 : i32 to index
    %get3A_535 = arith.constant 80 : index
    %get3A_536 = tpu.vector_load %arg13[%get3A_534, %get3A_535] {strides = array<i32>} : memref<8x128xi32, #tpu.memory_space<vmem>>, vector<16xi32>,
    %mul3A_537 = arith.constant 32768 : i32
    %mul3A_538 = arith.muli %select_n3A_56, %mul3A_537 : i32
    %add3A_539 = vector.broadcast %mul3A_538 : i32 to vector<16xi32>
    %add3A_540 = arith.addi %get3A_536, %add3A_539 : vector<16xi32>
    %swap3A_541 = arith.constant 4 : i32
    %swap3A_542 = arith.index_cast %swap3A_541 : i32 to index
    %swap3A_543 = arith.constant 80 : index
    %swap3A_544 = tpu.vector_load %arg13[%swap3A_542, %swap3A_543] {strides = array<i32>} : memref<8x128xi32, #tpu.memory_space<vmem>>, vector<16xi32>,
    tpu.vector_store %arg13[%swap3A_542, %swap3A_543], %add3A_540 {strides = array<i32>} : memref<8x128xi32, #tpu.memory_space<vmem>>, vector<16xi32>,
    %get3A_545 = arith.constant 4 : i32
    %get3A_546 = arith.index_cast %get3A_545 : i32 to index
    %get3A_547 = arith.constant 96 : index
    %get3A_548 = tpu.vector_load %arg13[%get3A_546, %get3A_547] {strides = array<i32>} : memref<8x128xi32, #tpu.memory_space<vmem>>, vector<16xi32>,
    %mul3A_549 = arith.constant 32768 : i32
    %mul3A_550 = arith.muli %select_n3A_56, %mul3A_549 : i32
    %add3A_551 = vector.broadcast %mul3A_550 : i32 to vector<16xi32>
    %add3A_552 = arith.addi %get3A_548, %add3A_551 : vector<16xi32>
    %swap3A_553 = arith.constant 4 : i32
    %swap3A_554 = arith.index_cast %swap3A_553 : i32 to index
    %swap3A_555 = arith.constant 96 : index
    %swap3A_556 = tpu.vector_load %arg13[%swap3A_554, %swap3A_555] {strides = array<i32>} : memref<8x128xi32, #tpu.memory_space<vmem>>, vector<16xi32>,
    tpu.vector_store %arg13[%swap3A_554, %swap3A_555], %add3A_552 {strides = array<i32>} : memref<8x128xi32, #tpu.memory_space<vmem>>, vector<16xi32>,
    %get3A_557 = arith.constant 4 : i32
    %get3A_558 = arith.index_cast %get3A_557 : i32 to index
    %get3A_559 = arith.constant 112 : index
    %get3A_560 = tpu.vector_load %arg13[%get3A_558, %get3A_559] {strides = array<i32>} : memref<8x128xi32, #tpu.memory_space<vmem>>, vector<16xi32>,
    %mul3A_561 = arith.constant 32768 : i32
    %mul3A_562 = arith.muli %select_n3A_56, %mul3A_561 : i32
    %add3A_563 = vector.broadcast %mul3A_562 : i32 to vector<16xi32>
    %add3A_564 = arith.addi %get3A_560, %add3A_563 : vector<16xi32>
    %swap3A_565 = arith.constant 4 : i32
    %swap3A_566 = arith.index_cast %swap3A_565 : i32 to index
    %swap3A_567 = arith.constant 112 : index
    %swap3A_568 = tpu.vector_load %arg13[%swap3A_566, %swap3A_567] {strides = array<i32>} : memref<8x128xi32, #tpu.memory_space<vmem>>, vector<16xi32>,
    tpu.vector_store %arg13[%swap3A_566, %swap3A_567], %add3A_564 {strides = array<i32>} : memref<8x128xi32, #tpu.memory_space<vmem>>, vector<16xi32>,
    %mul3A_569 = arith.constant 8 : i32
    %mul3A_570 = arith.muli %add3A, %mul3A_569 : i32
    %add3A_571 = arith.constant 5 : i32
    %add3A_572 = arith.addi %mul3A_570, %add3A_571 : i32
    %mul3A_573 = arith.constant 128 : i32
    %mul3A_574 = arith.muli %add3A_572, %mul3A_573 : i32
    %run_scoped3A_575 = arith.constant 5 : i32
    "tpu.region"() ({
      %run_scoped3A_1366 = tpu.sem_alloc : memref<!tpu.dma_semaphore, #tpu.memory_space<semaphore_mem>>
      %dma_start3A_1367 = arith.constant 0 : i32
      %dma_start3A_1368 = tpu.memref_slice %arg13[%run_scoped3A_575, %dma_start3A_1367] : memref<8x128xi32, #tpu.memory_space<vmem>> -> memref<1x128xi32, #tpu.memory_space<vmem>>
      %dma_start3A_1369 = tpu.memref_squeeze %dma_start3A_1368 : memref<1x128xi32, #tpu.memory_space<vmem>> -> memref<128xi32, #tpu.memory_space<vmem>>
      %dma_start3A_1370 = tpu.memref_slice %arg3[%mul3A_574] : memref<32768xi32, #tpu.memory_space<hbm>> -> memref<128xi32, #tpu.memory_space<hbm>>
      %dma_start3A_1371 = arith.constant 0 : i32
      %dma_start3A_1372 = tpu.memref_slice %arg13[%run_scoped3A_575, %dma_start3A_1371] : memref<8x128xi32, #tpu.memory_space<vmem>> -> memref<1x128xi32, #tpu.memory_space<vmem>>
      %dma_start3A_1373 = tpu.memref_squeeze %dma_start3A_1372 : memref<1x128xi32, #tpu.memory_space<vmem>> -> memref<128xi32, #tpu.memory_space<vmem>>
      %dma_start3A_1374 = tpu.memref_slice %arg3[%mul3A_574] : memref<32768xi32, #tpu.memory_space<hbm>> -> memref<128xi32, #tpu.memory_space<hbm>>
      tpu.enqueue_dma source(%dma_start3A_1374 : memref<128xi32, #tpu.memory_space<hbm>>) target(%dma_start3A_1373 : memref<128xi32, #tpu.memory_space<vmem>>) target_semaphore(%run_scoped3A_1366 : memref<!tpu.dma_semaphore, #tpu.memory_space<semaphore_mem>>)
      %dma_wait3A_1375 = arith.constant 0 : i32
      %dma_wait3A_1376 = tpu.memref_slice %arg13[%run_scoped3A_575, %dma_wait3A_1375] : memref<8x128xi32, #tpu.memory_space<vmem>> -> memref<1x128xi32, #tpu.memory_space<vmem>>
      %dma_wait3A_1377 = tpu.memref_squeeze %dma_wait3A_1376 : memref<1x128xi32, #tpu.memory_space<vmem>> -> memref<128xi32, #tpu.memory_space<vmem>>
      %dma_wait3A_1378 = tpu.memref_slice %arg3[%mul3A_574] : memref<32768xi32, #tpu.memory_space<hbm>> -> memref<128xi32, #tpu.memory_space<hbm>>
      %dma_wait3A_1379 = arith.constant 0 : i32
      %dma_wait3A_1380 = tpu.memref_slice %arg13[%run_scoped3A_575, %dma_wait3A_1379] : memref<8x128xi32, #tpu.memory_space<vmem>> -> memref<1x128xi32, #tpu.memory_space<vmem>>
      %dma_wait3A_1381 = tpu.memref_squeeze %dma_wait3A_1380 : memref<1x128xi32, #tpu.memory_space<vmem>> -> memref<128xi32, #tpu.memory_space<vmem>>
      %dma_wait3A_1382 = tpu.memref_slice %arg3[%mul3A_574] : memref<32768xi32, #tpu.memory_space<hbm>> -> memref<128xi32, #tpu.memory_space<hbm>>
      tpu.wait_dma2 semaphore(%run_scoped3A_1366 : memref<!tpu.dma_semaphore, #tpu.memory_space<semaphore_mem>>) src(%dma_wait3A_1382 : memref<128xi32, #tpu.memory_space<hbm>>) dst(%dma_wait3A_1381 : memref<128xi32, #tpu.memory_space<vmem>>)
      tpu.yield
    }) : () -> ()
    %get3A_576 = arith.constant 5 : i32
    %get3A_577 = arith.index_cast %get3A_576 : i32 to index
    %get3A_578 = arith.constant 0 : index
    %get3A_579 = tpu.vector_load %arg13[%get3A_577, %get3A_578] {strides = array<i32>} : memref<8x128xi32, #tpu.memory_space<vmem>>, vector<16xi32>,
    %mul3A_580 = arith.constant 32768 : i32
    %mul3A_581 = arith.muli %select_n3A_56, %mul3A_580 : i32
    %add3A_582 = vector.broadcast %mul3A_581 : i32 to vector<16xi32>
    %add3A_583 = arith.addi %get3A_579, %add3A_582 : vector<16xi32>
    %swap3A_584 = arith.constant 5 : i32
    %swap3A_585 = arith.index_cast %swap3A_584 : i32 to index
    %swap3A_586 = arith.constant 0 : index
    %swap3A_587 = tpu.vector_load %arg13[%swap3A_585, %swap3A_586] {strides = array<i32>} : memref<8x128xi32, #tpu.memory_space<vmem>>, vector<16xi32>,
    tpu.vector_store %arg13[%swap3A_585, %swap3A_586], %add3A_583 {strides = array<i32>} : memref<8x128xi32, #tpu.memory_space<vmem>>, vector<16xi32>,
    %get3A_588 = arith.constant 5 : i32
    %get3A_589 = arith.index_cast %get3A_588 : i32 to index
    %get3A_590 = arith.constant 16 : index
    %get3A_591 = tpu.vector_load %arg13[%get3A_589, %get3A_590] {strides = array<i32>} : memref<8x128xi32, #tpu.memory_space<vmem>>, vector<16xi32>,
    %mul3A_592 = arith.constant 32768 : i32
    %mul3A_593 = arith.muli %select_n3A_56, %mul3A_592 : i32
    %add3A_594 = vector.broadcast %mul3A_593 : i32 to vector<16xi32>
    %add3A_595 = arith.addi %get3A_591, %add3A_594 : vector<16xi32>
    %swap3A_596 = arith.constant 5 : i32
    %swap3A_597 = arith.index_cast %swap3A_596 : i32 to index
    %swap3A_598 = arith.constant 16 : index
    %swap3A_599 = tpu.vector_load %arg13[%swap3A_597, %swap3A_598] {strides = array<i32>} : memref<8x128xi32, #tpu.memory_space<vmem>>, vector<16xi32>,
    tpu.vector_store %arg13[%swap3A_597, %swap3A_598], %add3A_595 {strides = array<i32>} : memref<8x128xi32, #tpu.memory_space<vmem>>, vector<16xi32>,
    %get3A_600 = arith.constant 5 : i32
    %get3A_601 = arith.index_cast %get3A_600 : i32 to index
    %get3A_602 = arith.constant 32 : index
    %get3A_603 = tpu.vector_load %arg13[%get3A_601, %get3A_602] {strides = array<i32>} : memref<8x128xi32, #tpu.memory_space<vmem>>, vector<16xi32>,
    %mul3A_604 = arith.constant 32768 : i32
    %mul3A_605 = arith.muli %select_n3A_56, %mul3A_604 : i32
    %add3A_606 = vector.broadcast %mul3A_605 : i32 to vector<16xi32>
    %add3A_607 = arith.addi %get3A_603, %add3A_606 : vector<16xi32>
    %swap3A_608 = arith.constant 5 : i32
    %swap3A_609 = arith.index_cast %swap3A_608 : i32 to index
    %swap3A_610 = arith.constant 32 : index
    %swap3A_611 = tpu.vector_load %arg13[%swap3A_609, %swap3A_610] {strides = array<i32>} : memref<8x128xi32, #tpu.memory_space<vmem>>, vector<16xi32>,
    tpu.vector_store %arg13[%swap3A_609, %swap3A_610], %add3A_607 {strides = array<i32>} : memref<8x128xi32, #tpu.memory_space<vmem>>, vector<16xi32>,
    %get3A_612 = arith.constant 5 : i32
    %get3A_613 = arith.index_cast %get3A_612 : i32 to index
    %get3A_614 = arith.constant 48 : index
    %get3A_615 = tpu.vector_load %arg13[%get3A_613, %get3A_614] {strides = array<i32>} : memref<8x128xi32, #tpu.memory_space<vmem>>, vector<16xi32>,
    %mul3A_616 = arith.constant 32768 : i32
    %mul3A_617 = arith.muli %select_n3A_56, %mul3A_616 : i32
    %add3A_618 = vector.broadcast %mul3A_617 : i32 to vector<16xi32>
    %add3A_619 = arith.addi %get3A_615, %add3A_618 : vector<16xi32>
    %swap3A_620 = arith.constant 5 : i32
    %swap3A_621 = arith.index_cast %swap3A_620 : i32 to index
    %swap3A_622 = arith.constant 48 : index
    %swap3A_623 = tpu.vector_load %arg13[%swap3A_621, %swap3A_622] {strides = array<i32>} : memref<8x128xi32, #tpu.memory_space<vmem>>, vector<16xi32>,
    tpu.vector_store %arg13[%swap3A_621, %swap3A_622], %add3A_619 {strides = array<i32>} : memref<8x128xi32, #tpu.memory_space<vmem>>, vector<16xi32>,
    %get3A_624 = arith.constant 5 : i32
    %get3A_625 = arith.index_cast %get3A_624 : i32 to index
    %get3A_626 = arith.constant 64 : index
    %get3A_627 = tpu.vector_load %arg13[%get3A_625, %get3A_626] {strides = array<i32>} : memref<8x128xi32, #tpu.memory_space<vmem>>, vector<16xi32>,
    %mul3A_628 = arith.constant 32768 : i32
    %mul3A_629 = arith.muli %select_n3A_56, %mul3A_628 : i32
    %add3A_630 = vector.broadcast %mul3A_629 : i32 to vector<16xi32>
    %add3A_631 = arith.addi %get3A_627, %add3A_630 : vector<16xi32>
    %swap3A_632 = arith.constant 5 : i32
    %swap3A_633 = arith.index_cast %swap3A_632 : i32 to index
    %swap3A_634 = arith.constant 64 : index
    %swap3A_635 = tpu.vector_load %arg13[%swap3A_633, %swap3A_634] {strides = array<i32>} : memref<8x128xi32, #tpu.memory_space<vmem>>, vector<16xi32>,
    tpu.vector_store %arg13[%swap3A_633, %swap3A_634], %add3A_631 {strides = array<i32>} : memref<8x128xi32, #tpu.memory_space<vmem>>, vector<16xi32>,
    %get3A_636 = arith.constant 5 : i32
    %get3A_637 = arith.index_cast %get3A_636 : i32 to index
    %get3A_638 = arith.constant 80 : index
    %get3A_639 = tpu.vector_load %arg13[%get3A_637, %get3A_638] {strides = array<i32>} : memref<8x128xi32, #tpu.memory_space<vmem>>, vector<16xi32>,
    %mul3A_640 = arith.constant 32768 : i32
    %mul3A_641 = arith.muli %select_n3A_56, %mul3A_640 : i32
    %add3A_642 = vector.broadcast %mul3A_641 : i32 to vector<16xi32>
    %add3A_643 = arith.addi %get3A_639, %add3A_642 : vector<16xi32>
    %swap3A_644 = arith.constant 5 : i32
    %swap3A_645 = arith.index_cast %swap3A_644 : i32 to index
    %swap3A_646 = arith.constant 80 : index
    %swap3A_647 = tpu.vector_load %arg13[%swap3A_645, %swap3A_646] {strides = array<i32>} : memref<8x128xi32, #tpu.memory_space<vmem>>, vector<16xi32>,
    tpu.vector_store %arg13[%swap3A_645, %swap3A_646], %add3A_643 {strides = array<i32>} : memref<8x128xi32, #tpu.memory_space<vmem>>, vector<16xi32>,
    %get3A_648 = arith.constant 5 : i32
    %get3A_649 = arith.index_cast %get3A_648 : i32 to index
    %get3A_650 = arith.constant 96 : index
    %get3A_651 = tpu.vector_load %arg13[%get3A_649, %get3A_650] {strides = array<i32>} : memref<8x128xi32, #tpu.memory_space<vmem>>, vector<16xi32>,
    %mul3A_652 = arith.constant 32768 : i32
    %mul3A_653 = arith.muli %select_n3A_56, %mul3A_652 : i32
    %add3A_654 = vector.broadcast %mul3A_653 : i32 to vector<16xi32>
    %add3A_655 = arith.addi %get3A_651, %add3A_654 : vector<16xi32>
    %swap3A_656 = arith.constant 5 : i32
    %swap3A_657 = arith.index_cast %swap3A_656 : i32 to index
    %swap3A_658 = arith.constant 96 : index
    %swap3A_659 = tpu.vector_load %arg13[%swap3A_657, %swap3A_658] {strides = array<i32>} : memref<8x128xi32, #tpu.memory_space<vmem>>, vector<16xi32>,
    tpu.vector_store %arg13[%swap3A_657, %swap3A_658], %add3A_655 {strides = array<i32>} : memref<8x128xi32, #tpu.memory_space<vmem>>, vector<16xi32>,
    %get3A_660 = arith.constant 5 : i32
    %get3A_661 = arith.index_cast %get3A_660 : i32 to index
    %get3A_662 = arith.constant 112 : index
    %get3A_663 = tpu.vector_load %arg13[%get3A_661, %get3A_662] {strides = array<i32>} : memref<8x128xi32, #tpu.memory_space<vmem>>, vector<16xi32>,
    %mul3A_664 = arith.constant 32768 : i32
    %mul3A_665 = arith.muli %select_n3A_56, %mul3A_664 : i32
    %add3A_666 = vector.broadcast %mul3A_665 : i32 to vector<16xi32>
    %add3A_667 = arith.addi %get3A_663, %add3A_666 : vector<16xi32>
    %swap3A_668 = arith.constant 5 : i32
    %swap3A_669 = arith.index_cast %swap3A_668 : i32 to index
    %swap3A_670 = arith.constant 112 : index
    %swap3A_671 = tpu.vector_load %arg13[%swap3A_669, %swap3A_670] {strides = array<i32>} : memref<8x128xi32, #tpu.memory_space<vmem>>, vector<16xi32>,
    tpu.vector_store %arg13[%swap3A_669, %swap3A_670], %add3A_667 {strides = array<i32>} : memref<8x128xi32, #tpu.memory_space<vmem>>, vector<16xi32>,
    %mul3A_672 = arith.constant 8 : i32
    %mul3A_673 = arith.muli %add3A, %mul3A_672 : i32
    %add3A_674 = arith.constant 6 : i32
    %add3A_675 = arith.addi %mul3A_673, %add3A_674 : i32
    %mul3A_676 = arith.constant 128 : i32
    %mul3A_677 = arith.muli %add3A_675, %mul3A_676 : i32
    %run_scoped3A_678 = arith.constant 6 : i32
    "tpu.region"() ({
      %run_scoped3A_1366 = tpu.sem_alloc : memref<!tpu.dma_semaphore, #tpu.memory_space<semaphore_mem>>
      %dma_start3A_1367 = arith.constant 0 : i32
      %dma_start3A_1368 = tpu.memref_slice %arg13[%run_scoped3A_678, %dma_start3A_1367] : memref<8x128xi32, #tpu.memory_space<vmem>> -> memref<1x128xi32, #tpu.memory_space<vmem>>
      %dma_start3A_1369 = tpu.memref_squeeze %dma_start3A_1368 : memref<1x128xi32, #tpu.memory_space<vmem>> -> memref<128xi32, #tpu.memory_space<vmem>>
      %dma_start3A_1370 = tpu.memref_slice %arg3[%mul3A_677] : memref<32768xi32, #tpu.memory_space<hbm>> -> memref<128xi32, #tpu.memory_space<hbm>>
      %dma_start3A_1371 = arith.constant 0 : i32
      %dma_start3A_1372 = tpu.memref_slice %arg13[%run_scoped3A_678, %dma_start3A_1371] : memref<8x128xi32, #tpu.memory_space<vmem>> -> memref<1x128xi32, #tpu.memory_space<vmem>>
      %dma_start3A_1373 = tpu.memref_squeeze %dma_start3A_1372 : memref<1x128xi32, #tpu.memory_space<vmem>> -> memref<128xi32, #tpu.memory_space<vmem>>
      %dma_start3A_1374 = tpu.memref_slice %arg3[%mul3A_677] : memref<32768xi32, #tpu.memory_space<hbm>> -> memref<128xi32, #tpu.memory_space<hbm>>
      tpu.enqueue_dma source(%dma_start3A_1374 : memref<128xi32, #tpu.memory_space<hbm>>) target(%dma_start3A_1373 : memref<128xi32, #tpu.memory_space<vmem>>) target_semaphore(%run_scoped3A_1366 : memref<!tpu.dma_semaphore, #tpu.memory_space<semaphore_mem>>)
      %dma_wait3A_1375 = arith.constant 0 : i32
      %dma_wait3A_1376 = tpu.memref_slice %arg13[%run_scoped3A_678, %dma_wait3A_1375] : memref<8x128xi32, #tpu.memory_space<vmem>> -> memref<1x128xi32, #tpu.memory_space<vmem>>
      %dma_wait3A_1377 = tpu.memref_squeeze %dma_wait3A_1376 : memref<1x128xi32, #tpu.memory_space<vmem>> -> memref<128xi32, #tpu.memory_space<vmem>>
      %dma_wait3A_1378 = tpu.memref_slice %arg3[%mul3A_677] : memref<32768xi32, #tpu.memory_space<hbm>> -> memref<128xi32, #tpu.memory_space<hbm>>
      %dma_wait3A_1379 = arith.constant 0 : i32
      %dma_wait3A_1380 = tpu.memref_slice %arg13[%run_scoped3A_678, %dma_wait3A_1379] : memref<8x128xi32, #tpu.memory_space<vmem>> -> memref<1x128xi32, #tpu.memory_space<vmem>>
      %dma_wait3A_1381 = tpu.memref_squeeze %dma_wait3A_1380 : memref<1x128xi32, #tpu.memory_space<vmem>> -> memref<128xi32, #tpu.memory_space<vmem>>
      %dma_wait3A_1382 = tpu.memref_slice %arg3[%mul3A_677] : memref<32768xi32, #tpu.memory_space<hbm>> -> memref<128xi32, #tpu.memory_space<hbm>>
      tpu.wait_dma2 semaphore(%run_scoped3A_1366 : memref<!tpu.dma_semaphore, #tpu.memory_space<semaphore_mem>>) src(%dma_wait3A_1382 : memref<128xi32, #tpu.memory_space<hbm>>) dst(%dma_wait3A_1381 : memref<128xi32, #tpu.memory_space<vmem>>)
      tpu.yield
    }) : () -> ()
    %get3A_679 = arith.constant 6 : i32
    %get3A_680 = arith.index_cast %get3A_679 : i32 to index
    %get3A_681 = arith.constant 0 : index
    %get3A_682 = tpu.vector_load %arg13[%get3A_680, %get3A_681] {strides = array<i32>} : memref<8x128xi32, #tpu.memory_space<vmem>>, vector<16xi32>,
    %mul3A_683 = arith.constant 32768 : i32
    %mul3A_684 = arith.muli %select_n3A_56, %mul3A_683 : i32
    %add3A_685 = vector.broadcast %mul3A_684 : i32 to vector<16xi32>
    %add3A_686 = arith.addi %get3A_682, %add3A_685 : vector<16xi32>
    %swap3A_687 = arith.constant 6 : i32
    %swap3A_688 = arith.index_cast %swap3A_687 : i32 to index
    %swap3A_689 = arith.constant 0 : index
    %swap3A_690 = tpu.vector_load %arg13[%swap3A_688, %swap3A_689] {strides = array<i32>} : memref<8x128xi32, #tpu.memory_space<vmem>>, vector<16xi32>,
    tpu.vector_store %arg13[%swap3A_688, %swap3A_689], %add3A_686 {strides = array<i32>} : memref<8x128xi32, #tpu.memory_space<vmem>>, vector<16xi32>,
    %get3A_691 = arith.constant 6 : i32
    %get3A_692 = arith.index_cast %get3A_691 : i32 to index
    %get3A_693 = arith.constant 16 : index
    %get3A_694 = tpu.vector_load %arg13[%get3A_692, %get3A_693] {strides = array<i32>} : memref<8x128xi32, #tpu.memory_space<vmem>>, vector<16xi32>,
    %mul3A_695 = arith.constant 32768 : i32
    %mul3A_696 = arith.muli %select_n3A_56, %mul3A_695 : i32
    %add3A_697 = vector.broadcast %mul3A_696 : i32 to vector<16xi32>
    %add3A_698 = arith.addi %get3A_694, %add3A_697 : vector<16xi32>
    %swap3A_699 = arith.constant 6 : i32
    %swap3A_700 = arith.index_cast %swap3A_699 : i32 to index
    %swap3A_701 = arith.constant 16 : index
    %swap3A_702 = tpu.vector_load %arg13[%swap3A_700, %swap3A_701] {strides = array<i32>} : memref<8x128xi32, #tpu.memory_space<vmem>>, vector<16xi32>,
    tpu.vector_store %arg13[%swap3A_700, %swap3A_701], %add3A_698 {strides = array<i32>} : memref<8x128xi32, #tpu.memory_space<vmem>>, vector<16xi32>,
    %get3A_703 = arith.constant 6 : i32
    %get3A_704 = arith.index_cast %get3A_703 : i32 to index
    %get3A_705 = arith.constant 32 : index
    %get3A_706 = tpu.vector_load %arg13[%get3A_704, %get3A_705] {strides = array<i32>} : memref<8x128xi32, #tpu.memory_space<vmem>>, vector<16xi32>,
    %mul3A_707 = arith.constant 32768 : i32
    %mul3A_708 = arith.muli %select_n3A_56, %mul3A_707 : i32
    %add3A_709 = vector.broadcast %mul3A_708 : i32 to vector<16xi32>
    %add3A_710 = arith.addi %get3A_706, %add3A_709 : vector<16xi32>
    %swap3A_711 = arith.constant 6 : i32
    %swap3A_712 = arith.index_cast %swap3A_711 : i32 to index
    %swap3A_713 = arith.constant 32 : index
    %swap3A_714 = tpu.vector_load %arg13[%swap3A_712, %swap3A_713] {strides = array<i32>} : memref<8x128xi32, #tpu.memory_space<vmem>>, vector<16xi32>,
    tpu.vector_store %arg13[%swap3A_712, %swap3A_713], %add3A_710 {strides = array<i32>} : memref<8x128xi32, #tpu.memory_space<vmem>>, vector<16xi32>,
    %get3A_715 = arith.constant 6 : i32
    %get3A_716 = arith.index_cast %get3A_715 : i32 to index
    %get3A_717 = arith.constant 48 : index
    %get3A_718 = tpu.vector_load %arg13[%get3A_716, %get3A_717] {strides = array<i32>} : memref<8x128xi32, #tpu.memory_space<vmem>>, vector<16xi32>,
    %mul3A_719 = arith.constant 32768 : i32
    %mul3A_720 = arith.muli %select_n3A_56, %mul3A_719 : i32
    %add3A_721 = vector.broadcast %mul3A_720 : i32 to vector<16xi32>
    %add3A_722 = arith.addi %get3A_718, %add3A_721 : vector<16xi32>
    %swap3A_723 = arith.constant 6 : i32
    %swap3A_724 = arith.index_cast %swap3A_723 : i32 to index
    %swap3A_725 = arith.constant 48 : index
    %swap3A_726 = tpu.vector_load %arg13[%swap3A_724, %swap3A_725] {strides = array<i32>} : memref<8x128xi32, #tpu.memory_space<vmem>>, vector<16xi32>,
    tpu.vector_store %arg13[%swap3A_724, %swap3A_725], %add3A_722 {strides = array<i32>} : memref<8x128xi32, #tpu.memory_space<vmem>>, vector<16xi32>,
    %get3A_727 = arith.constant 6 : i32
    %get3A_728 = arith.index_cast %get3A_727 : i32 to index
    %get3A_729 = arith.constant 64 : index
    %get3A_730 = tpu.vector_load %arg13[%get3A_728, %get3A_729] {strides = array<i32>} : memref<8x128xi32, #tpu.memory_space<vmem>>, vector<16xi32>,
    %mul3A_731 = arith.constant 32768 : i32
    %mul3A_732 = arith.muli %select_n3A_56, %mul3A_731 : i32
    %add3A_733 = vector.broadcast %mul3A_732 : i32 to vector<16xi32>
    %add3A_734 = arith.addi %get3A_730, %add3A_733 : vector<16xi32>
    %swap3A_735 = arith.constant 6 : i32
    %swap3A_736 = arith.index_cast %swap3A_735 : i32 to index
    %swap3A_737 = arith.constant 64 : index
    %swap3A_738 = tpu.vector_load %arg13[%swap3A_736, %swap3A_737] {strides = array<i32>} : memref<8x128xi32, #tpu.memory_space<vmem>>, vector<16xi32>,
    tpu.vector_store %arg13[%swap3A_736, %swap3A_737], %add3A_734 {strides = array<i32>} : memref<8x128xi32, #tpu.memory_space<vmem>>, vector<16xi32>,
    %get3A_739 = arith.constant 6 : i32
    %get3A_740 = arith.index_cast %get3A_739 : i32 to index
    %get3A_741 = arith.constant 80 : index
    %get3A_742 = tpu.vector_load %arg13[%get3A_740, %get3A_741] {strides = array<i32>} : memref<8x128xi32, #tpu.memory_space<vmem>>, vector<16xi32>,
    %mul3A_743 = arith.constant 32768 : i32
    %mul3A_744 = arith.muli %select_n3A_56, %mul3A_743 : i32
    %add3A_745 = vector.broadcast %mul3A_744 : i32 to vector<16xi32>
    %add3A_746 = arith.addi %get3A_742, %add3A_745 : vector<16xi32>
    %swap3A_747 = arith.constant 6 : i32
    %swap3A_748 = arith.index_cast %swap3A_747 : i32 to index
    %swap3A_749 = arith.constant 80 : index
    %swap3A_750 = tpu.vector_load %arg13[%swap3A_748, %swap3A_749] {strides = array<i32>} : memref<8x128xi32, #tpu.memory_space<vmem>>, vector<16xi32>,
    tpu.vector_store %arg13[%swap3A_748, %swap3A_749], %add3A_746 {strides = array<i32>} : memref<8x128xi32, #tpu.memory_space<vmem>>, vector<16xi32>,
    %get3A_751 = arith.constant 6 : i32
    %get3A_752 = arith.index_cast %get3A_751 : i32 to index
    %get3A_753 = arith.constant 96 : index
    %get3A_754 = tpu.vector_load %arg13[%get3A_752, %get3A_753] {strides = array<i32>} : memref<8x128xi32, #tpu.memory_space<vmem>>, vector<16xi32>,
    %mul3A_755 = arith.constant 32768 : i32
    %mul3A_756 = arith.muli %select_n3A_56, %mul3A_755 : i32
    %add3A_757 = vector.broadcast %mul3A_756 : i32 to vector<16xi32>
    %add3A_758 = arith.addi %get3A_754, %add3A_757 : vector<16xi32>
    %swap3A_759 = arith.constant 6 : i32
    %swap3A_760 = arith.index_cast %swap3A_759 : i32 to index
    %swap3A_761 = arith.constant 96 : index
    %swap3A_762 = tpu.vector_load %arg13[%swap3A_760, %swap3A_761] {strides = array<i32>} : memref<8x128xi32, #tpu.memory_space<vmem>>, vector<16xi32>,
    tpu.vector_store %arg13[%swap3A_760, %swap3A_761], %add3A_758 {strides = array<i32>} : memref<8x128xi32, #tpu.memory_space<vmem>>, vector<16xi32>,
    %get3A_763 = arith.constant 6 : i32
    %get3A_764 = arith.index_cast %get3A_763 : i32 to index
    %get3A_765 = arith.constant 112 : index
    %get3A_766 = tpu.vector_load %arg13[%get3A_764, %get3A_765] {strides = array<i32>} : memref<8x128xi32, #tpu.memory_space<vmem>>, vector<16xi32>,
    %mul3A_767 = arith.constant 32768 : i32
    %mul3A_768 = arith.muli %select_n3A_56, %mul3A_767 : i32
    %add3A_769 = vector.broadcast %mul3A_768 : i32 to vector<16xi32>
    %add3A_770 = arith.addi %get3A_766, %add3A_769 : vector<16xi32>
    %swap3A_771 = arith.constant 6 : i32
    %swap3A_772 = arith.index_cast %swap3A_771 : i32 to index
    %swap3A_773 = arith.constant 112 : index
    %swap3A_774 = tpu.vector_load %arg13[%swap3A_772, %swap3A_773] {strides = array<i32>} : memref<8x128xi32, #tpu.memory_space<vmem>>, vector<16xi32>,
    tpu.vector_store %arg13[%swap3A_772, %swap3A_773], %add3A_770 {strides = array<i32>} : memref<8x128xi32, #tpu.memory_space<vmem>>, vector<16xi32>,
    %mul3A_775 = arith.constant 8 : i32
    %mul3A_776 = arith.muli %add3A, %mul3A_775 : i32
    %add3A_777 = arith.constant 7 : i32
    %add3A_778 = arith.addi %mul3A_776, %add3A_777 : i32
    %mul3A_779 = arith.constant 128 : i32
    %mul3A_780 = arith.muli %add3A_778, %mul3A_779 : i32
    %run_scoped3A_781 = arith.constant 7 : i32
    "tpu.region"() ({
      %run_scoped3A_1366 = tpu.sem_alloc : memref<!tpu.dma_semaphore, #tpu.memory_space<semaphore_mem>>
      %dma_start3A_1367 = arith.constant 0 : i32
      %dma_start3A_1368 = tpu.memref_slice %arg13[%run_scoped3A_781, %dma_start3A_1367] : memref<8x128xi32, #tpu.memory_space<vmem>> -> memref<1x128xi32, #tpu.memory_space<vmem>>
      %dma_start3A_1369 = tpu.memref_squeeze %dma_start3A_1368 : memref<1x128xi32, #tpu.memory_space<vmem>> -> memref<128xi32, #tpu.memory_space<vmem>>
      %dma_start3A_1370 = tpu.memref_slice %arg3[%mul3A_780] : memref<32768xi32, #tpu.memory_space<hbm>> -> memref<128xi32, #tpu.memory_space<hbm>>
      %dma_start3A_1371 = arith.constant 0 : i32
      %dma_start3A_1372 = tpu.memref_slice %arg13[%run_scoped3A_781, %dma_start3A_1371] : memref<8x128xi32, #tpu.memory_space<vmem>> -> memref<1x128xi32, #tpu.memory_space<vmem>>
      %dma_start3A_1373 = tpu.memref_squeeze %dma_start3A_1372 : memref<1x128xi32, #tpu.memory_space<vmem>> -> memref<128xi32, #tpu.memory_space<vmem>>
      %dma_start3A_1374 = tpu.memref_slice %arg3[%mul3A_780] : memref<32768xi32, #tpu.memory_space<hbm>> -> memref<128xi32, #tpu.memory_space<hbm>>
      tpu.enqueue_dma source(%dma_start3A_1374 : memref<128xi32, #tpu.memory_space<hbm>>) target(%dma_start3A_1373 : memref<128xi32, #tpu.memory_space<vmem>>) target_semaphore(%run_scoped3A_1366 : memref<!tpu.dma_semaphore, #tpu.memory_space<semaphore_mem>>)
      %dma_wait3A_1375 = arith.constant 0 : i32
      %dma_wait3A_1376 = tpu.memref_slice %arg13[%run_scoped3A_781, %dma_wait3A_1375] : memref<8x128xi32, #tpu.memory_space<vmem>> -> memref<1x128xi32, #tpu.memory_space<vmem>>
      %dma_wait3A_1377 = tpu.memref_squeeze %dma_wait3A_1376 : memref<1x128xi32, #tpu.memory_space<vmem>> -> memref<128xi32, #tpu.memory_space<vmem>>
      %dma_wait3A_1378 = tpu.memref_slice %arg3[%mul3A_780] : memref<32768xi32, #tpu.memory_space<hbm>> -> memref<128xi32, #tpu.memory_space<hbm>>
      %dma_wait3A_1379 = arith.constant 0 : i32
      %dma_wait3A_1380 = tpu.memref_slice %arg13[%run_scoped3A_781, %dma_wait3A_1379] : memref<8x128xi32, #tpu.memory_space<vmem>> -> memref<1x128xi32, #tpu.memory_space<vmem>>
      %dma_wait3A_1381 = tpu.memref_squeeze %dma_wait3A_1380 : memref<1x128xi32, #tpu.memory_space<vmem>> -> memref<128xi32, #tpu.memory_space<vmem>>
      %dma_wait3A_1382 = tpu.memref_slice %arg3[%mul3A_780] : memref<32768xi32, #tpu.memory_space<hbm>> -> memref<128xi32, #tpu.memory_space<hbm>>
      tpu.wait_dma2 semaphore(%run_scoped3A_1366 : memref<!tpu.dma_semaphore, #tpu.memory_space<semaphore_mem>>) src(%dma_wait3A_1382 : memref<128xi32, #tpu.memory_space<hbm>>) dst(%dma_wait3A_1381 : memref<128xi32, #tpu.memory_space<vmem>>)
      tpu.yield
    }) : () -> ()
    %get3A_782 = arith.constant 7 : i32
    %get3A_783 = arith.index_cast %get3A_782 : i32 to index
    %get3A_784 = arith.constant 0 : index
    %get3A_785 = tpu.vector_load %arg13[%get3A_783, %get3A_784] {strides = array<i32>} : memref<8x128xi32, #tpu.memory_space<vmem>>, vector<16xi32>,
    %mul3A_786 = arith.constant 32768 : i32
    %mul3A_787 = arith.muli %select_n3A_56, %mul3A_786 : i32
    %add3A_788 = vector.broadcast %mul3A_787 : i32 to vector<16xi32>
    %add3A_789 = arith.addi %get3A_785, %add3A_788 : vector<16xi32>
    %swap3A_790 = arith.constant 7 : i32
    %swap3A_791 = arith.index_cast %swap3A_790 : i32 to index
    %swap3A_792 = arith.constant 0 : index
    %swap3A_793 = tpu.vector_load %arg13[%swap3A_791, %swap3A_792] {strides = array<i32>} : memref<8x128xi32, #tpu.memory_space<vmem>>, vector<16xi32>,
    tpu.vector_store %arg13[%swap3A_791, %swap3A_792], %add3A_789 {strides = array<i32>} : memref<8x128xi32, #tpu.memory_space<vmem>>, vector<16xi32>,
    %get3A_794 = arith.constant 7 : i32
    %get3A_795 = arith.index_cast %get3A_794 : i32 to index
    %get3A_796 = arith.constant 16 : index
    %get3A_797 = tpu.vector_load %arg13[%get3A_795, %get3A_796] {strides = array<i32>} : memref<8x128xi32, #tpu.memory_space<vmem>>, vector<16xi32>,
    %mul3A_798 = arith.constant 32768 : i32
    %mul3A_799 = arith.muli %select_n3A_56, %mul3A_798 : i32
    %add3A_800 = vector.broadcast %mul3A_799 : i32 to vector<16xi32>
    %add3A_801 = arith.addi %get3A_797, %add3A_800 : vector<16xi32>
    %swap3A_802 = arith.constant 7 : i32
    %swap3A_803 = arith.index_cast %swap3A_802 : i32 to index
    %swap3A_804 = arith.constant 16 : index
    %swap3A_805 = tpu.vector_load %arg13[%swap3A_803, %swap3A_804] {strides = array<i32>} : memref<8x128xi32, #tpu.memory_space<vmem>>, vector<16xi32>,
    tpu.vector_store %arg13[%swap3A_803, %swap3A_804], %add3A_801 {strides = array<i32>} : memref<8x128xi32, #tpu.memory_space<vmem>>, vector<16xi32>,
    %get3A_806 = arith.constant 7 : i32
    %get3A_807 = arith.index_cast %get3A_806 : i32 to index
    %get3A_808 = arith.constant 32 : index
    %get3A_809 = tpu.vector_load %arg13[%get3A_807, %get3A_808] {strides = array<i32>} : memref<8x128xi32, #tpu.memory_space<vmem>>, vector<16xi32>,
    %mul3A_810 = arith.constant 32768 : i32
    %mul3A_811 = arith.muli %select_n3A_56, %mul3A_810 : i32
    %add3A_812 = vector.broadcast %mul3A_811 : i32 to vector<16xi32>
    %add3A_813 = arith.addi %get3A_809, %add3A_812 : vector<16xi32>
    %swap3A_814 = arith.constant 7 : i32
    %swap3A_815 = arith.index_cast %swap3A_814 : i32 to index
    %swap3A_816 = arith.constant 32 : index
    %swap3A_817 = tpu.vector_load %arg13[%swap3A_815, %swap3A_816] {strides = array<i32>} : memref<8x128xi32, #tpu.memory_space<vmem>>, vector<16xi32>,
    tpu.vector_store %arg13[%swap3A_815, %swap3A_816], %add3A_813 {strides = array<i32>} : memref<8x128xi32, #tpu.memory_space<vmem>>, vector<16xi32>,
    %get3A_818 = arith.constant 7 : i32
    %get3A_819 = arith.index_cast %get3A_818 : i32 to index
    %get3A_820 = arith.constant 48 : index
    %get3A_821 = tpu.vector_load %arg13[%get3A_819, %get3A_820] {strides = array<i32>} : memref<8x128xi32, #tpu.memory_space<vmem>>, vector<16xi32>,
    %mul3A_822 = arith.constant 32768 : i32
    %mul3A_823 = arith.muli %select_n3A_56, %mul3A_822 : i32
    %add3A_824 = vector.broadcast %mul3A_823 : i32 to vector<16xi32>
    %add3A_825 = arith.addi %get3A_821, %add3A_824 : vector<16xi32>
    %swap3A_826 = arith.constant 7 : i32
    %swap3A_827 = arith.index_cast %swap3A_826 : i32 to index
    %swap3A_828 = arith.constant 48 : index
    %swap3A_829 = tpu.vector_load %arg13[%swap3A_827, %swap3A_828] {strides = array<i32>} : memref<8x128xi32, #tpu.memory_space<vmem>>, vector<16xi32>,
    tpu.vector_store %arg13[%swap3A_827, %swap3A_828], %add3A_825 {strides = array<i32>} : memref<8x128xi32, #tpu.memory_space<vmem>>, vector<16xi32>,
    %get3A_830 = arith.constant 7 : i32
    %get3A_831 = arith.index_cast %get3A_830 : i32 to index
    %get3A_832 = arith.constant 64 : index
    %get3A_833 = tpu.vector_load %arg13[%get3A_831, %get3A_832] {strides = array<i32>} : memref<8x128xi32, #tpu.memory_space<vmem>>, vector<16xi32>,
    %mul3A_834 = arith.constant 32768 : i32
    %mul3A_835 = arith.muli %select_n3A_56, %mul3A_834 : i32
    %add3A_836 = vector.broadcast %mul3A_835 : i32 to vector<16xi32>
    %add3A_837 = arith.addi %get3A_833, %add3A_836 : vector<16xi32>
    %swap3A_838 = arith.constant 7 : i32
    %swap3A_839 = arith.index_cast %swap3A_838 : i32 to index
    %swap3A_840 = arith.constant 64 : index
    %swap3A_841 = tpu.vector_load %arg13[%swap3A_839, %swap3A_840] {strides = array<i32>} : memref<8x128xi32, #tpu.memory_space<vmem>>, vector<16xi32>,
    tpu.vector_store %arg13[%swap3A_839, %swap3A_840], %add3A_837 {strides = array<i32>} : memref<8x128xi32, #tpu.memory_space<vmem>>, vector<16xi32>,
    %get3A_842 = arith.constant 7 : i32
    %get3A_843 = arith.index_cast %get3A_842 : i32 to index
    %get3A_844 = arith.constant 80 : index
    %get3A_845 = tpu.vector_load %arg13[%get3A_843, %get3A_844] {strides = array<i32>} : memref<8x128xi32, #tpu.memory_space<vmem>>, vector<16xi32>,
    %mul3A_846 = arith.constant 32768 : i32
    %mul3A_847 = arith.muli %select_n3A_56, %mul3A_846 : i32
    %add3A_848 = vector.broadcast %mul3A_847 : i32 to vector<16xi32>
    %add3A_849 = arith.addi %get3A_845, %add3A_848 : vector<16xi32>
    %swap3A_850 = arith.constant 7 : i32
    %swap3A_851 = arith.index_cast %swap3A_850 : i32 to index
    %swap3A_852 = arith.constant 80 : index
    %swap3A_853 = tpu.vector_load %arg13[%swap3A_851, %swap3A_852] {strides = array<i32>} : memref<8x128xi32, #tpu.memory_space<vmem>>, vector<16xi32>,
    tpu.vector_store %arg13[%swap3A_851, %swap3A_852], %add3A_849 {strides = array<i32>} : memref<8x128xi32, #tpu.memory_space<vmem>>, vector<16xi32>,
    %get3A_854 = arith.constant 7 : i32
    %get3A_855 = arith.index_cast %get3A_854 : i32 to index
    %get3A_856 = arith.constant 96 : index
    %get3A_857 = tpu.vector_load %arg13[%get3A_855, %get3A_856] {strides = array<i32>} : memref<8x128xi32, #tpu.memory_space<vmem>>, vector<16xi32>,
    %mul3A_858 = arith.constant 32768 : i32
    %mul3A_859 = arith.muli %select_n3A_56, %mul3A_858 : i32
    %add3A_860 = vector.broadcast %mul3A_859 : i32 to vector<16xi32>
    %add3A_861 = arith.addi %get3A_857, %add3A_860 : vector<16xi32>
    %swap3A_862 = arith.constant 7 : i32
    %swap3A_863 = arith.index_cast %swap3A_862 : i32 to index
    %swap3A_864 = arith.constant 96 : index
    %swap3A_865 = tpu.vector_load %arg13[%swap3A_863, %swap3A_864] {strides = array<i32>} : memref<8x128xi32, #tpu.memory_space<vmem>>, vector<16xi32>,
    tpu.vector_store %arg13[%swap3A_863, %swap3A_864], %add3A_861 {strides = array<i32>} : memref<8x128xi32, #tpu.memory_space<vmem>>, vector<16xi32>,
    %get3A_866 = arith.constant 7 : i32
    %get3A_867 = arith.index_cast %get3A_866 : i32 to index
    %get3A_868 = arith.constant 112 : index
    %get3A_869 = tpu.vector_load %arg13[%get3A_867, %get3A_868] {strides = array<i32>} : memref<8x128xi32, #tpu.memory_space<vmem>>, vector<16xi32>,
    %mul3A_870 = arith.constant 32768 : i32
    %mul3A_871 = arith.muli %select_n3A_56, %mul3A_870 : i32
    %add3A_872 = vector.broadcast %mul3A_871 : i32 to vector<16xi32>
    %add3A_873 = arith.addi %get3A_869, %add3A_872 : vector<16xi32>
    %swap3A_874 = arith.constant 7 : i32
    %swap3A_875 = arith.index_cast %swap3A_874 : i32 to index
    %swap3A_876 = arith.constant 112 : index
    %swap3A_877 = tpu.vector_load %arg13[%swap3A_875, %swap3A_876] {strides = array<i32>} : memref<8x128xi32, #tpu.memory_space<vmem>>, vector<16xi32>,
    tpu.vector_store %arg13[%swap3A_875, %swap3A_876], %add3A_873 {strides = array<i32>} : memref<8x128xi32, #tpu.memory_space<vmem>>, vector<16xi32>,
    %dma_start3A = arith.constant 0 : i32
    %dma_start3A_878 = arith.constant 0 : i32
    %dma_start3A_879 = arith.constant 0 : i32
    %dma_start3A_880 = arith.constant 0 : i32
    %dma_start3A_881 = tpu.memref_slice %arg14[%dma_start3A_878, %dma_start3A_879, %dma_start3A_880] : memref<4x128x128xf32, #tpu.memory_space<vmem>> -> memref<1x128x128xf32, #tpu.memory_space<vmem>>
    %dma_start3A_882 = tpu.memref_squeeze %dma_start3A_881 : memref<1x128x128xf32, #tpu.memory_space<vmem>> -> memref<128x128xf32, #tpu.memory_space<vmem>>
    %dma_start3A_883 = arith.constant 0 : i32
    %dma_start3A_884 = tpu.memref_slice %arg13[%dma_start3A, %dma_start3A_883] : memref<8x128xi32, #tpu.memory_space<vmem>> -> memref<1x128xi32, #tpu.memory_space<vmem>>
    %dma_start3A_885 = tpu.memref_squeeze %dma_start3A_884 : memref<1x128xi32, #tpu.memory_space<vmem>> -> memref<128xi32, #tpu.memory_space<vmem>>
    %dma_start3A_886 = arith.constant 0 : i32
    %dma_start3A_887 = arith.constant 0 : i32
    %dma_start3A_888 = tpu.memref_slice %arg4[%dma_start3A_886, %dma_start3A_887] : memref<131072x128xf32, #tpu.memory_space<hbm>> -> memref<131072x128xf32, #tpu.memory_space<hbm>>
    tpu.enqueue_indirect_dma source(%dma_start3A_888 : memref<131072x128xf32, #tpu.memory_space<hbm>>) target(%dma_start3A_882 : memref<128x128xf32, #tpu.memory_space<vmem>>) offsets(%dma_start3A_885 : memref<128xi32, #tpu.memory_space<vmem>>) semaphore(%arg15 : memref<!tpu.dma_semaphore, #tpu.memory_space<semaphore_mem>>)
    %dma_start3A_889 = arith.constant 1 : i32
    %dma_start3A_890 = arith.constant 1 : i32
    %dma_start3A_891 = arith.constant 0 : i32
    %dma_start3A_892 = arith.constant 0 : i32
    %dma_start3A_893 = tpu.memref_slice %arg14[%dma_start3A_890, %dma_start3A_891, %dma_start3A_892] : memref<4x128x128xf32, #tpu.memory_space<vmem>> -> memref<1x128x128xf32, #tpu.memory_space<vmem>>
    %dma_start3A_894 = tpu.memref_squeeze %dma_start3A_893 : memref<1x128x128xf32, #tpu.memory_space<vmem>> -> memref<128x128xf32, #tpu.memory_space<vmem>>
    %dma_start3A_895 = arith.constant 0 : i32
    %dma_start3A_896 = tpu.memref_slice %arg13[%dma_start3A_889, %dma_start3A_895] : memref<8x128xi32, #tpu.memory_space<vmem>> -> memref<1x128xi32, #tpu.memory_space<vmem>>
    %dma_start3A_897 = tpu.memref_squeeze %dma_start3A_896 : memref<1x128xi32, #tpu.memory_space<vmem>> -> memref<128xi32, #tpu.memory_space<vmem>>
    %dma_start3A_898 = arith.constant 0 : i32
    %dma_start3A_899 = arith.constant 0 : i32
    %dma_start3A_900 = tpu.memref_slice %arg4[%dma_start3A_898, %dma_start3A_899] : memref<131072x128xf32, #tpu.memory_space<hbm>> -> memref<131072x128xf32, #tpu.memory_space<hbm>>
    tpu.enqueue_indirect_dma source(%dma_start3A_900 : memref<131072x128xf32, #tpu.memory_space<hbm>>) target(%dma_start3A_894 : memref<128x128xf32, #tpu.memory_space<vmem>>) offsets(%dma_start3A_897 : memref<128xi32, #tpu.memory_space<vmem>>) semaphore(%arg16 : memref<!tpu.dma_semaphore, #tpu.memory_space<semaphore_mem>>)
    %dma_start3A_901 = arith.constant 2 : i32
    %dma_start3A_902 = arith.constant 2 : i32
    %dma_start3A_903 = arith.constant 0 : i32
    %dma_start3A_904 = arith.constant 0 : i32
    %dma_start3A_905 = tpu.memref_slice %arg14[%dma_start3A_902, %dma_start3A_903, %dma_start3A_904] : memref<4x128x128xf32, #tpu.memory_space<vmem>> -> memref<1x128x128xf32, #tpu.memory_space<vmem>>
    %dma_start3A_906 = tpu.memref_squeeze %dma_start3A_905 : memref<1x128x128xf32, #tpu.memory_space<vmem>> -> memref<128x128xf32, #tpu.memory_space<vmem>>
    %dma_start3A_907 = arith.constant 0 : i32
    %dma_start3A_908 = tpu.memref_slice %arg13[%dma_start3A_901, %dma_start3A_907] : memref<8x128xi32, #tpu.memory_space<vmem>> -> memref<1x128xi32, #tpu.memory_space<vmem>>
    %dma_start3A_909 = tpu.memref_squeeze %dma_start3A_908 : memref<1x128xi32, #tpu.memory_space<vmem>> -> memref<128xi32, #tpu.memory_space<vmem>>
    %dma_start3A_910 = arith.constant 0 : i32
    %dma_start3A_911 = arith.constant 0 : i32
    %dma_start3A_912 = tpu.memref_slice %arg4[%dma_start3A_910, %dma_start3A_911] : memref<131072x128xf32, #tpu.memory_space<hbm>> -> memref<131072x128xf32, #tpu.memory_space<hbm>>
    tpu.enqueue_indirect_dma source(%dma_start3A_912 : memref<131072x128xf32, #tpu.memory_space<hbm>>) target(%dma_start3A_906 : memref<128x128xf32, #tpu.memory_space<vmem>>) offsets(%dma_start3A_909 : memref<128xi32, #tpu.memory_space<vmem>>) semaphore(%arg17 : memref<!tpu.dma_semaphore, #tpu.memory_space<semaphore_mem>>)
    %dma_start3A_913 = arith.constant 3 : i32
    %dma_start3A_914 = arith.constant 3 : i32
    %dma_start3A_915 = arith.constant 0 : i32
    %dma_start3A_916 = arith.constant 0 : i32
    %dma_start3A_917 = tpu.memref_slice %arg14[%dma_start3A_914, %dma_start3A_915, %dma_start3A_916] : memref<4x128x128xf32, #tpu.memory_space<vmem>> -> memref<1x128x128xf32, #tpu.memory_space<vmem>>
    %dma_start3A_918 = tpu.memref_squeeze %dma_start3A_917 : memref<1x128x128xf32, #tpu.memory_space<vmem>> -> memref<128x128xf32, #tpu.memory_space<vmem>>
    %dma_start3A_919 = arith.constant 0 : i32
    %dma_start3A_920 = tpu.memref_slice %arg13[%dma_start3A_913, %dma_start3A_919] : memref<8x128xi32, #tpu.memory_space<vmem>> -> memref<1x128xi32, #tpu.memory_space<vmem>>
    %dma_start3A_921 = tpu.memref_squeeze %dma_start3A_920 : memref<1x128xi32, #tpu.memory_space<vmem>> -> memref<128xi32, #tpu.memory_space<vmem>>
    %dma_start3A_922 = arith.constant 0 : i32
    %dma_start3A_923 = arith.constant 0 : i32
    %dma_start3A_924 = tpu.memref_slice %arg4[%dma_start3A_922, %dma_start3A_923] : memref<131072x128xf32, #tpu.memory_space<hbm>> -> memref<131072x128xf32, #tpu.memory_space<hbm>>
    tpu.enqueue_indirect_dma source(%dma_start3A_924 : memref<131072x128xf32, #tpu.memory_space<hbm>>) target(%dma_start3A_918 : memref<128x128xf32, #tpu.memory_space<vmem>>) offsets(%dma_start3A_921 : memref<128xi32, #tpu.memory_space<vmem>>) semaphore(%arg18 : memref<!tpu.dma_semaphore, #tpu.memory_space<semaphore_mem>>)
    %mul3A_925 = arith.constant 64 : i32
    %mul3A_926 = arith.muli %select_n3A, %mul3A_925 : i32
    "tpu.region"() ({
      %run_scoped3A_1366 = tpu.sem_alloc : memref<!tpu.dma_semaphore, #tpu.memory_space<semaphore_mem>>
      %dma_start3A_1367 = tpu.memref_slice %arg2[%mul3A_926] : memref<256xi32, #tpu.memory_space<hbm>> -> memref<64xi32, #tpu.memory_space<hbm>>
      %dma_start3A_1368 = tpu.memref_slice %arg2[%mul3A_926] : memref<256xi32, #tpu.memory_space<hbm>> -> memref<64xi32, #tpu.memory_space<hbm>>
      tpu.enqueue_dma source(%dma_start3A_1368 : memref<64xi32, #tpu.memory_space<hbm>>) target(%arg8 : memref<64xi32, #tpu.memory_space<vmem>>) target_semaphore(%run_scoped3A_1366 : memref<!tpu.dma_semaphore, #tpu.memory_space<semaphore_mem>>)
      %dma_wait3A_1369 = tpu.memref_slice %arg2[%mul3A_926] : memref<256xi32, #tpu.memory_space<hbm>> -> memref<64xi32, #tpu.memory_space<hbm>>
      %dma_wait3A_1370 = tpu.memref_slice %arg2[%mul3A_926] : memref<256xi32, #tpu.memory_space<hbm>> -> memref<64xi32, #tpu.memory_space<hbm>>
      tpu.wait_dma2 semaphore(%run_scoped3A_1366 : memref<!tpu.dma_semaphore, #tpu.memory_space<semaphore_mem>>) src(%dma_wait3A_1370 : memref<64xi32, #tpu.memory_space<hbm>>) dst(%arg8 : memref<64xi32, #tpu.memory_space<vmem>>)
      tpu.yield
    }) : () -> ()
    %mul3A_927 = arith.constant 8192 : i32
    %mul3A_928 = arith.muli %select_n3A, %mul3A_927 : i32
    "tpu.region"() ({
      %run_scoped3A_1366 = tpu.sem_alloc : memref<!tpu.dma_semaphore, #tpu.memory_space<semaphore_mem>>
      %dma_start3A_1367 = tpu.memref_slice %arg3[%mul3A_928] : memref<32768xi32, #tpu.memory_space<hbm>> -> memref<8192xi32, #tpu.memory_space<hbm>>
      %dma_start3A_1368 = tpu.memref_slice %arg3[%mul3A_928] : memref<32768xi32, #tpu.memory_space<hbm>> -> memref<8192xi32, #tpu.memory_space<hbm>>
      tpu.enqueue_dma source(%dma_start3A_1368 : memref<8192xi32, #tpu.memory_space<hbm>>) target(%arg9 : memref<8192xi32, #tpu.memory_space<vmem>>) target_semaphore(%run_scoped3A_1366 : memref<!tpu.dma_semaphore, #tpu.memory_space<semaphore_mem>>)
      %dma_wait3A_1369 = tpu.memref_slice %arg3[%mul3A_928] : memref<32768xi32, #tpu.memory_space<hbm>> -> memref<8192xi32, #tpu.memory_space<hbm>>
      %dma_wait3A_1370 = tpu.memref_slice %arg3[%mul3A_928] : memref<32768xi32, #tpu.memory_space<hbm>> -> memref<8192xi32, #tpu.memory_space<hbm>>
      tpu.wait_dma2 semaphore(%run_scoped3A_1366 : memref<!tpu.dma_semaphore, #tpu.memory_space<semaphore_mem>>) src(%dma_wait3A_1370 : memref<8192xi32, #tpu.memory_space<hbm>>) dst(%arg9 : memref<8192xi32, #tpu.memory_space<vmem>>)
      tpu.yield
    }) : () -> ()
    %broadcast_in_dim3A = arith.constant -1 : i32
    %broadcast_in_dim3A_929 = vector.broadcast %broadcast_in_dim3A : i32 to vector<16xi32>
    %swap3A_930 = arith.constant 0 : index
    %swap3A_931 = tpu.vector_load %arg10[%swap3A_930] {strides = array<i32>} : memref<64xi32, #tpu.memory_space<vmem>>, vector<16xi32>,
    tpu.vector_store %arg10[%swap3A_930], %broadcast_in_dim3A_929 {strides = array<i32>} : memref<64xi32, #tpu.memory_space<vmem>>, vector<16xi32>,
    %swap3A_932 = arith.constant 16 : index
    %swap3A_933 = tpu.vector_load %arg10[%swap3A_932] {strides = array<i32>} : memref<64xi32, #tpu.memory_space<vmem>>, vector<16xi32>,
    tpu.vector_store %arg10[%swap3A_932], %broadcast_in_dim3A_929 {strides = array<i32>} : memref<64xi32, #tpu.memory_space<vmem>>, vector<16xi32>,
    %swap3A_934 = arith.constant 32 : index
    %swap3A_935 = tpu.vector_load %arg10[%swap3A_934] {strides = array<i32>} : memref<64xi32, #tpu.memory_space<vmem>>, vector<16xi32>,
    tpu.vector_store %arg10[%swap3A_934], %broadcast_in_dim3A_929 {strides = array<i32>} : memref<64xi32, #tpu.memory_space<vmem>>, vector<16xi32>,
    %swap3A_936 = arith.constant 48 : index
    %swap3A_937 = tpu.vector_load %arg10[%swap3A_936] {strides = array<i32>} : memref<64xi32, #tpu.memory_space<vmem>>, vector<16xi32>,
    tpu.vector_store %arg10[%swap3A_936], %broadcast_in_dim3A_929 {strides = array<i32>} : memref<64xi32, #tpu.memory_space<vmem>>, vector<16xi32>,
    %scan3A = arith.constant 0 : i32
    %scan3A_938 = arith.constant 0 : i32
    %scan3A_939 = arith.constant 64 : i32
    %scan3A_940 = arith.addi %scan3A_938, %scan3A_939 : i32
    %scan3A_941 = arith.constant 1 : i32
    scf.for %scan3A_1366 = %scan3A_938 to %scan3A_940 step %scan3A_941  : i32 {
      %broadcast_in_dim3A_1367 = vector.broadcast %scan3A_1366 : i32 to vector<16xi32>
      %gather3A = tpu.vector_load_idx %arg8[%broadcast_in_dim3A_1367] : memref<64xi32, #tpu.memory_space<vmem>>[vector<16xi32>], vector<16xi32>,
      %mul3A_1368 = arith.constant 64 : i32
      %mul3A_1369 = arith.muli %scan3A_1366, %mul3A_1368 : i32
      %add3A_1370 = vector.broadcast %mul3A_1369 : i32 to vector<16xi32>
      %add3A_1371 = arith.addi %add3A_1370, %gather3A : vector<16xi32>
      tpu.vector_store_idx %arg10[%gather3A], %add3A_1371 : memref<64xi32, #tpu.memory_space<vmem>>[vector<16xi32>], vector<16xi32>,
    }
    %scan3A_942 = arith.constant 64 : i32
    %scan3A_943 = arith.constant 0 : i32
    %scan3A_944 = arith.constant 0 : i32
    %scan3A_945 = arith.constant 256 : i32
    %scan3A_946 = arith.addi %scan3A_944, %scan3A_945 : i32
    %scan3A_947 = arith.constant 1 : i32
    scf.for %scan3A_1366 = %scan3A_944 to %scan3A_946 step %scan3A_947  : i32 {
      %mul3A_1367 = arith.constant 16 : i32
      %mul3A_1368 = arith.muli %scan3A_1366, %mul3A_1367 : i32
      %swap3A_1369 = arith.index_cast %mul3A_1368 : i32 to index
      %swap3A_1370 = tpu.vector_load %arg11[%swap3A_1369] {strides = array<i32>} : memref<4096xi32, #tpu.memory_space<vmem>>, vector<16xi32>,
      tpu.vector_store %arg11[%swap3A_1369], %broadcast_in_dim3A_929 {strides = array<i32>} : memref<4096xi32, #tpu.memory_space<vmem>>, vector<16xi32>,
    }
    %scan3A_948 = arith.constant 256 : i32
    %scan3A_949 = arith.constant 0 : i32
    %scan3A_950 = arith.constant 0 : i32
    %scan3A_951 = arith.constant 64 : i32
    %scan3A_952 = arith.addi %scan3A_950, %scan3A_951 : i32
    %scan3A_953 = arith.constant 1 : i32
    scf.for %scan3A_1366 = %scan3A_950 to %scan3A_952 step %scan3A_953  : i32 {
      %broadcast_in_dim3A_1367 = vector.broadcast %scan3A_1366 : i32 to vector<16xi32>
      %gather3A = tpu.vector_load_idx %arg10[%broadcast_in_dim3A_1367] : memref<64xi32, #tpu.memory_space<vmem>>[vector<16xi32>], vector<16xi32>,
      %ge3A = arith.constant 0 : i32
      %ge3A_1368 = vector.broadcast %ge3A : i32 to vector<16xi32>
      %ge3A_1369 = arith.cmpi sge, %gather3A, %ge3A_1368 : vector<16xi32>
      %mul3A_1370 = arith.constant 128 : i32
      %mul3A_1371 = arith.muli %scan3A_1366, %mul3A_1370 : i32
      %add3A_1372 = arith.constant 0 : i32
      %add3A_1373 = arith.addi %mul3A_1371, %add3A_1372 : i32
      %add3A_1374 = vector.broadcast %add3A_1373 : i32 to vector<16xi32>
      %add3A_1375 = arith.addi %add3A_1374, %iota3A : vector<16xi32>
      %gather3A_1376 = tpu.vector_load_idx %arg9[%add3A_1375] : memref<8192xi32, #tpu.memory_space<vmem>>[vector<16xi32>], vector<16xi32>,
      %sub3A_1377 = vector.broadcast %mul3A_32 : i32 to vector<16xi32>
      %sub3A_1378 = arith.subi %gather3A_1376, %sub3A_1377 : vector<16xi32>
      %ge3A_1379 = arith.constant 0 : i32
      %ge3A_1380 = vector.broadcast %ge3A_1379 : i32 to vector<16xi32>
      %ge3A_1381 = arith.cmpi sge, %sub3A_1378, %ge3A_1380 : vector<16xi32>
      %and3A_1382 = arith.andi %ge3A_1369, %ge3A_1381 : vector<16xi1>
      %lt3A_1383 = arith.constant 4096 : i32
      %lt3A_1384 = vector.broadcast %lt3A_1383 : i32 to vector<16xi32>
      %lt3A_1385 = arith.cmpi slt, %sub3A_1378, %lt3A_1384 : vector<16xi32>
      %and3A_1386 = arith.andi %and3A_1382, %lt3A_1385 : vector<16xi1>
      %jit3A_1387 = arith.constant 0 : i32
      %broadcast_in_dim3A_1388 = vector.broadcast %jit3A_1387 : i32 to vector<16xi32>
      %select_n3A_1389 = arith.select %and3A_1386, %sub3A_1378, %broadcast_in_dim3A_1388 : vector<16xi1>, vector<16xi32>
      %gather3A_1390 = tpu.vector_load_idx %arg11[%select_n3A_1389] masked %and3A_1386 : memref<4096xi32, #tpu.memory_space<vmem>>[vector<16xi32>], vector<16xi32>, vector<16xi1>
      %max3A = arith.maxsi %gather3A_1390, %gather3A : vector<16xi32>
      tpu.vector_store_idx %arg11[%select_n3A_1389], %max3A masked %and3A_1386 : memref<4096xi32, #tpu.memory_space<vmem>>[vector<16xi32>], vector<16xi32>, vector<16xi1>
      %mul3A_1391 = arith.constant 128 : i32
      %mul3A_1392 = arith.muli %scan3A_1366, %mul3A_1391 : i32
      %add3A_1393 = arith.constant 16 : i32
      %add3A_1394 = arith.addi %mul3A_1392, %add3A_1393 : i32
      %add3A_1395 = vector.broadcast %add3A_1394 : i32 to vector<16xi32>
      %add3A_1396 = arith.addi %add3A_1395, %iota3A : vector<16xi32>
      %gather3A_1397 = tpu.vector_load_idx %arg9[%add3A_1396] : memref<8192xi32, #tpu.memory_space<vmem>>[vector<16xi32>], vector<16xi32>,
      %sub3A_1398 = vector.broadcast %mul3A_32 : i32 to vector<16xi32>
      %sub3A_1399 = arith.subi %gather3A_1397, %sub3A_1398 : vector<16xi32>
      %ge3A_1400 = arith.constant 0 : i32
      %ge3A_1401 = vector.broadcast %ge3A_1400 : i32 to vector<16xi32>
      %ge3A_1402 = arith.cmpi sge, %sub3A_1399, %ge3A_1401 : vector<16xi32>
      %and3A_1403 = arith.andi %ge3A_1369, %ge3A_1402 : vector<16xi1>
      %lt3A_1404 = arith.constant 4096 : i32
      %lt3A_1405 = vector.broadcast %lt3A_1404 : i32 to vector<16xi32>
      %lt3A_1406 = arith.cmpi slt, %sub3A_1399, %lt3A_1405 : vector<16xi32>
      %and3A_1407 = arith.andi %and3A_1403, %lt3A_1406 : vector<16xi1>
      %jit3A_1408 = arith.constant 0 : i32
      %broadcast_in_dim3A_1409 = vector.broadcast %jit3A_1408 : i32 to vector<16xi32>
      %select_n3A_1410 = arith.select %and3A_1407, %sub3A_1399, %broadcast_in_dim3A_1409 : vector<16xi1>, vector<16xi32>
      %gather3A_1411 = tpu.vector_load_idx %arg11[%select_n3A_1410] masked %and3A_1407 : memref<4096xi32, #tpu.memory_space<vmem>>[vector<16xi32>], vector<16xi32>, vector<16xi1>
      %max3A_1412 = arith.maxsi %gather3A_1411, %gather3A : vector<16xi32>
      tpu.vector_store_idx %arg11[%select_n3A_1410], %max3A_1412 masked %and3A_1407 : memref<4096xi32, #tpu.memory_space<vmem>>[vector<16xi32>], vector<16xi32>, vector<16xi1>
      %mul3A_1413 = arith.constant 128 : i32
      %mul3A_1414 = arith.muli %scan3A_1366, %mul3A_1413 : i32
      %add3A_1415 = arith.constant 32 : i32
      %add3A_1416 = arith.addi %mul3A_1414, %add3A_1415 : i32
      %add3A_1417 = vector.broadcast %add3A_1416 : i32 to vector<16xi32>
      %add3A_1418 = arith.addi %add3A_1417, %iota3A : vector<16xi32>
      %gather3A_1419 = tpu.vector_load_idx %arg9[%add3A_1418] : memref<8192xi32, #tpu.memory_space<vmem>>[vector<16xi32>], vector<16xi32>,
      %sub3A_1420 = vector.broadcast %mul3A_32 : i32 to vector<16xi32>
      %sub3A_1421 = arith.subi %gather3A_1419, %sub3A_1420 : vector<16xi32>
      %ge3A_1422 = arith.constant 0 : i32
      %ge3A_1423 = vector.broadcast %ge3A_1422 : i32 to vector<16xi32>
      %ge3A_1424 = arith.cmpi sge, %sub3A_1421, %ge3A_1423 : vector<16xi32>
      %and3A_1425 = arith.andi %ge3A_1369, %ge3A_1424 : vector<16xi1>
      %lt3A_1426 = arith.constant 4096 : i32
      %lt3A_1427 = vector.broadcast %lt3A_1426 : i32 to vector<16xi32>
      %lt3A_1428 = arith.cmpi slt, %sub3A_1421, %lt3A_1427 : vector<16xi32>
      %and3A_1429 = arith.andi %and3A_1425, %lt3A_1428 : vector<16xi1>
      %jit3A_1430 = arith.constant 0 : i32
      %broadcast_in_dim3A_1431 = vector.broadcast %jit3A_1430 : i32 to vector<16xi32>
      %select_n3A_1432 = arith.select %and3A_1429, %sub3A_1421, %broadcast_in_dim3A_1431 : vector<16xi1>, vector<16xi32>
      %gather3A_1433 = tpu.vector_load_idx %arg11[%select_n3A_1432] masked %and3A_1429 : memref<4096xi32, #tpu.memory_space<vmem>>[vector<16xi32>], vector<16xi32>, vector<16xi1>
      %max3A_1434 = arith.maxsi %gather3A_1433, %gather3A : vector<16xi32>
      tpu.vector_store_idx %arg11[%select_n3A_1432], %max3A_1434 masked %and3A_1429 : memref<4096xi32, #tpu.memory_space<vmem>>[vector<16xi32>], vector<16xi32>, vector<16xi1>
      %mul3A_1435 = arith.constant 128 : i32
      %mul3A_1436 = arith.muli %scan3A_1366, %mul3A_1435 : i32
      %add3A_1437 = arith.constant 48 : i32
      %add3A_1438 = arith.addi %mul3A_1436, %add3A_1437 : i32
      %add3A_1439 = vector.broadcast %add3A_1438 : i32 to vector<16xi32>
      %add3A_1440 = arith.addi %add3A_1439, %iota3A : vector<16xi32>
      %gather3A_1441 = tpu.vector_load_idx %arg9[%add3A_1440] : memref<8192xi32, #tpu.memory_space<vmem>>[vector<16xi32>], vector<16xi32>,
      %sub3A_1442 = vector.broadcast %mul3A_32 : i32 to vector<16xi32>
      %sub3A_1443 = arith.subi %gather3A_1441, %sub3A_1442 : vector<16xi32>
      %ge3A_1444 = arith.constant 0 : i32
      %ge3A_1445 = vector.broadcast %ge3A_1444 : i32 to vector<16xi32>
      %ge3A_1446 = arith.cmpi sge, %sub3A_1443, %ge3A_1445 : vector<16xi32>
      %and3A_1447 = arith.andi %ge3A_1369, %ge3A_1446 : vector<16xi1>
      %lt3A_1448 = arith.constant 4096 : i32
      %lt3A_1449 = vector.broadcast %lt3A_1448 : i32 to vector<16xi32>
      %lt3A_1450 = arith.cmpi slt, %sub3A_1443, %lt3A_1449 : vector<16xi32>
      %and3A_1451 = arith.andi %and3A_1447, %lt3A_1450 : vector<16xi1>
      %jit3A_1452 = arith.constant 0 : i32
      %broadcast_in_dim3A_1453 = vector.broadcast %jit3A_1452 : i32 to vector<16xi32>
      %select_n3A_1454 = arith.select %and3A_1451, %sub3A_1443, %broadcast_in_dim3A_1453 : vector<16xi1>, vector<16xi32>
      %gather3A_1455 = tpu.vector_load_idx %arg11[%select_n3A_1454] masked %and3A_1451 : memref<4096xi32, #tpu.memory_space<vmem>>[vector<16xi32>], vector<16xi32>, vector<16xi1>
      %max3A_1456 = arith.maxsi %gather3A_1455, %gather3A : vector<16xi32>
      tpu.vector_store_idx %arg11[%select_n3A_1454], %max3A_1456 masked %and3A_1451 : memref<4096xi32, #tpu.memory_space<vmem>>[vector<16xi32>], vector<16xi32>, vector<16xi1>
      %mul3A_1457 = arith.constant 128 : i32
      %mul3A_1458 = arith.muli %scan3A_1366, %mul3A_1457 : i32
      %add3A_1459 = arith.constant 64 : i32
      %add3A_1460 = arith.addi %mul3A_1458, %add3A_1459 : i32
      %add3A_1461 = vector.broadcast %add3A_1460 : i32 to vector<16xi32>
      %add3A_1462 = arith.addi %add3A_1461, %iota3A : vector<16xi32>
      %gather3A_1463 = tpu.vector_load_idx %arg9[%add3A_1462] : memref<8192xi32, #tpu.memory_space<vmem>>[vector<16xi32>], vector<16xi32>,
      %sub3A_1464 = vector.broadcast %mul3A_32 : i32 to vector<16xi32>
      %sub3A_1465 = arith.subi %gather3A_1463, %sub3A_1464 : vector<16xi32>
      %ge3A_1466 = arith.constant 0 : i32
      %ge3A_1467 = vector.broadcast %ge3A_1466 : i32 to vector<16xi32>
      %ge3A_1468 = arith.cmpi sge, %sub3A_1465, %ge3A_1467 : vector<16xi32>
      %and3A_1469 = arith.andi %ge3A_1369, %ge3A_1468 : vector<16xi1>
      %lt3A_1470 = arith.constant 4096 : i32
      %lt3A_1471 = vector.broadcast %lt3A_1470 : i32 to vector<16xi32>
      %lt3A_1472 = arith.cmpi slt, %sub3A_1465, %lt3A_1471 : vector<16xi32>
      %and3A_1473 = arith.andi %and3A_1469, %lt3A_1472 : vector<16xi1>
      %jit3A_1474 = arith.constant 0 : i32
      %broadcast_in_dim3A_1475 = vector.broadcast %jit3A_1474 : i32 to vector<16xi32>
      %select_n3A_1476 = arith.select %and3A_1473, %sub3A_1465, %broadcast_in_dim3A_1475 : vector<16xi1>, vector<16xi32>
      %gather3A_1477 = tpu.vector_load_idx %arg11[%select_n3A_1476] masked %and3A_1473 : memref<4096xi32, #tpu.memory_space<vmem>>[vector<16xi32>], vector<16xi32>, vector<16xi1>
      %max3A_1478 = arith.maxsi %gather3A_1477, %gather3A : vector<16xi32>
      tpu.vector_store_idx %arg11[%select_n3A_1476], %max3A_1478 masked %and3A_1473 : memref<4096xi32, #tpu.memory_space<vmem>>[vector<16xi32>], vector<16xi32>, vector<16xi1>
      %mul3A_1479 = arith.constant 128 : i32
      %mul3A_1480 = arith.muli %scan3A_1366, %mul3A_1479 : i32
      %add3A_1481 = arith.constant 80 : i32
      %add3A_1482 = arith.addi %mul3A_1480, %add3A_1481 : i32
      %add3A_1483 = vector.broadcast %add3A_1482 : i32 to vector<16xi32>
      %add3A_1484 = arith.addi %add3A_1483, %iota3A : vector<16xi32>
      %gather3A_1485 = tpu.vector_load_idx %arg9[%add3A_1484] : memref<8192xi32, #tpu.memory_space<vmem>>[vector<16xi32>], vector<16xi32>,
      %sub3A_1486 = vector.broadcast %mul3A_32 : i32 to vector<16xi32>
      %sub3A_1487 = arith.subi %gather3A_1485, %sub3A_1486 : vector<16xi32>
      %ge3A_1488 = arith.constant 0 : i32
      %ge3A_1489 = vector.broadcast %ge3A_1488 : i32 to vector<16xi32>
      %ge3A_1490 = arith.cmpi sge, %sub3A_1487, %ge3A_1489 : vector<16xi32>
      %and3A_1491 = arith.andi %ge3A_1369, %ge3A_1490 : vector<16xi1>
      %lt3A_1492 = arith.constant 4096 : i32
      %lt3A_1493 = vector.broadcast %lt3A_1492 : i32 to vector<16xi32>
      %lt3A_1494 = arith.cmpi slt, %sub3A_1487, %lt3A_1493 : vector<16xi32>
      %and3A_1495 = arith.andi %and3A_1491, %lt3A_1494 : vector<16xi1>
      %jit3A_1496 = arith.constant 0 : i32
      %broadcast_in_dim3A_1497 = vector.broadcast %jit3A_1496 : i32 to vector<16xi32>
      %select_n3A_1498 = arith.select %and3A_1495, %sub3A_1487, %broadcast_in_dim3A_1497 : vector<16xi1>, vector<16xi32>
      %gather3A_1499 = tpu.vector_load_idx %arg11[%select_n3A_1498] masked %and3A_1495 : memref<4096xi32, #tpu.memory_space<vmem>>[vector<16xi32>], vector<16xi32>, vector<16xi1>
      %max3A_1500 = arith.maxsi %gather3A_1499, %gather3A : vector<16xi32>
      tpu.vector_store_idx %arg11[%select_n3A_1498], %max3A_1500 masked %and3A_1495 : memref<4096xi32, #tpu.memory_space<vmem>>[vector<16xi32>], vector<16xi32>, vector<16xi1>
      %mul3A_1501 = arith.constant 128 : i32
      %mul3A_1502 = arith.muli %scan3A_1366, %mul3A_1501 : i32
      %add3A_1503 = arith.constant 96 : i32
      %add3A_1504 = arith.addi %mul3A_1502, %add3A_1503 : i32
      %add3A_1505 = vector.broadcast %add3A_1504 : i32 to vector<16xi32>
      %add3A_1506 = arith.addi %add3A_1505, %iota3A : vector<16xi32>
      %gather3A_1507 = tpu.vector_load_idx %arg9[%add3A_1506] : memref<8192xi32, #tpu.memory_space<vmem>>[vector<16xi32>], vector<16xi32>,
      %sub3A_1508 = vector.broadcast %mul3A_32 : i32 to vector<16xi32>
      %sub3A_1509 = arith.subi %gather3A_1507, %sub3A_1508 : vector<16xi32>
      %ge3A_1510 = arith.constant 0 : i32
      %ge3A_1511 = vector.broadcast %ge3A_1510 : i32 to vector<16xi32>
      %ge3A_1512 = arith.cmpi sge, %sub3A_1509, %ge3A_1511 : vector<16xi32>
      %and3A_1513 = arith.andi %ge3A_1369, %ge3A_1512 : vector<16xi1>
      %lt3A_1514 = arith.constant 4096 : i32
      %lt3A_1515 = vector.broadcast %lt3A_1514 : i32 to vector<16xi32>
      %lt3A_1516 = arith.cmpi slt, %sub3A_1509, %lt3A_1515 : vector<16xi32>
      %and3A_1517 = arith.andi %and3A_1513, %lt3A_1516 : vector<16xi1>
      %jit3A_1518 = arith.constant 0 : i32
      %broadcast_in_dim3A_1519 = vector.broadcast %jit3A_1518 : i32 to vector<16xi32>
      %select_n3A_1520 = arith.select %and3A_1517, %sub3A_1509, %broadcast_in_dim3A_1519 : vector<16xi1>, vector<16xi32>
      %gather3A_1521 = tpu.vector_load_idx %arg11[%select_n3A_1520] masked %and3A_1517 : memref<4096xi32, #tpu.memory_space<vmem>>[vector<16xi32>], vector<16xi32>, vector<16xi1>
      %max3A_1522 = arith.maxsi %gather3A_1521, %gather3A : vector<16xi32>
      tpu.vector_store_idx %arg11[%select_n3A_1520], %max3A_1522 masked %and3A_1517 : memref<4096xi32, #tpu.memory_space<vmem>>[vector<16xi32>], vector<16xi32>, vector<16xi1>
      %mul3A_1523 = arith.constant 128 : i32
      %mul3A_1524 = arith.muli %scan3A_1366, %mul3A_1523 : i32
      %add3A_1525 = arith.constant 112 : i32
      %add3A_1526 = arith.addi %mul3A_1524, %add3A_1525 : i32
      %add3A_1527 = vector.broadcast %add3A_1526 : i32 to vector<16xi32>
      %add3A_1528 = arith.addi %add3A_1527, %iota3A : vector<16xi32>
      %gather3A_1529 = tpu.vector_load_idx %arg9[%add3A_1528] : memref<8192xi32, #tpu.memory_space<vmem>>[vector<16xi32>], vector<16xi32>,
      %sub3A_1530 = vector.broadcast %mul3A_32 : i32 to vector<16xi32>
      %sub3A_1531 = arith.subi %gather3A_1529, %sub3A_1530 : vector<16xi32>
      %ge3A_1532 = arith.constant 0 : i32
      %ge3A_1533 = vector.broadcast %ge3A_1532 : i32 to vector<16xi32>
      %ge3A_1534 = arith.cmpi sge, %sub3A_1531, %ge3A_1533 : vector<16xi32>
      %and3A_1535 = arith.andi %ge3A_1369, %ge3A_1534 : vector<16xi1>
      %lt3A_1536 = arith.constant 4096 : i32
      %lt3A_1537 = vector.broadcast %lt3A_1536 : i32 to vector<16xi32>
      %lt3A_1538 = arith.cmpi slt, %sub3A_1531, %lt3A_1537 : vector<16xi32>
      %and3A_1539 = arith.andi %and3A_1535, %lt3A_1538 : vector<16xi1>
      %jit3A_1540 = arith.constant 0 : i32
      %broadcast_in_dim3A_1541 = vector.broadcast %jit3A_1540 : i32 to vector<16xi32>
      %select_n3A_1542 = arith.select %and3A_1539, %sub3A_1531, %broadcast_in_dim3A_1541 : vector<16xi1>, vector<16xi32>
      %gather3A_1543 = tpu.vector_load_idx %arg11[%select_n3A_1542] masked %and3A_1539 : memref<4096xi32, #tpu.memory_space<vmem>>[vector<16xi32>], vector<16xi32>, vector<16xi1>
      %max3A_1544 = arith.maxsi %gather3A_1543, %gather3A : vector<16xi32>
      tpu.vector_store_idx %arg11[%select_n3A_1542], %max3A_1544 masked %and3A_1539 : memref<4096xi32, #tpu.memory_space<vmem>>[vector<16xi32>], vector<16xi32>, vector<16xi1>
    }
    %scan3A_954 = arith.constant 64 : i32
    %scan3A_955 = arith.constant 0 : i32
    %scan3A_956 = arith.constant 0 : i32
    %scan3A_957 = arith.constant 256 : i32
    %scan3A_958 = arith.addi %scan3A_956, %scan3A_957 : i32
    %scan3A_959 = arith.constant 1 : i32
    scf.for %scan3A_1366 = %scan3A_956 to %scan3A_958 step %scan3A_959  : i32 {
      %mul3A_1367 = arith.constant 16 : i32
      %mul3A_1368 = arith.muli %scan3A_1366, %mul3A_1367 : i32
      %get3A_1369 = arith.index_cast %mul3A_1368 : i32 to index
      %get3A_1370 = tpu.vector_load %arg11[%get3A_1369] {strides = array<i32>} : memref<4096xi32, #tpu.memory_space<vmem>>, vector<16xi32>,
      %ge3A = arith.constant 0 : i32
      %ge3A_1371 = vector.broadcast %ge3A : i32 to vector<16xi32>
      %ge3A_1372 = arith.cmpi sge, %get3A_1370, %ge3A_1371 : vector<16xi32>
      %jit3A_1373 = arith.constant 64 : i32
      %eq3A_1374 = arith.constant 0 : i32
      %eq3A_1375 = arith.cmpi eq, %jit3A_1373, %eq3A_1374 : i32
      %jit3A_1376 = arith.constant 1 : i32
      %select_n3A_1377 = arith.select %eq3A_1375, %jit3A_1376, %jit3A_1373 : i32
      %rem3A_1378 = vector.broadcast %select_n3A_1377 : i32 to vector<16xi32>
      %rem3A_1379 = arith.remsi %get3A_1370, %rem3A_1378 : vector<16xi32>
      %ne3A_1380 = arith.constant 0 : i32
      %ne3A_1381 = vector.broadcast %ne3A_1380 : i32 to vector<16xi32>
      %ne3A_1382 = arith.cmpi ne, %rem3A_1379, %ne3A_1381 : vector<16xi32>
      %lt3A_1383 = arith.constant 0 : i32
      %lt3A_1384 = vector.broadcast %lt3A_1383 : i32 to vector<16xi32>
      %lt3A_1385 = arith.cmpi slt, %rem3A_1379, %lt3A_1384 : vector<16xi32>
      %lt3A_1386 = arith.constant 0 : i32
      %lt3A_1387 = arith.cmpi slt, %select_n3A_1377, %lt3A_1386 : i32
      %ne3A_1388 = vector.broadcast %lt3A_1387 : i1 to vector<16xi1>
      %ne3A_1389 = vector.broadcast %ne3A_1388 : vector<16xi1> to vector<16xi1>
      %ne3A_1390 = arith.xori %lt3A_1385, %ne3A_1389 : vector<16xi1>
      %and3A_1391 = arith.andi %ne3A_1390, %ne3A_1382 : vector<16xi1>
      %add3A_1392 = vector.broadcast %select_n3A_1377 : i32 to vector<16xi32>
      %add3A_1393 = arith.addi %rem3A_1379, %add3A_1392 : vector<16xi32>
      %select_n3A_1394 = arith.select %and3A_1391, %add3A_1393, %rem3A_1379 : vector<16xi1>, vector<16xi32>
      %jit3A_1395 = arith.constant 64 : i32
      %broadcast_in_dim3A_1396 = vector.broadcast %jit3A_1395 : i32 to vector<16xi32>
      %select_n3A_1397 = arith.select %ge3A_1372, %select_n3A_1394, %broadcast_in_dim3A_1396 : vector<16xi1>, vector<16xi32>
      %mul3A_1398 = arith.constant 16 : i32
      %mul3A_1399 = arith.muli %scan3A_1366, %mul3A_1398 : i32
      %swap3A_1400 = arith.index_cast %mul3A_1399 : i32 to index
      %swap3A_1401 = tpu.vector_load %arg11[%swap3A_1400] {strides = array<i32>} : memref<4096xi32, #tpu.memory_space<vmem>>, vector<16xi32>,
      tpu.vector_store %arg11[%swap3A_1400], %select_n3A_1397 {strides = array<i32>} : memref<4096xi32, #tpu.memory_space<vmem>>, vector<16xi32>,
    }
    %scan3A_960 = arith.constant 256 : i32
    %mul3A_961 = arith.constant 32768 : i32
    %mul3A_962 = arith.muli %select_n3A, %mul3A_961 : i32
    %add3A_963 = arith.addi %mul3A_962, %mul3A_32 : i32
    "tpu.region"() ({
      %run_scoped3A_1366 = tpu.sem_alloc : memref<!tpu.dma_semaphore, #tpu.memory_space<semaphore_mem>>
      %dma_start3A_1367 = tpu.memref_slice %arg5[%add3A_963] : memref<131072xi32, #tpu.memory_space<hbm>> -> memref<4096xi32, #tpu.memory_space<hbm>>
      %dma_start3A_1368 = tpu.memref_slice %arg5[%add3A_963] : memref<131072xi32, #tpu.memory_space<hbm>> -> memref<4096xi32, #tpu.memory_space<hbm>>
      tpu.enqueue_dma source(%arg11 : memref<4096xi32, #tpu.memory_space<vmem>>) target(%dma_start3A_1368 : memref<4096xi32, #tpu.memory_space<hbm>>) target_semaphore(%run_scoped3A_1366 : memref<!tpu.dma_semaphore, #tpu.memory_space<semaphore_mem>>)
      %dma_wait3A_1369 = tpu.memref_slice %arg5[%add3A_963] : memref<131072xi32, #tpu.memory_space<hbm>> -> memref<4096xi32, #tpu.memory_space<hbm>>
      %dma_wait3A_1370 = tpu.memref_slice %arg5[%add3A_963] : memref<131072xi32, #tpu.memory_space<hbm>> -> memref<4096xi32, #tpu.memory_space<hbm>>
      tpu.wait_dma2 semaphore(%run_scoped3A_1366 : memref<!tpu.dma_semaphore, #tpu.memory_space<semaphore_mem>>) src(%arg11 : memref<4096xi32, #tpu.memory_space<vmem>>) dst(%dma_wait3A_1370 : memref<4096xi32, #tpu.memory_space<hbm>>)
      tpu.yield
    }) : () -> ()
    %eq3A_964 = arith.constant 0 : i32
    %eq3A_965 = arith.cmpi eq, %select_n3A_30, %eq3A_964 : i32
    %convert_element_type3A = arith.extui %eq3A_965 : i1 to i32
    %cond3A = arith.constant 0 : i32
    %cond3A_966 = arith.cmpi ne, %convert_element_type3A, %cond3A : i32
    scf.if %cond3A_966 {
      %add3A_1366 = arith.constant 0 : i32
      %add3A_1367 = vector.broadcast %add3A_1366 : i32 to vector<16xi32>
      %add3A_1368 = arith.addi %add3A_1367, %iota3A : vector<16xi32>
      %jit3A_1369 = arith.constant 4 : i32
      %eq3A_1370 = arith.constant 0 : i32
      %eq3A_1371 = arith.cmpi eq, %jit3A_1369, %eq3A_1370 : i32
      %jit3A_1372 = arith.constant 1 : i32
      %select_n3A_1373 = arith.select %eq3A_1371, %jit3A_1372, %jit3A_1369 : i32
      %rem3A_1374 = vector.broadcast %select_n3A_1373 : i32 to vector<16xi32>
      %rem3A_1375 = arith.remsi %add3A_1368, %rem3A_1374 : vector<16xi32>
      %ne3A_1376 = arith.constant 0 : i32
      %ne3A_1377 = vector.broadcast %ne3A_1376 : i32 to vector<16xi32>
      %ne3A_1378 = arith.cmpi ne, %rem3A_1375, %ne3A_1377 : vector<16xi32>
      %lt3A_1379 = arith.constant 0 : i32
      %lt3A_1380 = vector.broadcast %lt3A_1379 : i32 to vector<16xi32>
      %lt3A_1381 = arith.cmpi slt, %rem3A_1375, %lt3A_1380 : vector<16xi32>
      %lt3A_1382 = arith.constant 0 : i32
      %lt3A_1383 = arith.cmpi slt, %select_n3A_1373, %lt3A_1382 : i32
      %ne3A_1384 = vector.broadcast %lt3A_1383 : i1 to vector<16xi1>
      %ne3A_1385 = vector.broadcast %ne3A_1384 : vector<16xi1> to vector<16xi1>
      %ne3A_1386 = arith.xori %lt3A_1381, %ne3A_1385 : vector<16xi1>
      %and3A_1387 = arith.andi %ne3A_1386, %ne3A_1378 : vector<16xi1>
      %add3A_1388 = vector.broadcast %select_n3A_1373 : i32 to vector<16xi32>
      %add3A_1389 = arith.addi %rem3A_1375, %add3A_1388 : vector<16xi32>
      %select_n3A_1390 = arith.select %and3A_1387, %add3A_1389, %rem3A_1375 : vector<16xi1>, vector<16xi32>
      %mul3A_1391 = arith.constant 16 : i32
      %mul3A_1392 = vector.broadcast %mul3A_1391 : i32 to vector<16xi32>
      %mul3A_1393 = arith.muli %select_n3A_1390, %mul3A_1392 : vector<16xi32>
      %jit3A_1394 = arith.constant 4 : i32
      %div3A_1395 = vector.broadcast %jit3A_1394 : i32 to vector<16xi32>
      %div3A_1396 = arith.divsi %add3A_1368, %div3A_1395 : vector<16xi32>
      %sign3A_1397 = arith.constant 0 : i32
      %sign3A_1398 = vector.broadcast %sign3A_1397 : i32 to vector<16xi32>
      %sign3A_1399 = arith.cmpi sgt, %add3A_1368, %sign3A_1398 : vector<16xi32>
      %sign3A_1400 = arith.extui %sign3A_1399 : vector<16xi1> to vector<16xi32>
      %sign3A_1401 = arith.constant 0 : i32
      %sign3A_1402 = vector.broadcast %sign3A_1401 : i32 to vector<16xi32>
      %sign3A_1403 = arith.cmpi slt, %add3A_1368, %sign3A_1402 : vector<16xi32>
      %sign3A_1404 = arith.extui %sign3A_1403 : vector<16xi1> to vector<16xi32>
      %sign3A_1405 = arith.subi %sign3A_1400, %sign3A_1404 : vector<16xi32>
      %sign3A_1406 = arith.constant 0 : i32
      %sign3A_1407 = arith.cmpi sgt, %jit3A_1394, %sign3A_1406 : i32
      %sign3A_1408 = arith.extui %sign3A_1407 : i1 to i32
      %sign3A_1409 = arith.constant 0 : i32
      %sign3A_1410 = arith.cmpi slt, %jit3A_1394, %sign3A_1409 : i32
      %sign3A_1411 = arith.extui %sign3A_1410 : i1 to i32
      %sign3A_1412 = arith.subi %sign3A_1408, %sign3A_1411 : i32
      %ne3A_1413 = vector.broadcast %sign3A_1412 : i32 to vector<16xi32>
      %ne3A_1414 = arith.cmpi ne, %sign3A_1405, %ne3A_1413 : vector<16xi32>
      %rem3A_1415 = vector.broadcast %jit3A_1394 : i32 to vector<16xi32>
      %rem3A_1416 = arith.remsi %add3A_1368, %rem3A_1415 : vector<16xi32>
      %ne3A_1417 = arith.constant 0 : i32
      %ne3A_1418 = vector.broadcast %ne3A_1417 : i32 to vector<16xi32>
      %ne3A_1419 = arith.cmpi ne, %rem3A_1416, %ne3A_1418 : vector<16xi32>
      %and3A_1420 = arith.andi %ne3A_1414, %ne3A_1419 : vector<16xi1>
      %sub3A_1421 = arith.constant 1 : i32
      %sub3A_1422 = vector.broadcast %sub3A_1421 : i32 to vector<16xi32>
      %sub3A_1423 = arith.subi %div3A_1396, %sub3A_1422 : vector<16xi32>
      %select_n3A_1424 = arith.select %and3A_1420, %sub3A_1423, %div3A_1396 : vector<16xi1>, vector<16xi32>
      %jit3A_1425 = arith.constant 4 : i32
      %eq3A_1426 = arith.constant 0 : i32
      %eq3A_1427 = arith.cmpi eq, %jit3A_1425, %eq3A_1426 : i32
      %jit3A_1428 = arith.constant 1 : i32
      %select_n3A_1429 = arith.select %eq3A_1427, %jit3A_1428, %jit3A_1425 : i32
      %rem3A_1430 = vector.broadcast %select_n3A_1429 : i32 to vector<16xi32>
      %rem3A_1431 = arith.remsi %select_n3A_1424, %rem3A_1430 : vector<16xi32>
      %ne3A_1432 = arith.constant 0 : i32
      %ne3A_1433 = vector.broadcast %ne3A_1432 : i32 to vector<16xi32>
      %ne3A_1434 = arith.cmpi ne, %rem3A_1431, %ne3A_1433 : vector<16xi32>
      %lt3A_1435 = arith.constant 0 : i32
      %lt3A_1436 = vector.broadcast %lt3A_1435 : i32 to vector<16xi32>
      %lt3A_1437 = arith.cmpi slt, %rem3A_1431, %lt3A_1436 : vector<16xi32>
      %lt3A_1438 = arith.constant 0 : i32
      %lt3A_1439 = arith.cmpi slt, %select_n3A_1429, %lt3A_1438 : i32
      %ne3A_1440 = vector.broadcast %lt3A_1439 : i1 to vector<16xi1>
      %ne3A_1441 = vector.broadcast %ne3A_1440 : vector<16xi1> to vector<16xi1>
      %ne3A_1442 = arith.xori %lt3A_1437, %ne3A_1441 : vector<16xi1>
      %and3A_1443 = arith.andi %ne3A_1442, %ne3A_1434 : vector<16xi1>
      %add3A_1444 = vector.broadcast %select_n3A_1429 : i32 to vector<16xi32>
      %add3A_1445 = arith.addi %rem3A_1431, %add3A_1444 : vector<16xi32>
      %select_n3A_1446 = arith.select %and3A_1443, %add3A_1445, %rem3A_1431 : vector<16xi1>, vector<16xi32>
      %mul3A_1447 = arith.constant 4 : i32
      %mul3A_1448 = vector.broadcast %mul3A_1447 : i32 to vector<16xi32>
      %mul3A_1449 = arith.muli %select_n3A_1446, %mul3A_1448 : vector<16xi32>
      %add3A_1450 = arith.addi %mul3A_1393, %mul3A_1449 : vector<16xi32>
      %jit3A_1451 = arith.constant 16 : i32
      %div3A_1452 = vector.broadcast %jit3A_1451 : i32 to vector<16xi32>
      %div3A_1453 = arith.divsi %add3A_1368, %div3A_1452 : vector<16xi32>
      %sign3A_1454 = arith.constant 0 : i32
      %sign3A_1455 = vector.broadcast %sign3A_1454 : i32 to vector<16xi32>
      %sign3A_1456 = arith.cmpi sgt, %add3A_1368, %sign3A_1455 : vector<16xi32>
      %sign3A_1457 = arith.extui %sign3A_1456 : vector<16xi1> to vector<16xi32>
      %sign3A_1458 = arith.constant 0 : i32
      %sign3A_1459 = vector.broadcast %sign3A_1458 : i32 to vector<16xi32>
      %sign3A_1460 = arith.cmpi slt, %add3A_1368, %sign3A_1459 : vector<16xi32>
      %sign3A_1461 = arith.extui %sign3A_1460 : vector<16xi1> to vector<16xi32>
      %sign3A_1462 = arith.subi %sign3A_1457, %sign3A_1461 : vector<16xi32>
      %sign3A_1463 = arith.constant 0 : i32
      %sign3A_1464 = arith.cmpi sgt, %jit3A_1451, %sign3A_1463 : i32
      %sign3A_1465 = arith.extui %sign3A_1464 : i1 to i32
      %sign3A_1466 = arith.constant 0 : i32
      %sign3A_1467 = arith.cmpi slt, %jit3A_1451, %sign3A_1466 : i32
      %sign3A_1468 = arith.extui %sign3A_1467 : i1 to i32
      %sign3A_1469 = arith.subi %sign3A_1465, %sign3A_1468 : i32
      %ne3A_1470 = vector.broadcast %sign3A_1469 : i32 to vector<16xi32>
      %ne3A_1471 = arith.cmpi ne, %sign3A_1462, %ne3A_1470 : vector<16xi32>
      %rem3A_1472 = vector.broadcast %jit3A_1451 : i32 to vector<16xi32>
      %rem3A_1473 = arith.remsi %add3A_1368, %rem3A_1472 : vector<16xi32>
      %ne3A_1474 = arith.constant 0 : i32
      %ne3A_1475 = vector.broadcast %ne3A_1474 : i32 to vector<16xi32>
      %ne3A_1476 = arith.cmpi ne, %rem3A_1473, %ne3A_1475 : vector<16xi32>
      %and3A_1477 = arith.andi %ne3A_1471, %ne3A_1476 : vector<16xi1>
      %sub3A_1478 = arith.constant 1 : i32
      %sub3A_1479 = vector.broadcast %sub3A_1478 : i32 to vector<16xi32>
      %sub3A_1480 = arith.subi %div3A_1453, %sub3A_1479 : vector<16xi32>
      %select_n3A_1481 = arith.select %and3A_1477, %sub3A_1480, %div3A_1453 : vector<16xi1>, vector<16xi32>
      %add3A_1482 = arith.addi %add3A_1450, %select_n3A_1481 : vector<16xi32>
      %gather3A = tpu.vector_load_idx %arg10[%add3A_1482] : memref<64xi32, #tpu.memory_space<vmem>>[vector<16xi32>], vector<16xi32>,
      %ge3A = arith.constant 0 : i32
      %ge3A_1483 = vector.broadcast %ge3A : i32 to vector<16xi32>
      %ge3A_1484 = arith.cmpi sge, %gather3A, %ge3A_1483 : vector<16xi32>
      %jit3A_1485 = arith.constant 64 : i32
      %broadcast_in_dim3A_1486 = vector.broadcast %jit3A_1485 : i32 to vector<16xi32>
      %select_n3A_1487 = arith.select %ge3A_1484, %add3A_1482, %broadcast_in_dim3A_1486 : vector<16xi1>, vector<16xi32>
      %swap3A_1488 = arith.constant 0 : index
      %swap3A_1489 = tpu.vector_load %arg12[%swap3A_1488] {strides = array<i32>} : memref<64xi32, #tpu.memory_space<vmem>>, vector<16xi32>,
      tpu.vector_store %arg12[%swap3A_1488], %select_n3A_1487 {strides = array<i32>} : memref<64xi32, #tpu.memory_space<vmem>>, vector<16xi32>,
      %add3A_1490 = arith.constant 16 : i32
      %add3A_1491 = vector.broadcast %add3A_1490 : i32 to vector<16xi32>
      %add3A_1492 = arith.addi %add3A_1491, %iota3A : vector<16xi32>
      %jit3A_1493 = arith.constant 4 : i32
      %eq3A_1494 = arith.constant 0 : i32
      %eq3A_1495 = arith.cmpi eq, %jit3A_1493, %eq3A_1494 : i32
      %jit3A_1496 = arith.constant 1 : i32
      %select_n3A_1497 = arith.select %eq3A_1495, %jit3A_1496, %jit3A_1493 : i32
      %rem3A_1498 = vector.broadcast %select_n3A_1497 : i32 to vector<16xi32>
      %rem3A_1499 = arith.remsi %add3A_1492, %rem3A_1498 : vector<16xi32>
      %ne3A_1500 = arith.constant 0 : i32
      %ne3A_1501 = vector.broadcast %ne3A_1500 : i32 to vector<16xi32>
      %ne3A_1502 = arith.cmpi ne, %rem3A_1499, %ne3A_1501 : vector<16xi32>
      %lt3A_1503 = arith.constant 0 : i32
      %lt3A_1504 = vector.broadcast %lt3A_1503 : i32 to vector<16xi32>
      %lt3A_1505 = arith.cmpi slt, %rem3A_1499, %lt3A_1504 : vector<16xi32>
      %lt3A_1506 = arith.constant 0 : i32
      %lt3A_1507 = arith.cmpi slt, %select_n3A_1497, %lt3A_1506 : i32
      %ne3A_1508 = vector.broadcast %lt3A_1507 : i1 to vector<16xi1>
      %ne3A_1509 = vector.broadcast %ne3A_1508 : vector<16xi1> to vector<16xi1>
      %ne3A_1510 = arith.xori %lt3A_1505, %ne3A_1509 : vector<16xi1>
      %and3A_1511 = arith.andi %ne3A_1510, %ne3A_1502 : vector<16xi1>
      %add3A_1512 = vector.broadcast %select_n3A_1497 : i32 to vector<16xi32>
      %add3A_1513 = arith.addi %rem3A_1499, %add3A_1512 : vector<16xi32>
      %select_n3A_1514 = arith.select %and3A_1511, %add3A_1513, %rem3A_1499 : vector<16xi1>, vector<16xi32>
      %mul3A_1515 = arith.constant 16 : i32
      %mul3A_1516 = vector.broadcast %mul3A_1515 : i32 to vector<16xi32>
      %mul3A_1517 = arith.muli %select_n3A_1514, %mul3A_1516 : vector<16xi32>
      %jit3A_1518 = arith.constant 4 : i32
      %div3A_1519 = vector.broadcast %jit3A_1518 : i32 to vector<16xi32>
      %div3A_1520 = arith.divsi %add3A_1492, %div3A_1519 : vector<16xi32>
      %sign3A_1521 = arith.constant 0 : i32
      %sign3A_1522 = vector.broadcast %sign3A_1521 : i32 to vector<16xi32>
      %sign3A_1523 = arith.cmpi sgt, %add3A_1492, %sign3A_1522 : vector<16xi32>
      %sign3A_1524 = arith.extui %sign3A_1523 : vector<16xi1> to vector<16xi32>
      %sign3A_1525 = arith.constant 0 : i32
      %sign3A_1526 = vector.broadcast %sign3A_1525 : i32 to vector<16xi32>
      %sign3A_1527 = arith.cmpi slt, %add3A_1492, %sign3A_1526 : vector<16xi32>
      %sign3A_1528 = arith.extui %sign3A_1527 : vector<16xi1> to vector<16xi32>
      %sign3A_1529 = arith.subi %sign3A_1524, %sign3A_1528 : vector<16xi32>
      %sign3A_1530 = arith.constant 0 : i32
      %sign3A_1531 = arith.cmpi sgt, %jit3A_1518, %sign3A_1530 : i32
      %sign3A_1532 = arith.extui %sign3A_1531 : i1 to i32
      %sign3A_1533 = arith.constant 0 : i32
      %sign3A_1534 = arith.cmpi slt, %jit3A_1518, %sign3A_1533 : i32
      %sign3A_1535 = arith.extui %sign3A_1534 : i1 to i32
      %sign3A_1536 = arith.subi %sign3A_1532, %sign3A_1535 : i32
      %ne3A_1537 = vector.broadcast %sign3A_1536 : i32 to vector<16xi32>
      %ne3A_1538 = arith.cmpi ne, %sign3A_1529, %ne3A_1537 : vector<16xi32>
      %rem3A_1539 = vector.broadcast %jit3A_1518 : i32 to vector<16xi32>
      %rem3A_1540 = arith.remsi %add3A_1492, %rem3A_1539 : vector<16xi32>
      %ne3A_1541 = arith.constant 0 : i32
      %ne3A_1542 = vector.broadcast %ne3A_1541 : i32 to vector<16xi32>
      %ne3A_1543 = arith.cmpi ne, %rem3A_1540, %ne3A_1542 : vector<16xi32>
      %and3A_1544 = arith.andi %ne3A_1538, %ne3A_1543 : vector<16xi1>
      %sub3A_1545 = arith.constant 1 : i32
      %sub3A_1546 = vector.broadcast %sub3A_1545 : i32 to vector<16xi32>
      %sub3A_1547 = arith.subi %div3A_1520, %sub3A_1546 : vector<16xi32>
      %select_n3A_1548 = arith.select %and3A_1544, %sub3A_1547, %div3A_1520 : vector<16xi1>, vector<16xi32>
      %jit3A_1549 = arith.constant 4 : i32
      %eq3A_1550 = arith.constant 0 : i32
      %eq3A_1551 = arith.cmpi eq, %jit3A_1549, %eq3A_1550 : i32
      %jit3A_1552 = arith.constant 1 : i32
      %select_n3A_1553 = arith.select %eq3A_1551, %jit3A_1552, %jit3A_1549 : i32
      %rem3A_1554 = vector.broadcast %select_n3A_1553 : i32 to vector<16xi32>
      %rem3A_1555 = arith.remsi %select_n3A_1548, %rem3A_1554 : vector<16xi32>
      %ne3A_1556 = arith.constant 0 : i32
      %ne3A_1557 = vector.broadcast %ne3A_1556 : i32 to vector<16xi32>
      %ne3A_1558 = arith.cmpi ne, %rem3A_1555, %ne3A_1557 : vector<16xi32>
      %lt3A_1559 = arith.constant 0 : i32
      %lt3A_1560 = vector.broadcast %lt3A_1559 : i32 to vector<16xi32>
      %lt3A_1561 = arith.cmpi slt, %rem3A_1555, %lt3A_1560 : vector<16xi32>
      %lt3A_1562 = arith.constant 0 : i32
      %lt3A_1563 = arith.cmpi slt, %select_n3A_1553, %lt3A_1562 : i32
      %ne3A_1564 = vector.broadcast %lt3A_1563 : i1 to vector<16xi1>
      %ne3A_1565 = vector.broadcast %ne3A_1564 : vector<16xi1> to vector<16xi1>
      %ne3A_1566 = arith.xori %lt3A_1561, %ne3A_1565 : vector<16xi1>
      %and3A_1567 = arith.andi %ne3A_1566, %ne3A_1558 : vector<16xi1>
      %add3A_1568 = vector.broadcast %select_n3A_1553 : i32 to vector<16xi32>
      %add3A_1569 = arith.addi %rem3A_1555, %add3A_1568 : vector<16xi32>
      %select_n3A_1570 = arith.select %and3A_1567, %add3A_1569, %rem3A_1555 : vector<16xi1>, vector<16xi32>
      %mul3A_1571 = arith.constant 4 : i32
      %mul3A_1572 = vector.broadcast %mul3A_1571 : i32 to vector<16xi32>
      %mul3A_1573 = arith.muli %select_n3A_1570, %mul3A_1572 : vector<16xi32>
      %add3A_1574 = arith.addi %mul3A_1517, %mul3A_1573 : vector<16xi32>
      %jit3A_1575 = arith.constant 16 : i32
      %div3A_1576 = vector.broadcast %jit3A_1575 : i32 to vector<16xi32>
      %div3A_1577 = arith.divsi %add3A_1492, %div3A_1576 : vector<16xi32>
      %sign3A_1578 = arith.constant 0 : i32
      %sign3A_1579 = vector.broadcast %sign3A_1578 : i32 to vector<16xi32>
      %sign3A_1580 = arith.cmpi sgt, %add3A_1492, %sign3A_1579 : vector<16xi32>
      %sign3A_1581 = arith.extui %sign3A_1580 : vector<16xi1> to vector<16xi32>
      %sign3A_1582 = arith.constant 0 : i32
      %sign3A_1583 = vector.broadcast %sign3A_1582 : i32 to vector<16xi32>
      %sign3A_1584 = arith.cmpi slt, %add3A_1492, %sign3A_1583 : vector<16xi32>
      %sign3A_1585 = arith.extui %sign3A_1584 : vector<16xi1> to vector<16xi32>
      %sign3A_1586 = arith.subi %sign3A_1581, %sign3A_1585 : vector<16xi32>
      %sign3A_1587 = arith.constant 0 : i32
      %sign3A_1588 = arith.cmpi sgt, %jit3A_1575, %sign3A_1587 : i32
      %sign3A_1589 = arith.extui %sign3A_1588 : i1 to i32
      %sign3A_1590 = arith.constant 0 : i32
      %sign3A_1591 = arith.cmpi slt, %jit3A_1575, %sign3A_1590 : i32
      %sign3A_1592 = arith.extui %sign3A_1591 : i1 to i32
      %sign3A_1593 = arith.subi %sign3A_1589, %sign3A_1592 : i32
      %ne3A_1594 = vector.broadcast %sign3A_1593 : i32 to vector<16xi32>
      %ne3A_1595 = arith.cmpi ne, %sign3A_1586, %ne3A_1594 : vector<16xi32>
      %rem3A_1596 = vector.broadcast %jit3A_1575 : i32 to vector<16xi32>
      %rem3A_1597 = arith.remsi %add3A_1492, %rem3A_1596 : vector<16xi32>
      %ne3A_1598 = arith.constant 0 : i32
      %ne3A_1599 = vector.broadcast %ne3A_1598 : i32 to vector<16xi32>
      %ne3A_1600 = arith.cmpi ne, %rem3A_1597, %ne3A_1599 : vector<16xi32>
      %and3A_1601 = arith.andi %ne3A_1595, %ne3A_1600 : vector<16xi1>
      %sub3A_1602 = arith.constant 1 : i32
      %sub3A_1603 = vector.broadcast %sub3A_1602 : i32 to vector<16xi32>
      %sub3A_1604 = arith.subi %div3A_1577, %sub3A_1603 : vector<16xi32>
      %select_n3A_1605 = arith.select %and3A_1601, %sub3A_1604, %div3A_1577 : vector<16xi1>, vector<16xi32>
      %add3A_1606 = arith.addi %add3A_1574, %select_n3A_1605 : vector<16xi32>
      %gather3A_1607 = tpu.vector_load_idx %arg10[%add3A_1606] : memref<64xi32, #tpu.memory_space<vmem>>[vector<16xi32>], vector<16xi32>,
      %ge3A_1608 = arith.constant 0 : i32
      %ge3A_1609 = vector.broadcast %ge3A_1608 : i32 to vector<16xi32>
      %ge3A_1610 = arith.cmpi sge, %gather3A_1607, %ge3A_1609 : vector<16xi32>
      %jit3A_1611 = arith.constant 64 : i32
      %broadcast_in_dim3A_1612 = vector.broadcast %jit3A_1611 : i32 to vector<16xi32>
      %select_n3A_1613 = arith.select %ge3A_1610, %add3A_1606, %broadcast_in_dim3A_1612 : vector<16xi1>, vector<16xi32>
      %swap3A_1614 = arith.constant 16 : index
      %swap3A_1615 = tpu.vector_load %arg12[%swap3A_1614] {strides = array<i32>} : memref<64xi32, #tpu.memory_space<vmem>>, vector<16xi32>,
      tpu.vector_store %arg12[%swap3A_1614], %select_n3A_1613 {strides = array<i32>} : memref<64xi32, #tpu.memory_space<vmem>>, vector<16xi32>,
      %add3A_1616 = arith.constant 32 : i32
      %add3A_1617 = vector.broadcast %add3A_1616 : i32 to vector<16xi32>
      %add3A_1618 = arith.addi %add3A_1617, %iota3A : vector<16xi32>
      %jit3A_1619 = arith.constant 4 : i32
      %eq3A_1620 = arith.constant 0 : i32
      %eq3A_1621 = arith.cmpi eq, %jit3A_1619, %eq3A_1620 : i32
      %jit3A_1622 = arith.constant 1 : i32
      %select_n3A_1623 = arith.select %eq3A_1621, %jit3A_1622, %jit3A_1619 : i32
      %rem3A_1624 = vector.broadcast %select_n3A_1623 : i32 to vector<16xi32>
      %rem3A_1625 = arith.remsi %add3A_1618, %rem3A_1624 : vector<16xi32>
      %ne3A_1626 = arith.constant 0 : i32
      %ne3A_1627 = vector.broadcast %ne3A_1626 : i32 to vector<16xi32>
      %ne3A_1628 = arith.cmpi ne, %rem3A_1625, %ne3A_1627 : vector<16xi32>
      %lt3A_1629 = arith.constant 0 : i32
      %lt3A_1630 = vector.broadcast %lt3A_1629 : i32 to vector<16xi32>
      %lt3A_1631 = arith.cmpi slt, %rem3A_1625, %lt3A_1630 : vector<16xi32>
      %lt3A_1632 = arith.constant 0 : i32
      %lt3A_1633 = arith.cmpi slt, %select_n3A_1623, %lt3A_1632 : i32
      %ne3A_1634 = vector.broadcast %lt3A_1633 : i1 to vector<16xi1>
      %ne3A_1635 = vector.broadcast %ne3A_1634 : vector<16xi1> to vector<16xi1>
      %ne3A_1636 = arith.xori %lt3A_1631, %ne3A_1635 : vector<16xi1>
      %and3A_1637 = arith.andi %ne3A_1636, %ne3A_1628 : vector<16xi1>
      %add3A_1638 = vector.broadcast %select_n3A_1623 : i32 to vector<16xi32>
      %add3A_1639 = arith.addi %rem3A_1625, %add3A_1638 : vector<16xi32>
      %select_n3A_1640 = arith.select %and3A_1637, %add3A_1639, %rem3A_1625 : vector<16xi1>, vector<16xi32>
      %mul3A_1641 = arith.constant 16 : i32
      %mul3A_1642 = vector.broadcast %mul3A_1641 : i32 to vector<16xi32>
      %mul3A_1643 = arith.muli %select_n3A_1640, %mul3A_1642 : vector<16xi32>
      %jit3A_1644 = arith.constant 4 : i32
      %div3A_1645 = vector.broadcast %jit3A_1644 : i32 to vector<16xi32>
      %div3A_1646 = arith.divsi %add3A_1618, %div3A_1645 : vector<16xi32>
      %sign3A_1647 = arith.constant 0 : i32
      %sign3A_1648 = vector.broadcast %sign3A_1647 : i32 to vector<16xi32>
      %sign3A_1649 = arith.cmpi sgt, %add3A_1618, %sign3A_1648 : vector<16xi32>
      %sign3A_1650 = arith.extui %sign3A_1649 : vector<16xi1> to vector<16xi32>
      %sign3A_1651 = arith.constant 0 : i32
      %sign3A_1652 = vector.broadcast %sign3A_1651 : i32 to vector<16xi32>
      %sign3A_1653 = arith.cmpi slt, %add3A_1618, %sign3A_1652 : vector<16xi32>
      %sign3A_1654 = arith.extui %sign3A_1653 : vector<16xi1> to vector<16xi32>
      %sign3A_1655 = arith.subi %sign3A_1650, %sign3A_1654 : vector<16xi32>
      %sign3A_1656 = arith.constant 0 : i32
      %sign3A_1657 = arith.cmpi sgt, %jit3A_1644, %sign3A_1656 : i32
      %sign3A_1658 = arith.extui %sign3A_1657 : i1 to i32
      %sign3A_1659 = arith.constant 0 : i32
      %sign3A_1660 = arith.cmpi slt, %jit3A_1644, %sign3A_1659 : i32
      %sign3A_1661 = arith.extui %sign3A_1660 : i1 to i32
      %sign3A_1662 = arith.subi %sign3A_1658, %sign3A_1661 : i32
      %ne3A_1663 = vector.broadcast %sign3A_1662 : i32 to vector<16xi32>
      %ne3A_1664 = arith.cmpi ne, %sign3A_1655, %ne3A_1663 : vector<16xi32>
      %rem3A_1665 = vector.broadcast %jit3A_1644 : i32 to vector<16xi32>
      %rem3A_1666 = arith.remsi %add3A_1618, %rem3A_1665 : vector<16xi32>
      %ne3A_1667 = arith.constant 0 : i32
      %ne3A_1668 = vector.broadcast %ne3A_1667 : i32 to vector<16xi32>
      %ne3A_1669 = arith.cmpi ne, %rem3A_1666, %ne3A_1668 : vector<16xi32>
      %and3A_1670 = arith.andi %ne3A_1664, %ne3A_1669 : vector<16xi1>
      %sub3A_1671 = arith.constant 1 : i32
      %sub3A_1672 = vector.broadcast %sub3A_1671 : i32 to vector<16xi32>
      %sub3A_1673 = arith.subi %div3A_1646, %sub3A_1672 : vector<16xi32>
      %select_n3A_1674 = arith.select %and3A_1670, %sub3A_1673, %div3A_1646 : vector<16xi1>, vector<16xi32>
      %jit3A_1675 = arith.constant 4 : i32
      %eq3A_1676 = arith.constant 0 : i32
      %eq3A_1677 = arith.cmpi eq, %jit3A_1675, %eq3A_1676 : i32
      %jit3A_1678 = arith.constant 1 : i32
      %select_n3A_1679 = arith.select %eq3A_1677, %jit3A_1678, %jit3A_1675 : i32
      %rem3A_1680 = vector.broadcast %select_n3A_1679 : i32 to vector<16xi32>
      %rem3A_1681 = arith.remsi %select_n3A_1674, %rem3A_1680 : vector<16xi32>
      %ne3A_1682 = arith.constant 0 : i32
      %ne3A_1683 = vector.broadcast %ne3A_1682 : i32 to vector<16xi32>
      %ne3A_1684 = arith.cmpi ne, %rem3A_1681, %ne3A_1683 : vector<16xi32>
      %lt3A_1685 = arith.constant 0 : i32
      %lt3A_1686 = vector.broadcast %lt3A_1685 : i32 to vector<16xi32>
      %lt3A_1687 = arith.cmpi slt, %rem3A_1681, %lt3A_1686 : vector<16xi32>
      %lt3A_1688 = arith.constant 0 : i32
      %lt3A_1689 = arith.cmpi slt, %select_n3A_1679, %lt3A_1688 : i32
      %ne3A_1690 = vector.broadcast %lt3A_1689 : i1 to vector<16xi1>
      %ne3A_1691 = vector.broadcast %ne3A_1690 : vector<16xi1> to vector<16xi1>
      %ne3A_1692 = arith.xori %lt3A_1687, %ne3A_1691 : vector<16xi1>
      %and3A_1693 = arith.andi %ne3A_1692, %ne3A_1684 : vector<16xi1>
      %add3A_1694 = vector.broadcast %select_n3A_1679 : i32 to vector<16xi32>
      %add3A_1695 = arith.addi %rem3A_1681, %add3A_1694 : vector<16xi32>
      %select_n3A_1696 = arith.select %and3A_1693, %add3A_1695, %rem3A_1681 : vector<16xi1>, vector<16xi32>
      %mul3A_1697 = arith.constant 4 : i32
      %mul3A_1698 = vector.broadcast %mul3A_1697 : i32 to vector<16xi32>
      %mul3A_1699 = arith.muli %select_n3A_1696, %mul3A_1698 : vector<16xi32>
      %add3A_1700 = arith.addi %mul3A_1643, %mul3A_1699 : vector<16xi32>
      %jit3A_1701 = arith.constant 16 : i32
      %div3A_1702 = vector.broadcast %jit3A_1701 : i32 to vector<16xi32>
      %div3A_1703 = arith.divsi %add3A_1618, %div3A_1702 : vector<16xi32>
      %sign3A_1704 = arith.constant 0 : i32
      %sign3A_1705 = vector.broadcast %sign3A_1704 : i32 to vector<16xi32>
      %sign3A_1706 = arith.cmpi sgt, %add3A_1618, %sign3A_1705 : vector<16xi32>
      %sign3A_1707 = arith.extui %sign3A_1706 : vector<16xi1> to vector<16xi32>
      %sign3A_1708 = arith.constant 0 : i32
      %sign3A_1709 = vector.broadcast %sign3A_1708 : i32 to vector<16xi32>
      %sign3A_1710 = arith.cmpi slt, %add3A_1618, %sign3A_1709 : vector<16xi32>
      %sign3A_1711 = arith.extui %sign3A_1710 : vector<16xi1> to vector<16xi32>
      %sign3A_1712 = arith.subi %sign3A_1707, %sign3A_1711 : vector<16xi32>
      %sign3A_1713 = arith.constant 0 : i32
      %sign3A_1714 = arith.cmpi sgt, %jit3A_1701, %sign3A_1713 : i32
      %sign3A_1715 = arith.extui %sign3A_1714 : i1 to i32
      %sign3A_1716 = arith.constant 0 : i32
      %sign3A_1717 = arith.cmpi slt, %jit3A_1701, %sign3A_1716 : i32
      %sign3A_1718 = arith.extui %sign3A_1717 : i1 to i32
      %sign3A_1719 = arith.subi %sign3A_1715, %sign3A_1718 : i32
      %ne3A_1720 = vector.broadcast %sign3A_1719 : i32 to vector<16xi32>
      %ne3A_1721 = arith.cmpi ne, %sign3A_1712, %ne3A_1720 : vector<16xi32>
      %rem3A_1722 = vector.broadcast %jit3A_1701 : i32 to vector<16xi32>
      %rem3A_1723 = arith.remsi %add3A_1618, %rem3A_1722 : vector<16xi32>
      %ne3A_1724 = arith.constant 0 : i32
      %ne3A_1725 = vector.broadcast %ne3A_1724 : i32 to vector<16xi32>
      %ne3A_1726 = arith.cmpi ne, %rem3A_1723, %ne3A_1725 : vector<16xi32>
      %and3A_1727 = arith.andi %ne3A_1721, %ne3A_1726 : vector<16xi1>
      %sub3A_1728 = arith.constant 1 : i32
      %sub3A_1729 = vector.broadcast %sub3A_1728 : i32 to vector<16xi32>
      %sub3A_1730 = arith.subi %div3A_1703, %sub3A_1729 : vector<16xi32>
      %select_n3A_1731 = arith.select %and3A_1727, %sub3A_1730, %div3A_1703 : vector<16xi1>, vector<16xi32>
      %add3A_1732 = arith.addi %add3A_1700, %select_n3A_1731 : vector<16xi32>
      %gather3A_1733 = tpu.vector_load_idx %arg10[%add3A_1732] : memref<64xi32, #tpu.memory_space<vmem>>[vector<16xi32>], vector<16xi32>,
      %ge3A_1734 = arith.constant 0 : i32
      %ge3A_1735 = vector.broadcast %ge3A_1734 : i32 to vector<16xi32>
      %ge3A_1736 = arith.cmpi sge, %gather3A_1733, %ge3A_1735 : vector<16xi32>
      %jit3A_1737 = arith.constant 64 : i32
      %broadcast_in_dim3A_1738 = vector.broadcast %jit3A_1737 : i32 to vector<16xi32>
      %select_n3A_1739 = arith.select %ge3A_1736, %add3A_1732, %broadcast_in_dim3A_1738 : vector<16xi1>, vector<16xi32>
      %swap3A_1740 = arith.constant 32 : index
      %swap3A_1741 = tpu.vector_load %arg12[%swap3A_1740] {strides = array<i32>} : memref<64xi32, #tpu.memory_space<vmem>>, vector<16xi32>,
      tpu.vector_store %arg12[%swap3A_1740], %select_n3A_1739 {strides = array<i32>} : memref<64xi32, #tpu.memory_space<vmem>>, vector<16xi32>,
      %add3A_1742 = arith.constant 48 : i32
      %add3A_1743 = vector.broadcast %add3A_1742 : i32 to vector<16xi32>
      %add3A_1744 = arith.addi %add3A_1743, %iota3A : vector<16xi32>
      %jit3A_1745 = arith.constant 4 : i32
      %eq3A_1746 = arith.constant 0 : i32
      %eq3A_1747 = arith.cmpi eq, %jit3A_1745, %eq3A_1746 : i32
      %jit3A_1748 = arith.constant 1 : i32
      %select_n3A_1749 = arith.select %eq3A_1747, %jit3A_1748, %jit3A_1745 : i32
      %rem3A_1750 = vector.broadcast %select_n3A_1749 : i32 to vector<16xi32>
      %rem3A_1751 = arith.remsi %add3A_1744, %rem3A_1750 : vector<16xi32>
      %ne3A_1752 = arith.constant 0 : i32
      %ne3A_1753 = vector.broadcast %ne3A_1752 : i32 to vector<16xi32>
      %ne3A_1754 = arith.cmpi ne, %rem3A_1751, %ne3A_1753 : vector<16xi32>
      %lt3A_1755 = arith.constant 0 : i32
      %lt3A_1756 = vector.broadcast %lt3A_1755 : i32 to vector<16xi32>
      %lt3A_1757 = arith.cmpi slt, %rem3A_1751, %lt3A_1756 : vector<16xi32>
      %lt3A_1758 = arith.constant 0 : i32
      %lt3A_1759 = arith.cmpi slt, %select_n3A_1749, %lt3A_1758 : i32
      %ne3A_1760 = vector.broadcast %lt3A_1759 : i1 to vector<16xi1>
      %ne3A_1761 = vector.broadcast %ne3A_1760 : vector<16xi1> to vector<16xi1>
      %ne3A_1762 = arith.xori %lt3A_1757, %ne3A_1761 : vector<16xi1>
      %and3A_1763 = arith.andi %ne3A_1762, %ne3A_1754 : vector<16xi1>
      %add3A_1764 = vector.broadcast %select_n3A_1749 : i32 to vector<16xi32>
      %add3A_1765 = arith.addi %rem3A_1751, %add3A_1764 : vector<16xi32>
      %select_n3A_1766 = arith.select %and3A_1763, %add3A_1765, %rem3A_1751 : vector<16xi1>, vector<16xi32>
      %mul3A_1767 = arith.constant 16 : i32
      %mul3A_1768 = vector.broadcast %mul3A_1767 : i32 to vector<16xi32>
      %mul3A_1769 = arith.muli %select_n3A_1766, %mul3A_1768 : vector<16xi32>
      %jit3A_1770 = arith.constant 4 : i32
      %div3A_1771 = vector.broadcast %jit3A_1770 : i32 to vector<16xi32>
      %div3A_1772 = arith.divsi %add3A_1744, %div3A_1771 : vector<16xi32>
      %sign3A_1773 = arith.constant 0 : i32
      %sign3A_1774 = vector.broadcast %sign3A_1773 : i32 to vector<16xi32>
      %sign3A_1775 = arith.cmpi sgt, %add3A_1744, %sign3A_1774 : vector<16xi32>
      %sign3A_1776 = arith.extui %sign3A_1775 : vector<16xi1> to vector<16xi32>
      %sign3A_1777 = arith.constant 0 : i32
      %sign3A_1778 = vector.broadcast %sign3A_1777 : i32 to vector<16xi32>
      %sign3A_1779 = arith.cmpi slt, %add3A_1744, %sign3A_1778 : vector<16xi32>
      %sign3A_1780 = arith.extui %sign3A_1779 : vector<16xi1> to vector<16xi32>
      %sign3A_1781 = arith.subi %sign3A_1776, %sign3A_1780 : vector<16xi32>
      %sign3A_1782 = arith.constant 0 : i32
      %sign3A_1783 = arith.cmpi sgt, %jit3A_1770, %sign3A_1782 : i32
      %sign3A_1784 = arith.extui %sign3A_1783 : i1 to i32
      %sign3A_1785 = arith.constant 0 : i32
      %sign3A_1786 = arith.cmpi slt, %jit3A_1770, %sign3A_1785 : i32
      %sign3A_1787 = arith.extui %sign3A_1786 : i1 to i32
      %sign3A_1788 = arith.subi %sign3A_1784, %sign3A_1787 : i32
      %ne3A_1789 = vector.broadcast %sign3A_1788 : i32 to vector<16xi32>
      %ne3A_1790 = arith.cmpi ne, %sign3A_1781, %ne3A_1789 : vector<16xi32>
      %rem3A_1791 = vector.broadcast %jit3A_1770 : i32 to vector<16xi32>
      %rem3A_1792 = arith.remsi %add3A_1744, %rem3A_1791 : vector<16xi32>
      %ne3A_1793 = arith.constant 0 : i32
      %ne3A_1794 = vector.broadcast %ne3A_1793 : i32 to vector<16xi32>
      %ne3A_1795 = arith.cmpi ne, %rem3A_1792, %ne3A_1794 : vector<16xi32>
      %and3A_1796 = arith.andi %ne3A_1790, %ne3A_1795 : vector<16xi1>
      %sub3A_1797 = arith.constant 1 : i32
      %sub3A_1798 = vector.broadcast %sub3A_1797 : i32 to vector<16xi32>
      %sub3A_1799 = arith.subi %div3A_1772, %sub3A_1798 : vector<16xi32>
      %select_n3A_1800 = arith.select %and3A_1796, %sub3A_1799, %div3A_1772 : vector<16xi1>, vector<16xi32>
      %jit3A_1801 = arith.constant 4 : i32
      %eq3A_1802 = arith.constant 0 : i32
      %eq3A_1803 = arith.cmpi eq, %jit3A_1801, %eq3A_1802 : i32
      %jit3A_1804 = arith.constant 1 : i32
      %select_n3A_1805 = arith.select %eq3A_1803, %jit3A_1804, %jit3A_1801 : i32
      %rem3A_1806 = vector.broadcast %select_n3A_1805 : i32 to vector<16xi32>
      %rem3A_1807 = arith.remsi %select_n3A_1800, %rem3A_1806 : vector<16xi32>
      %ne3A_1808 = arith.constant 0 : i32
      %ne3A_1809 = vector.broadcast %ne3A_1808 : i32 to vector<16xi32>
      %ne3A_1810 = arith.cmpi ne, %rem3A_1807, %ne3A_1809 : vector<16xi32>
      %lt3A_1811 = arith.constant 0 : i32
      %lt3A_1812 = vector.broadcast %lt3A_1811 : i32 to vector<16xi32>
      %lt3A_1813 = arith.cmpi slt, %rem3A_1807, %lt3A_1812 : vector<16xi32>
      %lt3A_1814 = arith.constant 0 : i32
      %lt3A_1815 = arith.cmpi slt, %select_n3A_1805, %lt3A_1814 : i32
      %ne3A_1816 = vector.broadcast %lt3A_1815 : i1 to vector<16xi1>
      %ne3A_1817 = vector.broadcast %ne3A_1816 : vector<16xi1> to vector<16xi1>
      %ne3A_1818 = arith.xori %lt3A_1813, %ne3A_1817 : vector<16xi1>
      %and3A_1819 = arith.andi %ne3A_1818, %ne3A_1810 : vector<16xi1>
      %add3A_1820 = vector.broadcast %select_n3A_1805 : i32 to vector<16xi32>
      %add3A_1821 = arith.addi %rem3A_1807, %add3A_1820 : vector<16xi32>
      %select_n3A_1822 = arith.select %and3A_1819, %add3A_1821, %rem3A_1807 : vector<16xi1>, vector<16xi32>
      %mul3A_1823 = arith.constant 4 : i32
      %mul3A_1824 = vector.broadcast %mul3A_1823 : i32 to vector<16xi32>
      %mul3A_1825 = arith.muli %select_n3A_1822, %mul3A_1824 : vector<16xi32>
      %add3A_1826 = arith.addi %mul3A_1769, %mul3A_1825 : vector<16xi32>
      %jit3A_1827 = arith.constant 16 : i32
      %div3A_1828 = vector.broadcast %jit3A_1827 : i32 to vector<16xi32>
      %div3A_1829 = arith.divsi %add3A_1744, %div3A_1828 : vector<16xi32>
      %sign3A_1830 = arith.constant 0 : i32
      %sign3A_1831 = vector.broadcast %sign3A_1830 : i32 to vector<16xi32>
      %sign3A_1832 = arith.cmpi sgt, %add3A_1744, %sign3A_1831 : vector<16xi32>
      %sign3A_1833 = arith.extui %sign3A_1832 : vector<16xi1> to vector<16xi32>
      %sign3A_1834 = arith.constant 0 : i32
      %sign3A_1835 = vector.broadcast %sign3A_1834 : i32 to vector<16xi32>
      %sign3A_1836 = arith.cmpi slt, %add3A_1744, %sign3A_1835 : vector<16xi32>
      %sign3A_1837 = arith.extui %sign3A_1836 : vector<16xi1> to vector<16xi32>
      %sign3A_1838 = arith.subi %sign3A_1833, %sign3A_1837 : vector<16xi32>
      %sign3A_1839 = arith.constant 0 : i32
      %sign3A_1840 = arith.cmpi sgt, %jit3A_1827, %sign3A_1839 : i32
      %sign3A_1841 = arith.extui %sign3A_1840 : i1 to i32
      %sign3A_1842 = arith.constant 0 : i32
      %sign3A_1843 = arith.cmpi slt, %jit3A_1827, %sign3A_1842 : i32
      %sign3A_1844 = arith.extui %sign3A_1843 : i1 to i32
      %sign3A_1845 = arith.subi %sign3A_1841, %sign3A_1844 : i32
      %ne3A_1846 = vector.broadcast %sign3A_1845 : i32 to vector<16xi32>
      %ne3A_1847 = arith.cmpi ne, %sign3A_1838, %ne3A_1846 : vector<16xi32>
      %rem3A_1848 = vector.broadcast %jit3A_1827 : i32 to vector<16xi32>
      %rem3A_1849 = arith.remsi %add3A_1744, %rem3A_1848 : vector<16xi32>
      %ne3A_1850 = arith.constant 0 : i32
      %ne3A_1851 = vector.broadcast %ne3A_1850 : i32 to vector<16xi32>
      %ne3A_1852 = arith.cmpi ne, %rem3A_1849, %ne3A_1851 : vector<16xi32>
      %and3A_1853 = arith.andi %ne3A_1847, %ne3A_1852 : vector<16xi1>
      %sub3A_1854 = arith.constant 1 : i32
      %sub3A_1855 = vector.broadcast %sub3A_1854 : i32 to vector<16xi32>
      %sub3A_1856 = arith.subi %div3A_1829, %sub3A_1855 : vector<16xi32>
      %select_n3A_1857 = arith.select %and3A_1853, %sub3A_1856, %div3A_1829 : vector<16xi1>, vector<16xi32>
      %add3A_1858 = arith.addi %add3A_1826, %select_n3A_1857 : vector<16xi32>
      %gather3A_1859 = tpu.vector_load_idx %arg10[%add3A_1858] : memref<64xi32, #tpu.memory_space<vmem>>[vector<16xi32>], vector<16xi32>,
      %ge3A_1860 = arith.constant 0 : i32
      %ge3A_1861 = vector.broadcast %ge3A_1860 : i32 to vector<16xi32>
      %ge3A_1862 = arith.cmpi sge, %gather3A_1859, %ge3A_1861 : vector<16xi32>
      %jit3A_1863 = arith.constant 64 : i32
      %broadcast_in_dim3A_1864 = vector.broadcast %jit3A_1863 : i32 to vector<16xi32>
      %select_n3A_1865 = arith.select %ge3A_1862, %add3A_1858, %broadcast_in_dim3A_1864 : vector<16xi1>, vector<16xi32>
      %swap3A_1866 = arith.constant 48 : index
      %swap3A_1867 = tpu.vector_load %arg12[%swap3A_1866] {strides = array<i32>} : memref<64xi32, #tpu.memory_space<vmem>>, vector<16xi32>,
      tpu.vector_store %arg12[%swap3A_1866], %select_n3A_1865 {strides = array<i32>} : memref<64xi32, #tpu.memory_space<vmem>>, vector<16xi32>,
      %mul3A_1868 = arith.constant 64 : i32
      %mul3A_1869 = arith.muli %select_n3A, %mul3A_1868 : i32
      "tpu.region"() ({
        %run_scoped3A_1870 = tpu.sem_alloc : memref<!tpu.dma_semaphore, #tpu.memory_space<semaphore_mem>>
        %dma_start3A_1871 = tpu.memref_slice %arg6[%mul3A_1869] : memref<256xi32, #tpu.memory_space<hbm>> -> memref<64xi32, #tpu.memory_space<hbm>>
        %dma_start3A_1872 = tpu.memref_slice %arg6[%mul3A_1869] : memref<256xi32, #tpu.memory_space<hbm>> -> memref<64xi32, #tpu.memory_space<hbm>>
        tpu.enqueue_dma source(%arg12 : memref<64xi32, #tpu.memory_space<vmem>>) target(%dma_start3A_1872 : memref<64xi32, #tpu.memory_space<hbm>>) target_semaphore(%run_scoped3A_1870 : memref<!tpu.dma_semaphore, #tpu.memory_space<semaphore_mem>>)
        %dma_wait3A_1873 = tpu.memref_slice %arg6[%mul3A_1869] : memref<256xi32, #tpu.memory_space<hbm>> -> memref<64xi32, #tpu.memory_space<hbm>>
        %dma_wait3A_1874 = tpu.memref_slice %arg6[%mul3A_1869] : memref<256xi32, #tpu.memory_space<hbm>> -> memref<64xi32, #tpu.memory_space<hbm>>
        tpu.wait_dma2 semaphore(%run_scoped3A_1870 : memref<!tpu.dma_semaphore, #tpu.memory_space<semaphore_mem>>) src(%arg12 : memref<64xi32, #tpu.memory_space<vmem>>) dst(%dma_wait3A_1874 : memref<64xi32, #tpu.memory_space<hbm>>)
        tpu.yield
      }) : () -> ()
    } else {
    }
    %dma_wait3A = arith.constant 0 : i32
    %dma_wait3A_967 = arith.constant 0 : i32
    %dma_wait3A_968 = arith.constant 0 : i32
    %dma_wait3A_969 = arith.constant 0 : i32
    %dma_wait3A_970 = tpu.memref_slice %arg14[%dma_wait3A_967, %dma_wait3A_968, %dma_wait3A_969] : memref<4x128x128xf32, #tpu.memory_space<vmem>> -> memref<1x128x128xf32, #tpu.memory_space<vmem>>
    %dma_wait3A_971 = tpu.memref_squeeze %dma_wait3A_970 : memref<1x128x128xf32, #tpu.memory_space<vmem>> -> memref<128x128xf32, #tpu.memory_space<vmem>>
    %dma_wait3A_972 = arith.constant 0 : i32
    %dma_wait3A_973 = tpu.memref_slice %arg13[%dma_wait3A, %dma_wait3A_972] : memref<8x128xi32, #tpu.memory_space<vmem>> -> memref<1x128xi32, #tpu.memory_space<vmem>>
    %dma_wait3A_974 = tpu.memref_squeeze %dma_wait3A_973 : memref<1x128xi32, #tpu.memory_space<vmem>> -> memref<128xi32, #tpu.memory_space<vmem>>
    %dma_wait3A_975 = arith.constant 0 : i32
    %dma_wait3A_976 = arith.constant 0 : i32
    %dma_wait3A_977 = tpu.memref_slice %arg4[%dma_wait3A_975, %dma_wait3A_976] : memref<131072x128xf32, #tpu.memory_space<hbm>> -> memref<131072x128xf32, #tpu.memory_space<hbm>>
    tpu.wait_indirect_dma semaphore(%arg15 : memref<!tpu.dma_semaphore, #tpu.memory_space<semaphore_mem>>) src(%dma_wait3A_977 : memref<131072x128xf32, #tpu.memory_space<hbm>>) dst(%dma_wait3A_971 : memref<128x128xf32, #tpu.memory_space<vmem>>)
    %mul3A_978 = arith.constant 8 : i32
    %mul3A_979 = arith.muli %add3A, %mul3A_978 : i32
    %add3A_980 = arith.constant 0 : i32
    %add3A_981 = arith.addi %mul3A_979, %add3A_980 : i32
    %mul3A_982 = arith.constant 128 : i32
    %mul3A_983 = arith.muli %add3A_981, %mul3A_982 : i32
    %dma_start3A_984 = arith.constant 0 : i32
    %dma_start3A_985 = arith.constant 0 : i32
    %dma_start3A_986 = arith.constant 0 : i32
    %dma_start3A_987 = tpu.memref_slice %arg14[%dma_start3A_984, %dma_start3A_985, %dma_start3A_986] : memref<4x128x128xf32, #tpu.memory_space<vmem>> -> memref<1x128x128xf32, #tpu.memory_space<vmem>>
    %dma_start3A_988 = tpu.memref_squeeze %dma_start3A_987 : memref<1x128x128xf32, #tpu.memory_space<vmem>> -> memref<128x128xf32, #tpu.memory_space<vmem>>
    %dma_start3A_989 = arith.constant 0 : i32
    %dma_start3A_990 = tpu.memref_slice %arg7[%mul3A_983, %dma_start3A_989] : memref<32768x128xf32, #tpu.memory_space<hbm>> -> memref<128x128xf32, #tpu.memory_space<hbm>>
    %dma_start3A_991 = arith.constant 0 : i32
    %dma_start3A_992 = tpu.memref_slice %arg7[%mul3A_983, %dma_start3A_991] : memref<32768x128xf32, #tpu.memory_space<hbm>> -> memref<128x128xf32, #tpu.memory_space<hbm>>
    %dma_start3A_993 = arith.constant 0 : i32
    %dma_start3A_994 = arith.constant 0 : i32
    %dma_start3A_995 = tpu.memref_slice %arg14[%dma_start3A_984, %dma_start3A_993, %dma_start3A_994] : memref<4x128x128xf32, #tpu.memory_space<vmem>> -> memref<1x128x128xf32, #tpu.memory_space<vmem>>
    %dma_start3A_996 = tpu.memref_squeeze %dma_start3A_995 : memref<1x128x128xf32, #tpu.memory_space<vmem>> -> memref<128x128xf32, #tpu.memory_space<vmem>>
    tpu.enqueue_dma source(%dma_start3A_996 : memref<128x128xf32, #tpu.memory_space<vmem>>) target(%dma_start3A_992 : memref<128x128xf32, #tpu.memory_space<hbm>>) target_semaphore(%arg19 : memref<!tpu.dma_semaphore, #tpu.memory_space<semaphore_mem>>)
    %dma_wait3A_997 = arith.constant 1 : i32
    %dma_wait3A_998 = arith.constant 1 : i32
    %dma_wait3A_999 = arith.constant 0 : i32
    %dma_wait3A_1000 = arith.constant 0 : i32
    %dma_wait3A_1001 = tpu.memref_slice %arg14[%dma_wait3A_998, %dma_wait3A_999, %dma_wait3A_1000] : memref<4x128x128xf32, #tpu.memory_space<vmem>> -> memref<1x128x128xf32, #tpu.memory_space<vmem>>
    %dma_wait3A_1002 = tpu.memref_squeeze %dma_wait3A_1001 : memref<1x128x128xf32, #tpu.memory_space<vmem>> -> memref<128x128xf32, #tpu.memory_space<vmem>>
    %dma_wait3A_1003 = arith.constant 0 : i32
    %dma_wait3A_1004 = tpu.memref_slice %arg13[%dma_wait3A_997, %dma_wait3A_1003] : memref<8x128xi32, #tpu.memory_space<vmem>> -> memref<1x128xi32, #tpu.memory_space<vmem>>
    %dma_wait3A_1005 = tpu.memref_squeeze %dma_wait3A_1004 : memref<1x128xi32, #tpu.memory_space<vmem>> -> memref<128xi32, #tpu.memory_space<vmem>>
    %dma_wait3A_1006 = arith.constant 0 : i32
    %dma_wait3A_1007 = arith.constant 0 : i32
    %dma_wait3A_1008 = tpu.memref_slice %arg4[%dma_wait3A_1006, %dma_wait3A_1007] : memref<131072x128xf32, #tpu.memory_space<hbm>> -> memref<131072x128xf32, #tpu.memory_space<hbm>>
    tpu.wait_indirect_dma semaphore(%arg16 : memref<!tpu.dma_semaphore, #tpu.memory_space<semaphore_mem>>) src(%dma_wait3A_1008 : memref<131072x128xf32, #tpu.memory_space<hbm>>) dst(%dma_wait3A_1002 : memref<128x128xf32, #tpu.memory_space<vmem>>)
    %mul3A_1009 = arith.constant 8 : i32
    %mul3A_1010 = arith.muli %add3A, %mul3A_1009 : i32
    %add3A_1011 = arith.constant 1 : i32
    %add3A_1012 = arith.addi %mul3A_1010, %add3A_1011 : i32
    %mul3A_1013 = arith.constant 128 : i32
    %mul3A_1014 = arith.muli %add3A_1012, %mul3A_1013 : i32
    %dma_start3A_1015 = arith.constant 1 : i32
    %dma_start3A_1016 = arith.constant 0 : i32
    %dma_start3A_1017 = arith.constant 0 : i32
    %dma_start3A_1018 = tpu.memref_slice %arg14[%dma_start3A_1015, %dma_start3A_1016, %dma_start3A_1017] : memref<4x128x128xf32, #tpu.memory_space<vmem>> -> memref<1x128x128xf32, #tpu.memory_space<vmem>>
    %dma_start3A_1019 = tpu.memref_squeeze %dma_start3A_1018 : memref<1x128x128xf32, #tpu.memory_space<vmem>> -> memref<128x128xf32, #tpu.memory_space<vmem>>
    %dma_start3A_1020 = arith.constant 0 : i32
    %dma_start3A_1021 = tpu.memref_slice %arg7[%mul3A_1014, %dma_start3A_1020] : memref<32768x128xf32, #tpu.memory_space<hbm>> -> memref<128x128xf32, #tpu.memory_space<hbm>>
    %dma_start3A_1022 = arith.constant 0 : i32
    %dma_start3A_1023 = tpu.memref_slice %arg7[%mul3A_1014, %dma_start3A_1022] : memref<32768x128xf32, #tpu.memory_space<hbm>> -> memref<128x128xf32, #tpu.memory_space<hbm>>
    %dma_start3A_1024 = arith.constant 0 : i32
    %dma_start3A_1025 = arith.constant 0 : i32
    %dma_start3A_1026 = tpu.memref_slice %arg14[%dma_start3A_1015, %dma_start3A_1024, %dma_start3A_1025] : memref<4x128x128xf32, #tpu.memory_space<vmem>> -> memref<1x128x128xf32, #tpu.memory_space<vmem>>
    %dma_start3A_1027 = tpu.memref_squeeze %dma_start3A_1026 : memref<1x128x128xf32, #tpu.memory_space<vmem>> -> memref<128x128xf32, #tpu.memory_space<vmem>>
    tpu.enqueue_dma source(%dma_start3A_1027 : memref<128x128xf32, #tpu.memory_space<vmem>>) target(%dma_start3A_1023 : memref<128x128xf32, #tpu.memory_space<hbm>>) target_semaphore(%arg20 : memref<!tpu.dma_semaphore, #tpu.memory_space<semaphore_mem>>)
    %dma_wait3A_1028 = arith.constant 2 : i32
    %dma_wait3A_1029 = arith.constant 2 : i32
    %dma_wait3A_1030 = arith.constant 0 : i32
    %dma_wait3A_1031 = arith.constant 0 : i32
    %dma_wait3A_1032 = tpu.memref_slice %arg14[%dma_wait3A_1029, %dma_wait3A_1030, %dma_wait3A_1031] : memref<4x128x128xf32, #tpu.memory_space<vmem>> -> memref<1x128x128xf32, #tpu.memory_space<vmem>>
    %dma_wait3A_1033 = tpu.memref_squeeze %dma_wait3A_1032 : memref<1x128x128xf32, #tpu.memory_space<vmem>> -> memref<128x128xf32, #tpu.memory_space<vmem>>
    %dma_wait3A_1034 = arith.constant 0 : i32
    %dma_wait3A_1035 = tpu.memref_slice %arg13[%dma_wait3A_1028, %dma_wait3A_1034] : memref<8x128xi32, #tpu.memory_space<vmem>> -> memref<1x128xi32, #tpu.memory_space<vmem>>
    %dma_wait3A_1036 = tpu.memref_squeeze %dma_wait3A_1035 : memref<1x128xi32, #tpu.memory_space<vmem>> -> memref<128xi32, #tpu.memory_space<vmem>>
    %dma_wait3A_1037 = arith.constant 0 : i32
    %dma_wait3A_1038 = arith.constant 0 : i32
    %dma_wait3A_1039 = tpu.memref_slice %arg4[%dma_wait3A_1037, %dma_wait3A_1038] : memref<131072x128xf32, #tpu.memory_space<hbm>> -> memref<131072x128xf32, #tpu.memory_space<hbm>>
    tpu.wait_indirect_dma semaphore(%arg17 : memref<!tpu.dma_semaphore, #tpu.memory_space<semaphore_mem>>) src(%dma_wait3A_1039 : memref<131072x128xf32, #tpu.memory_space<hbm>>) dst(%dma_wait3A_1033 : memref<128x128xf32, #tpu.memory_space<vmem>>)
    %mul3A_1040 = arith.constant 8 : i32
    %mul3A_1041 = arith.muli %add3A, %mul3A_1040 : i32
    %add3A_1042 = arith.constant 2 : i32
    %add3A_1043 = arith.addi %mul3A_1041, %add3A_1042 : i32
    %mul3A_1044 = arith.constant 128 : i32
    %mul3A_1045 = arith.muli %add3A_1043, %mul3A_1044 : i32
    %dma_start3A_1046 = arith.constant 2 : i32
    %dma_start3A_1047 = arith.constant 0 : i32
    %dma_start3A_1048 = arith.constant 0 : i32
    %dma_start3A_1049 = tpu.memref_slice %arg14[%dma_start3A_1046, %dma_start3A_1047, %dma_start3A_1048] : memref<4x128x128xf32, #tpu.memory_space<vmem>> -> memref<1x128x128xf32, #tpu.memory_space<vmem>>
    %dma_start3A_1050 = tpu.memref_squeeze %dma_start3A_1049 : memref<1x128x128xf32, #tpu.memory_space<vmem>> -> memref<128x128xf32, #tpu.memory_space<vmem>>
    %dma_start3A_1051 = arith.constant 0 : i32
    %dma_start3A_1052 = tpu.memref_slice %arg7[%mul3A_1045, %dma_start3A_1051] : memref<32768x128xf32, #tpu.memory_space<hbm>> -> memref<128x128xf32, #tpu.memory_space<hbm>>
    %dma_start3A_1053 = arith.constant 0 : i32
    %dma_start3A_1054 = tpu.memref_slice %arg7[%mul3A_1045, %dma_start3A_1053] : memref<32768x128xf32, #tpu.memory_space<hbm>> -> memref<128x128xf32, #tpu.memory_space<hbm>>
    %dma_start3A_1055 = arith.constant 0 : i32
    %dma_start3A_1056 = arith.constant 0 : i32
    %dma_start3A_1057 = tpu.memref_slice %arg14[%dma_start3A_1046, %dma_start3A_1055, %dma_start3A_1056] : memref<4x128x128xf32, #tpu.memory_space<vmem>> -> memref<1x128x128xf32, #tpu.memory_space<vmem>>
    %dma_start3A_1058 = tpu.memref_squeeze %dma_start3A_1057 : memref<1x128x128xf32, #tpu.memory_space<vmem>> -> memref<128x128xf32, #tpu.memory_space<vmem>>
    tpu.enqueue_dma source(%dma_start3A_1058 : memref<128x128xf32, #tpu.memory_space<vmem>>) target(%dma_start3A_1054 : memref<128x128xf32, #tpu.memory_space<hbm>>) target_semaphore(%arg21 : memref<!tpu.dma_semaphore, #tpu.memory_space<semaphore_mem>>)
    %dma_wait3A_1059 = arith.constant 3 : i32
    %dma_wait3A_1060 = arith.constant 3 : i32
    %dma_wait3A_1061 = arith.constant 0 : i32
    %dma_wait3A_1062 = arith.constant 0 : i32
    %dma_wait3A_1063 = tpu.memref_slice %arg14[%dma_wait3A_1060, %dma_wait3A_1061, %dma_wait3A_1062] : memref<4x128x128xf32, #tpu.memory_space<vmem>> -> memref<1x128x128xf32, #tpu.memory_space<vmem>>
    %dma_wait3A_1064 = tpu.memref_squeeze %dma_wait3A_1063 : memref<1x128x128xf32, #tpu.memory_space<vmem>> -> memref<128x128xf32, #tpu.memory_space<vmem>>
    %dma_wait3A_1065 = arith.constant 0 : i32
    %dma_wait3A_1066 = tpu.memref_slice %arg13[%dma_wait3A_1059, %dma_wait3A_1065] : memref<8x128xi32, #tpu.memory_space<vmem>> -> memref<1x128xi32, #tpu.memory_space<vmem>>
    %dma_wait3A_1067 = tpu.memref_squeeze %dma_wait3A_1066 : memref<1x128xi32, #tpu.memory_space<vmem>> -> memref<128xi32, #tpu.memory_space<vmem>>
    %dma_wait3A_1068 = arith.constant 0 : i32
    %dma_wait3A_1069 = arith.constant 0 : i32
    %dma_wait3A_1070 = tpu.memref_slice %arg4[%dma_wait3A_1068, %dma_wait3A_1069] : memref<131072x128xf32, #tpu.memory_space<hbm>> -> memref<131072x128xf32, #tpu.memory_space<hbm>>
    tpu.wait_indirect_dma semaphore(%arg18 : memref<!tpu.dma_semaphore, #tpu.memory_space<semaphore_mem>>) src(%dma_wait3A_1070 : memref<131072x128xf32, #tpu.memory_space<hbm>>) dst(%dma_wait3A_1064 : memref<128x128xf32, #tpu.memory_space<vmem>>)
    %mul3A_1071 = arith.constant 8 : i32
    %mul3A_1072 = arith.muli %add3A, %mul3A_1071 : i32
    %add3A_1073 = arith.constant 3 : i32
    %add3A_1074 = arith.addi %mul3A_1072, %add3A_1073 : i32
    %mul3A_1075 = arith.constant 128 : i32
    %mul3A_1076 = arith.muli %add3A_1074, %mul3A_1075 : i32
    %dma_start3A_1077 = arith.constant 3 : i32
    %dma_start3A_1078 = arith.constant 0 : i32
    %dma_start3A_1079 = arith.constant 0 : i32
    %dma_start3A_1080 = tpu.memref_slice %arg14[%dma_start3A_1077, %dma_start3A_1078, %dma_start3A_1079] : memref<4x128x128xf32, #tpu.memory_space<vmem>> -> memref<1x128x128xf32, #tpu.memory_space<vmem>>
    %dma_start3A_1081 = tpu.memref_squeeze %dma_start3A_1080 : memref<1x128x128xf32, #tpu.memory_space<vmem>> -> memref<128x128xf32, #tpu.memory_space<vmem>>
    %dma_start3A_1082 = arith.constant 0 : i32
    %dma_start3A_1083 = tpu.memref_slice %arg7[%mul3A_1076, %dma_start3A_1082] : memref<32768x128xf32, #tpu.memory_space<hbm>> -> memref<128x128xf32, #tpu.memory_space<hbm>>
    %dma_start3A_1084 = arith.constant 0 : i32
    %dma_start3A_1085 = tpu.memref_slice %arg7[%mul3A_1076, %dma_start3A_1084] : memref<32768x128xf32, #tpu.memory_space<hbm>> -> memref<128x128xf32, #tpu.memory_space<hbm>>
    %dma_start3A_1086 = arith.constant 0 : i32
    %dma_start3A_1087 = arith.constant 0 : i32
    %dma_start3A_1088 = tpu.memref_slice %arg14[%dma_start3A_1077, %dma_start3A_1086, %dma_start3A_1087] : memref<4x128x128xf32, #tpu.memory_space<vmem>> -> memref<1x128x128xf32, #tpu.memory_space<vmem>>
    %dma_start3A_1089 = tpu.memref_squeeze %dma_start3A_1088 : memref<1x128x128xf32, #tpu.memory_space<vmem>> -> memref<128x128xf32, #tpu.memory_space<vmem>>
    tpu.enqueue_dma source(%dma_start3A_1089 : memref<128x128xf32, #tpu.memory_space<vmem>>) target(%dma_start3A_1085 : memref<128x128xf32, #tpu.memory_space<hbm>>) target_semaphore(%arg22 : memref<!tpu.dma_semaphore, #tpu.memory_space<semaphore_mem>>)
    %dma_wait3A_1090 = arith.constant 0 : i32
    %dma_wait3A_1091 = arith.constant 0 : i32
    %dma_wait3A_1092 = arith.constant 0 : i32
    %dma_wait3A_1093 = tpu.memref_slice %arg14[%dma_wait3A_1090, %dma_wait3A_1091, %dma_wait3A_1092] : memref<4x128x128xf32, #tpu.memory_space<vmem>> -> memref<1x128x128xf32, #tpu.memory_space<vmem>>
    %dma_wait3A_1094 = tpu.memref_squeeze %dma_wait3A_1093 : memref<1x128x128xf32, #tpu.memory_space<vmem>> -> memref<128x128xf32, #tpu.memory_space<vmem>>
    %dma_wait3A_1095 = arith.constant 0 : i32
    %dma_wait3A_1096 = tpu.memref_slice %arg7[%mul3A_983, %dma_wait3A_1095] : memref<32768x128xf32, #tpu.memory_space<hbm>> -> memref<128x128xf32, #tpu.memory_space<hbm>>
    %dma_wait3A_1097 = arith.constant 0 : i32
    %dma_wait3A_1098 = tpu.memref_slice %arg7[%mul3A_983, %dma_wait3A_1097] : memref<32768x128xf32, #tpu.memory_space<hbm>> -> memref<128x128xf32, #tpu.memory_space<hbm>>
    %dma_wait3A_1099 = arith.constant 0 : i32
    %dma_wait3A_1100 = arith.constant 0 : i32
    %dma_wait3A_1101 = tpu.memref_slice %arg14[%dma_wait3A_1090, %dma_wait3A_1099, %dma_wait3A_1100] : memref<4x128x128xf32, #tpu.memory_space<vmem>> -> memref<1x128x128xf32, #tpu.memory_space<vmem>>
    %dma_wait3A_1102 = tpu.memref_squeeze %dma_wait3A_1101 : memref<1x128x128xf32, #tpu.memory_space<vmem>> -> memref<128x128xf32, #tpu.memory_space<vmem>>
    tpu.wait_dma2 semaphore(%arg19 : memref<!tpu.dma_semaphore, #tpu.memory_space<semaphore_mem>>) src(%dma_wait3A_1102 : memref<128x128xf32, #tpu.memory_space<vmem>>) dst(%dma_wait3A_1098 : memref<128x128xf32, #tpu.memory_space<hbm>>)
    %dma_start3A_1103 = arith.constant 4 : i32
    %dma_start3A_1104 = arith.constant 0 : i32
    %dma_start3A_1105 = arith.constant 0 : i32
    %dma_start3A_1106 = arith.constant 0 : i32
    %dma_start3A_1107 = tpu.memref_slice %arg14[%dma_start3A_1104, %dma_start3A_1105, %dma_start3A_1106] : memref<4x128x128xf32, #tpu.memory_space<vmem>> -> memref<1x128x128xf32, #tpu.memory_space<vmem>>
    %dma_start3A_1108 = tpu.memref_squeeze %dma_start3A_1107 : memref<1x128x128xf32, #tpu.memory_space<vmem>> -> memref<128x128xf32, #tpu.memory_space<vmem>>
    %dma_start3A_1109 = arith.constant 0 : i32
    %dma_start3A_1110 = tpu.memref_slice %arg13[%dma_start3A_1103, %dma_start3A_1109] : memref<8x128xi32, #tpu.memory_space<vmem>> -> memref<1x128xi32, #tpu.memory_space<vmem>>
    %dma_start3A_1111 = tpu.memref_squeeze %dma_start3A_1110 : memref<1x128xi32, #tpu.memory_space<vmem>> -> memref<128xi32, #tpu.memory_space<vmem>>
    %dma_start3A_1112 = arith.constant 0 : i32
    %dma_start3A_1113 = arith.constant 0 : i32
    %dma_start3A_1114 = tpu.memref_slice %arg4[%dma_start3A_1112, %dma_start3A_1113] : memref<131072x128xf32, #tpu.memory_space<hbm>> -> memref<131072x128xf32, #tpu.memory_space<hbm>>
    tpu.enqueue_indirect_dma source(%dma_start3A_1114 : memref<131072x128xf32, #tpu.memory_space<hbm>>) target(%dma_start3A_1108 : memref<128x128xf32, #tpu.memory_space<vmem>>) offsets(%dma_start3A_1111 : memref<128xi32, #tpu.memory_space<vmem>>) semaphore(%arg15 : memref<!tpu.dma_semaphore, #tpu.memory_space<semaphore_mem>>)
    %dma_wait3A_1115 = arith.constant 4 : i32
    %dma_wait3A_1116 = arith.constant 0 : i32
    %dma_wait3A_1117 = arith.constant 0 : i32
    %dma_wait3A_1118 = arith.constant 0 : i32
    %dma_wait3A_1119 = tpu.memref_slice %arg14[%dma_wait3A_1116, %dma_wait3A_1117, %dma_wait3A_1118] : memref<4x128x128xf32, #tpu.memory_space<vmem>> -> memref<1x128x128xf32, #tpu.memory_space<vmem>>
    %dma_wait3A_1120 = tpu.memref_squeeze %dma_wait3A_1119 : memref<1x128x128xf32, #tpu.memory_space<vmem>> -> memref<128x128xf32, #tpu.memory_space<vmem>>
    %dma_wait3A_1121 = arith.constant 0 : i32
    %dma_wait3A_1122 = tpu.memref_slice %arg13[%dma_wait3A_1115, %dma_wait3A_1121] : memref<8x128xi32, #tpu.memory_space<vmem>> -> memref<1x128xi32, #tpu.memory_space<vmem>>
    %dma_wait3A_1123 = tpu.memref_squeeze %dma_wait3A_1122 : memref<1x128xi32, #tpu.memory_space<vmem>> -> memref<128xi32, #tpu.memory_space<vmem>>
    %dma_wait3A_1124 = arith.constant 0 : i32
    %dma_wait3A_1125 = arith.constant 0 : i32
    %dma_wait3A_1126 = tpu.memref_slice %arg4[%dma_wait3A_1124, %dma_wait3A_1125] : memref<131072x128xf32, #tpu.memory_space<hbm>> -> memref<131072x128xf32, #tpu.memory_space<hbm>>
    tpu.wait_indirect_dma semaphore(%arg15 : memref<!tpu.dma_semaphore, #tpu.memory_space<semaphore_mem>>) src(%dma_wait3A_1126 : memref<131072x128xf32, #tpu.memory_space<hbm>>) dst(%dma_wait3A_1120 : memref<128x128xf32, #tpu.memory_space<vmem>>)
    %mul3A_1127 = arith.constant 8 : i32
    %mul3A_1128 = arith.muli %add3A, %mul3A_1127 : i32
    %add3A_1129 = arith.constant 4 : i32
    %add3A_1130 = arith.addi %mul3A_1128, %add3A_1129 : i32
    %mul3A_1131 = arith.constant 128 : i32
    %mul3A_1132 = arith.muli %add3A_1130, %mul3A_1131 : i32
    %dma_start3A_1133 = arith.constant 0 : i32
    %dma_start3A_1134 = arith.constant 0 : i32
    %dma_start3A_1135 = arith.constant 0 : i32
    %dma_start3A_1136 = tpu.memref_slice %arg14[%dma_start3A_1133, %dma_start3A_1134, %dma_start3A_1135] : memref<4x128x128xf32, #tpu.memory_space<vmem>> -> memref<1x128x128xf32, #tpu.memory_space<vmem>>
    %dma_start3A_1137 = tpu.memref_squeeze %dma_start3A_1136 : memref<1x128x128xf32, #tpu.memory_space<vmem>> -> memref<128x128xf32, #tpu.memory_space<vmem>>
    %dma_start3A_1138 = arith.constant 0 : i32
    %dma_start3A_1139 = tpu.memref_slice %arg7[%mul3A_1132, %dma_start3A_1138] : memref<32768x128xf32, #tpu.memory_space<hbm>> -> memref<128x128xf32, #tpu.memory_space<hbm>>
    %dma_start3A_1140 = arith.constant 0 : i32
    %dma_start3A_1141 = tpu.memref_slice %arg7[%mul3A_1132, %dma_start3A_1140] : memref<32768x128xf32, #tpu.memory_space<hbm>> -> memref<128x128xf32, #tpu.memory_space<hbm>>
    %dma_start3A_1142 = arith.constant 0 : i32
    %dma_start3A_1143 = arith.constant 0 : i32
    %dma_start3A_1144 = tpu.memref_slice %arg14[%dma_start3A_1133, %dma_start3A_1142, %dma_start3A_1143] : memref<4x128x128xf32, #tpu.memory_space<vmem>> -> memref<1x128x128xf32, #tpu.memory_space<vmem>>
    %dma_start3A_1145 = tpu.memref_squeeze %dma_start3A_1144 : memref<1x128x128xf32, #tpu.memory_space<vmem>> -> memref<128x128xf32, #tpu.memory_space<vmem>>
    tpu.enqueue_dma source(%dma_start3A_1145 : memref<128x128xf32, #tpu.memory_space<vmem>>) target(%dma_start3A_1141 : memref<128x128xf32, #tpu.memory_space<hbm>>) target_semaphore(%arg19 : memref<!tpu.dma_semaphore, #tpu.memory_space<semaphore_mem>>)
    %dma_wait3A_1146 = arith.constant 1 : i32
    %dma_wait3A_1147 = arith.constant 0 : i32
    %dma_wait3A_1148 = arith.constant 0 : i32
    %dma_wait3A_1149 = tpu.memref_slice %arg14[%dma_wait3A_1146, %dma_wait3A_1147, %dma_wait3A_1148] : memref<4x128x128xf32, #tpu.memory_space<vmem>> -> memref<1x128x128xf32, #tpu.memory_space<vmem>>
    %dma_wait3A_1150 = tpu.memref_squeeze %dma_wait3A_1149 : memref<1x128x128xf32, #tpu.memory_space<vmem>> -> memref<128x128xf32, #tpu.memory_space<vmem>>
    %dma_wait3A_1151 = arith.constant 0 : i32
    %dma_wait3A_1152 = tpu.memref_slice %arg7[%mul3A_1014, %dma_wait3A_1151] : memref<32768x128xf32, #tpu.memory_space<hbm>> -> memref<128x128xf32, #tpu.memory_space<hbm>>
    %dma_wait3A_1153 = arith.constant 0 : i32
    %dma_wait3A_1154 = tpu.memref_slice %arg7[%mul3A_1014, %dma_wait3A_1153] : memref<32768x128xf32, #tpu.memory_space<hbm>> -> memref<128x128xf32, #tpu.memory_space<hbm>>
    %dma_wait3A_1155 = arith.constant 0 : i32
    %dma_wait3A_1156 = arith.constant 0 : i32
    %dma_wait3A_1157 = tpu.memref_slice %arg14[%dma_wait3A_1146, %dma_wait3A_1155, %dma_wait3A_1156] : memref<4x128x128xf32, #tpu.memory_space<vmem>> -> memref<1x128x128xf32, #tpu.memory_space<vmem>>
    %dma_wait3A_1158 = tpu.memref_squeeze %dma_wait3A_1157 : memref<1x128x128xf32, #tpu.memory_space<vmem>> -> memref<128x128xf32, #tpu.memory_space<vmem>>
    tpu.wait_dma2 semaphore(%arg20 : memref<!tpu.dma_semaphore, #tpu.memory_space<semaphore_mem>>) src(%dma_wait3A_1158 : memref<128x128xf32, #tpu.memory_space<vmem>>) dst(%dma_wait3A_1154 : memref<128x128xf32, #tpu.memory_space<hbm>>)
    %dma_start3A_1159 = arith.constant 5 : i32
    %dma_start3A_1160 = arith.constant 1 : i32
    %dma_start3A_1161 = arith.constant 0 : i32
    %dma_start3A_1162 = arith.constant 0 : i32
    %dma_start3A_1163 = tpu.memref_slice %arg14[%dma_start3A_1160, %dma_start3A_1161, %dma_start3A_1162] : memref<4x128x128xf32, #tpu.memory_space<vmem>> -> memref<1x128x128xf32, #tpu.memory_space<vmem>>
    %dma_start3A_1164 = tpu.memref_squeeze %dma_start3A_1163 : memref<1x128x128xf32, #tpu.memory_space<vmem>> -> memref<128x128xf32, #tpu.memory_space<vmem>>
    %dma_start3A_1165 = arith.constant 0 : i32
    %dma_start3A_1166 = tpu.memref_slice %arg13[%dma_start3A_1159, %dma_start3A_1165] : memref<8x128xi32, #tpu.memory_space<vmem>> -> memref<1x128xi32, #tpu.memory_space<vmem>>
    %dma_start3A_1167 = tpu.memref_squeeze %dma_start3A_1166 : memref<1x128xi32, #tpu.memory_space<vmem>> -> memref<128xi32, #tpu.memory_space<vmem>>
    %dma_start3A_1168 = arith.constant 0 : i32
    %dma_start3A_1169 = arith.constant 0 : i32
    %dma_start3A_1170 = tpu.memref_slice %arg4[%dma_start3A_1168, %dma_start3A_1169] : memref<131072x128xf32, #tpu.memory_space<hbm>> -> memref<131072x128xf32, #tpu.memory_space<hbm>>
    tpu.enqueue_indirect_dma source(%dma_start3A_1170 : memref<131072x128xf32, #tpu.memory_space<hbm>>) target(%dma_start3A_1164 : memref<128x128xf32, #tpu.memory_space<vmem>>) offsets(%dma_start3A_1167 : memref<128xi32, #tpu.memory_space<vmem>>) semaphore(%arg16 : memref<!tpu.dma_semaphore, #tpu.memory_space<semaphore_mem>>)
    %dma_wait3A_1171 = arith.constant 5 : i32
    %dma_wait3A_1172 = arith.constant 1 : i32
    %dma_wait3A_1173 = arith.constant 0 : i32
    %dma_wait3A_1174 = arith.constant 0 : i32
    %dma_wait3A_1175 = tpu.memref_slice %arg14[%dma_wait3A_1172, %dma_wait3A_1173, %dma_wait3A_1174] : memref<4x128x128xf32, #tpu.memory_space<vmem>> -> memref<1x128x128xf32, #tpu.memory_space<vmem>>
    %dma_wait3A_1176 = tpu.memref_squeeze %dma_wait3A_1175 : memref<1x128x128xf32, #tpu.memory_space<vmem>> -> memref<128x128xf32, #tpu.memory_space<vmem>>
    %dma_wait3A_1177 = arith.constant 0 : i32
    %dma_wait3A_1178 = tpu.memref_slice %arg13[%dma_wait3A_1171, %dma_wait3A_1177] : memref<8x128xi32, #tpu.memory_space<vmem>> -> memref<1x128xi32, #tpu.memory_space<vmem>>
    %dma_wait3A_1179 = tpu.memref_squeeze %dma_wait3A_1178 : memref<1x128xi32, #tpu.memory_space<vmem>> -> memref<128xi32, #tpu.memory_space<vmem>>
    %dma_wait3A_1180 = arith.constant 0 : i32
    %dma_wait3A_1181 = arith.constant 0 : i32
    %dma_wait3A_1182 = tpu.memref_slice %arg4[%dma_wait3A_1180, %dma_wait3A_1181] : memref<131072x128xf32, #tpu.memory_space<hbm>> -> memref<131072x128xf32, #tpu.memory_space<hbm>>
    tpu.wait_indirect_dma semaphore(%arg16 : memref<!tpu.dma_semaphore, #tpu.memory_space<semaphore_mem>>) src(%dma_wait3A_1182 : memref<131072x128xf32, #tpu.memory_space<hbm>>) dst(%dma_wait3A_1176 : memref<128x128xf32, #tpu.memory_space<vmem>>)
    %mul3A_1183 = arith.constant 8 : i32
    %mul3A_1184 = arith.muli %add3A, %mul3A_1183 : i32
    %add3A_1185 = arith.constant 5 : i32
    %add3A_1186 = arith.addi %mul3A_1184, %add3A_1185 : i32
    %mul3A_1187 = arith.constant 128 : i32
    %mul3A_1188 = arith.muli %add3A_1186, %mul3A_1187 : i32
    %dma_start3A_1189 = arith.constant 1 : i32
    %dma_start3A_1190 = arith.constant 0 : i32
    %dma_start3A_1191 = arith.constant 0 : i32
    %dma_start3A_1192 = tpu.memref_slice %arg14[%dma_start3A_1189, %dma_start3A_1190, %dma_start3A_1191] : memref<4x128x128xf32, #tpu.memory_space<vmem>> -> memref<1x128x128xf32, #tpu.memory_space<vmem>>
    %dma_start3A_1193 = tpu.memref_squeeze %dma_start3A_1192 : memref<1x128x128xf32, #tpu.memory_space<vmem>> -> memref<128x128xf32, #tpu.memory_space<vmem>>
    %dma_start3A_1194 = arith.constant 0 : i32
    %dma_start3A_1195 = tpu.memref_slice %arg7[%mul3A_1188, %dma_start3A_1194] : memref<32768x128xf32, #tpu.memory_space<hbm>> -> memref<128x128xf32, #tpu.memory_space<hbm>>
    %dma_start3A_1196 = arith.constant 0 : i32
    %dma_start3A_1197 = tpu.memref_slice %arg7[%mul3A_1188, %dma_start3A_1196] : memref<32768x128xf32, #tpu.memory_space<hbm>> -> memref<128x128xf32, #tpu.memory_space<hbm>>
    %dma_start3A_1198 = arith.constant 0 : i32
    %dma_start3A_1199 = arith.constant 0 : i32
    %dma_start3A_1200 = tpu.memref_slice %arg14[%dma_start3A_1189, %dma_start3A_1198, %dma_start3A_1199] : memref<4x128x128xf32, #tpu.memory_space<vmem>> -> memref<1x128x128xf32, #tpu.memory_space<vmem>>
    %dma_start3A_1201 = tpu.memref_squeeze %dma_start3A_1200 : memref<1x128x128xf32, #tpu.memory_space<vmem>> -> memref<128x128xf32, #tpu.memory_space<vmem>>
    tpu.enqueue_dma source(%dma_start3A_1201 : memref<128x128xf32, #tpu.memory_space<vmem>>) target(%dma_start3A_1197 : memref<128x128xf32, #tpu.memory_space<hbm>>) target_semaphore(%arg20 : memref<!tpu.dma_semaphore, #tpu.memory_space<semaphore_mem>>)
    %dma_wait3A_1202 = arith.constant 2 : i32
    %dma_wait3A_1203 = arith.constant 0 : i32
    %dma_wait3A_1204 = arith.constant 0 : i32
    %dma_wait3A_1205 = tpu.memref_slice %arg14[%dma_wait3A_1202, %dma_wait3A_1203, %dma_wait3A_1204] : memref<4x128x128xf32, #tpu.memory_space<vmem>> -> memref<1x128x128xf32, #tpu.memory_space<vmem>>
    %dma_wait3A_1206 = tpu.memref_squeeze %dma_wait3A_1205 : memref<1x128x128xf32, #tpu.memory_space<vmem>> -> memref<128x128xf32, #tpu.memory_space<vmem>>
    %dma_wait3A_1207 = arith.constant 0 : i32
    %dma_wait3A_1208 = tpu.memref_slice %arg7[%mul3A_1045, %dma_wait3A_1207] : memref<32768x128xf32, #tpu.memory_space<hbm>> -> memref<128x128xf32, #tpu.memory_space<hbm>>
    %dma_wait3A_1209 = arith.constant 0 : i32
    %dma_wait3A_1210 = tpu.memref_slice %arg7[%mul3A_1045, %dma_wait3A_1209] : memref<32768x128xf32, #tpu.memory_space<hbm>> -> memref<128x128xf32, #tpu.memory_space<hbm>>
    %dma_wait3A_1211 = arith.constant 0 : i32
    %dma_wait3A_1212 = arith.constant 0 : i32
    %dma_wait3A_1213 = tpu.memref_slice %arg14[%dma_wait3A_1202, %dma_wait3A_1211, %dma_wait3A_1212] : memref<4x128x128xf32, #tpu.memory_space<vmem>> -> memref<1x128x128xf32, #tpu.memory_space<vmem>>
    %dma_wait3A_1214 = tpu.memref_squeeze %dma_wait3A_1213 : memref<1x128x128xf32, #tpu.memory_space<vmem>> -> memref<128x128xf32, #tpu.memory_space<vmem>>
    tpu.wait_dma2 semaphore(%arg21 : memref<!tpu.dma_semaphore, #tpu.memory_space<semaphore_mem>>) src(%dma_wait3A_1214 : memref<128x128xf32, #tpu.memory_space<vmem>>) dst(%dma_wait3A_1210 : memref<128x128xf32, #tpu.memory_space<hbm>>)
    %dma_start3A_1215 = arith.constant 6 : i32
    %dma_start3A_1216 = arith.constant 2 : i32
    %dma_start3A_1217 = arith.constant 0 : i32
    %dma_start3A_1218 = arith.constant 0 : i32
    %dma_start3A_1219 = tpu.memref_slice %arg14[%dma_start3A_1216, %dma_start3A_1217, %dma_start3A_1218] : memref<4x128x128xf32, #tpu.memory_space<vmem>> -> memref<1x128x128xf32, #tpu.memory_space<vmem>>
    %dma_start3A_1220 = tpu.memref_squeeze %dma_start3A_1219 : memref<1x128x128xf32, #tpu.memory_space<vmem>> -> memref<128x128xf32, #tpu.memory_space<vmem>>
    %dma_start3A_1221 = arith.constant 0 : i32
    %dma_start3A_1222 = tpu.memref_slice %arg13[%dma_start3A_1215, %dma_start3A_1221] : memref<8x128xi32, #tpu.memory_space<vmem>> -> memref<1x128xi32, #tpu.memory_space<vmem>>
    %dma_start3A_1223 = tpu.memref_squeeze %dma_start3A_1222 : memref<1x128xi32, #tpu.memory_space<vmem>> -> memref<128xi32, #tpu.memory_space<vmem>>
    %dma_start3A_1224 = arith.constant 0 : i32
    %dma_start3A_1225 = arith.constant 0 : i32
    %dma_start3A_1226 = tpu.memref_slice %arg4[%dma_start3A_1224, %dma_start3A_1225] : memref<131072x128xf32, #tpu.memory_space<hbm>> -> memref<131072x128xf32, #tpu.memory_space<hbm>>
    tpu.enqueue_indirect_dma source(%dma_start3A_1226 : memref<131072x128xf32, #tpu.memory_space<hbm>>) target(%dma_start3A_1220 : memref<128x128xf32, #tpu.memory_space<vmem>>) offsets(%dma_start3A_1223 : memref<128xi32, #tpu.memory_space<vmem>>) semaphore(%arg17 : memref<!tpu.dma_semaphore, #tpu.memory_space<semaphore_mem>>)
    %dma_wait3A_1227 = arith.constant 6 : i32
    %dma_wait3A_1228 = arith.constant 2 : i32
    %dma_wait3A_1229 = arith.constant 0 : i32
    %dma_wait3A_1230 = arith.constant 0 : i32
    %dma_wait3A_1231 = tpu.memref_slice %arg14[%dma_wait3A_1228, %dma_wait3A_1229, %dma_wait3A_1230] : memref<4x128x128xf32, #tpu.memory_space<vmem>> -> memref<1x128x128xf32, #tpu.memory_space<vmem>>
    %dma_wait3A_1232 = tpu.memref_squeeze %dma_wait3A_1231 : memref<1x128x128xf32, #tpu.memory_space<vmem>> -> memref<128x128xf32, #tpu.memory_space<vmem>>
    %dma_wait3A_1233 = arith.constant 0 : i32
    %dma_wait3A_1234 = tpu.memref_slice %arg13[%dma_wait3A_1227, %dma_wait3A_1233] : memref<8x128xi32, #tpu.memory_space<vmem>> -> memref<1x128xi32, #tpu.memory_space<vmem>>
    %dma_wait3A_1235 = tpu.memref_squeeze %dma_wait3A_1234 : memref<1x128xi32, #tpu.memory_space<vmem>> -> memref<128xi32, #tpu.memory_space<vmem>>
    %dma_wait3A_1236 = arith.constant 0 : i32
    %dma_wait3A_1237 = arith.constant 0 : i32
    %dma_wait3A_1238 = tpu.memref_slice %arg4[%dma_wait3A_1236, %dma_wait3A_1237] : memref<131072x128xf32, #tpu.memory_space<hbm>> -> memref<131072x128xf32, #tpu.memory_space<hbm>>
    tpu.wait_indirect_dma semaphore(%arg17 : memref<!tpu.dma_semaphore, #tpu.memory_space<semaphore_mem>>) src(%dma_wait3A_1238 : memref<131072x128xf32, #tpu.memory_space<hbm>>) dst(%dma_wait3A_1232 : memref<128x128xf32, #tpu.memory_space<vmem>>)
    %mul3A_1239 = arith.constant 8 : i32
    %mul3A_1240 = arith.muli %add3A, %mul3A_1239 : i32
    %add3A_1241 = arith.constant 6 : i32
    %add3A_1242 = arith.addi %mul3A_1240, %add3A_1241 : i32
    %mul3A_1243 = arith.constant 128 : i32
    %mul3A_1244 = arith.muli %add3A_1242, %mul3A_1243 : i32
    %dma_start3A_1245 = arith.constant 2 : i32
    %dma_start3A_1246 = arith.constant 0 : i32
    %dma_start3A_1247 = arith.constant 0 : i32
    %dma_start3A_1248 = tpu.memref_slice %arg14[%dma_start3A_1245, %dma_start3A_1246, %dma_start3A_1247] : memref<4x128x128xf32, #tpu.memory_space<vmem>> -> memref<1x128x128xf32, #tpu.memory_space<vmem>>
    %dma_start3A_1249 = tpu.memref_squeeze %dma_start3A_1248 : memref<1x128x128xf32, #tpu.memory_space<vmem>> -> memref<128x128xf32, #tpu.memory_space<vmem>>
    %dma_start3A_1250 = arith.constant 0 : i32
    %dma_start3A_1251 = tpu.memref_slice %arg7[%mul3A_1244, %dma_start3A_1250] : memref<32768x128xf32, #tpu.memory_space<hbm>> -> memref<128x128xf32, #tpu.memory_space<hbm>>
    %dma_start3A_1252 = arith.constant 0 : i32
    %dma_start3A_1253 = tpu.memref_slice %arg7[%mul3A_1244, %dma_start3A_1252] : memref<32768x128xf32, #tpu.memory_space<hbm>> -> memref<128x128xf32, #tpu.memory_space<hbm>>
    %dma_start3A_1254 = arith.constant 0 : i32
    %dma_start3A_1255 = arith.constant 0 : i32
    %dma_start3A_1256 = tpu.memref_slice %arg14[%dma_start3A_1245, %dma_start3A_1254, %dma_start3A_1255] : memref<4x128x128xf32, #tpu.memory_space<vmem>> -> memref<1x128x128xf32, #tpu.memory_space<vmem>>
    %dma_start3A_1257 = tpu.memref_squeeze %dma_start3A_1256 : memref<1x128x128xf32, #tpu.memory_space<vmem>> -> memref<128x128xf32, #tpu.memory_space<vmem>>
    tpu.enqueue_dma source(%dma_start3A_1257 : memref<128x128xf32, #tpu.memory_space<vmem>>) target(%dma_start3A_1253 : memref<128x128xf32, #tpu.memory_space<hbm>>) target_semaphore(%arg21 : memref<!tpu.dma_semaphore, #tpu.memory_space<semaphore_mem>>)
    %dma_wait3A_1258 = arith.constant 3 : i32
    %dma_wait3A_1259 = arith.constant 0 : i32
    %dma_wait3A_1260 = arith.constant 0 : i32
    %dma_wait3A_1261 = tpu.memref_slice %arg14[%dma_wait3A_1258, %dma_wait3A_1259, %dma_wait3A_1260] : memref<4x128x128xf32, #tpu.memory_space<vmem>> -> memref<1x128x128xf32, #tpu.memory_space<vmem>>
    %dma_wait3A_1262 = tpu.memref_squeeze %dma_wait3A_1261 : memref<1x128x128xf32, #tpu.memory_space<vmem>> -> memref<128x128xf32, #tpu.memory_space<vmem>>
    %dma_wait3A_1263 = arith.constant 0 : i32
    %dma_wait3A_1264 = tpu.memref_slice %arg7[%mul3A_1076, %dma_wait3A_1263] : memref<32768x128xf32, #tpu.memory_space<hbm>> -> memref<128x128xf32, #tpu.memory_space<hbm>>
    %dma_wait3A_1265 = arith.constant 0 : i32
    %dma_wait3A_1266 = tpu.memref_slice %arg7[%mul3A_1076, %dma_wait3A_1265] : memref<32768x128xf32, #tpu.memory_space<hbm>> -> memref<128x128xf32, #tpu.memory_space<hbm>>
    %dma_wait3A_1267 = arith.constant 0 : i32
    %dma_wait3A_1268 = arith.constant 0 : i32
    %dma_wait3A_1269 = tpu.memref_slice %arg14[%dma_wait3A_1258, %dma_wait3A_1267, %dma_wait3A_1268] : memref<4x128x128xf32, #tpu.memory_space<vmem>> -> memref<1x128x128xf32, #tpu.memory_space<vmem>>
    %dma_wait3A_1270 = tpu.memref_squeeze %dma_wait3A_1269 : memref<1x128x128xf32, #tpu.memory_space<vmem>> -> memref<128x128xf32, #tpu.memory_space<vmem>>
    tpu.wait_dma2 semaphore(%arg22 : memref<!tpu.dma_semaphore, #tpu.memory_space<semaphore_mem>>) src(%dma_wait3A_1270 : memref<128x128xf32, #tpu.memory_space<vmem>>) dst(%dma_wait3A_1266 : memref<128x128xf32, #tpu.memory_space<hbm>>)
    %dma_start3A_1271 = arith.constant 7 : i32
    %dma_start3A_1272 = arith.constant 3 : i32
    %dma_start3A_1273 = arith.constant 0 : i32
    %dma_start3A_1274 = arith.constant 0 : i32
    %dma_start3A_1275 = tpu.memref_slice %arg14[%dma_start3A_1272, %dma_start3A_1273, %dma_start3A_1274] : memref<4x128x128xf32, #tpu.memory_space<vmem>> -> memref<1x128x128xf32, #tpu.memory_space<vmem>>
    %dma_start3A_1276 = tpu.memref_squeeze %dma_start3A_1275 : memref<1x128x128xf32, #tpu.memory_space<vmem>> -> memref<128x128xf32, #tpu.memory_space<vmem>>
    %dma_start3A_1277 = arith.constant 0 : i32
    %dma_start3A_1278 = tpu.memref_slice %arg13[%dma_start3A_1271, %dma_start3A_1277] : memref<8x128xi32, #tpu.memory_space<vmem>> -> memref<1x128xi32, #tpu.memory_space<vmem>>
    %dma_start3A_1279 = tpu.memref_squeeze %dma_start3A_1278 : memref<1x128xi32, #tpu.memory_space<vmem>> -> memref<128xi32, #tpu.memory_space<vmem>>
    %dma_start3A_1280 = arith.constant 0 : i32
    %dma_start3A_1281 = arith.constant 0 : i32
    %dma_start3A_1282 = tpu.memref_slice %arg4[%dma_start3A_1280, %dma_start3A_1281] : memref<131072x128xf32, #tpu.memory_space<hbm>> -> memref<131072x128xf32, #tpu.memory_space<hbm>>
    tpu.enqueue_indirect_dma source(%dma_start3A_1282 : memref<131072x128xf32, #tpu.memory_space<hbm>>) target(%dma_start3A_1276 : memref<128x128xf32, #tpu.memory_space<vmem>>) offsets(%dma_start3A_1279 : memref<128xi32, #tpu.memory_space<vmem>>) semaphore(%arg18 : memref<!tpu.dma_semaphore, #tpu.memory_space<semaphore_mem>>)
    %dma_wait3A_1283 = arith.constant 7 : i32
    %dma_wait3A_1284 = arith.constant 3 : i32
    %dma_wait3A_1285 = arith.constant 0 : i32
    %dma_wait3A_1286 = arith.constant 0 : i32
    %dma_wait3A_1287 = tpu.memref_slice %arg14[%dma_wait3A_1284, %dma_wait3A_1285, %dma_wait3A_1286] : memref<4x128x128xf32, #tpu.memory_space<vmem>> -> memref<1x128x128xf32, #tpu.memory_space<vmem>>
    %dma_wait3A_1288 = tpu.memref_squeeze %dma_wait3A_1287 : memref<1x128x128xf32, #tpu.memory_space<vmem>> -> memref<128x128xf32, #tpu.memory_space<vmem>>
    %dma_wait3A_1289 = arith.constant 0 : i32
    %dma_wait3A_1290 = tpu.memref_slice %arg13[%dma_wait3A_1283, %dma_wait3A_1289] : memref<8x128xi32, #tpu.memory_space<vmem>> -> memref<1x128xi32, #tpu.memory_space<vmem>>
    %dma_wait3A_1291 = tpu.memref_squeeze %dma_wait3A_1290 : memref<1x128xi32, #tpu.memory_space<vmem>> -> memref<128xi32, #tpu.memory_space<vmem>>
    %dma_wait3A_1292 = arith.constant 0 : i32
    %dma_wait3A_1293 = arith.constant 0 : i32
    %dma_wait3A_1294 = tpu.memref_slice %arg4[%dma_wait3A_1292, %dma_wait3A_1293] : memref<131072x128xf32, #tpu.memory_space<hbm>> -> memref<131072x128xf32, #tpu.memory_space<hbm>>
    tpu.wait_indirect_dma semaphore(%arg18 : memref<!tpu.dma_semaphore, #tpu.memory_space<semaphore_mem>>) src(%dma_wait3A_1294 : memref<131072x128xf32, #tpu.memory_space<hbm>>) dst(%dma_wait3A_1288 : memref<128x128xf32, #tpu.memory_space<vmem>>)
    %mul3A_1295 = arith.constant 8 : i32
    %mul3A_1296 = arith.muli %add3A, %mul3A_1295 : i32
    %add3A_1297 = arith.constant 7 : i32
    %add3A_1298 = arith.addi %mul3A_1296, %add3A_1297 : i32
    %mul3A_1299 = arith.constant 128 : i32
    %mul3A_1300 = arith.muli %add3A_1298, %mul3A_1299 : i32
    %dma_start3A_1301 = arith.constant 3 : i32
    %dma_start3A_1302 = arith.constant 0 : i32
    %dma_start3A_1303 = arith.constant 0 : i32
    %dma_start3A_1304 = tpu.memref_slice %arg14[%dma_start3A_1301, %dma_start3A_1302, %dma_start3A_1303] : memref<4x128x128xf32, #tpu.memory_space<vmem>> -> memref<1x128x128xf32, #tpu.memory_space<vmem>>
    %dma_start3A_1305 = tpu.memref_squeeze %dma_start3A_1304 : memref<1x128x128xf32, #tpu.memory_space<vmem>> -> memref<128x128xf32, #tpu.memory_space<vmem>>
    %dma_start3A_1306 = arith.constant 0 : i32
    %dma_start3A_1307 = tpu.memref_slice %arg7[%mul3A_1300, %dma_start3A_1306] : memref<32768x128xf32, #tpu.memory_space<hbm>> -> memref<128x128xf32, #tpu.memory_space<hbm>>
    %dma_start3A_1308 = arith.constant 0 : i32
    %dma_start3A_1309 = tpu.memref_slice %arg7[%mul3A_1300, %dma_start3A_1308] : memref<32768x128xf32, #tpu.memory_space<hbm>> -> memref<128x128xf32, #tpu.memory_space<hbm>>
    %dma_start3A_1310 = arith.constant 0 : i32
    %dma_start3A_1311 = arith.constant 0 : i32
    %dma_start3A_1312 = tpu.memref_slice %arg14[%dma_start3A_1301, %dma_start3A_1310, %dma_start3A_1311] : memref<4x128x128xf32, #tpu.memory_space<vmem>> -> memref<1x128x128xf32, #tpu.memory_space<vmem>>
    %dma_start3A_1313 = tpu.memref_squeeze %dma_start3A_1312 : memref<1x128x128xf32, #tpu.memory_space<vmem>> -> memref<128x128xf32, #tpu.memory_space<vmem>>
    tpu.enqueue_dma source(%dma_start3A_1313 : memref<128x128xf32, #tpu.memory_space<vmem>>) target(%dma_start3A_1309 : memref<128x128xf32, #tpu.memory_space<hbm>>) target_semaphore(%arg22 : memref<!tpu.dma_semaphore, #tpu.memory_space<semaphore_mem>>)
    %dma_wait3A_1314 = arith.constant 0 : i32
    %dma_wait3A_1315 = arith.constant 0 : i32
    %dma_wait3A_1316 = arith.constant 0 : i32
    %dma_wait3A_1317 = tpu.memref_slice %arg14[%dma_wait3A_1314, %dma_wait3A_1315, %dma_wait3A_1316] : memref<4x128x128xf32, #tpu.memory_space<vmem>> -> memref<1x128x128xf32, #tpu.memory_space<vmem>>
    %dma_wait3A_1318 = tpu.memref_squeeze %dma_wait3A_1317 : memref<1x128x128xf32, #tpu.memory_space<vmem>> -> memref<128x128xf32, #tpu.memory_space<vmem>>
    %dma_wait3A_1319 = arith.constant 0 : i32
    %dma_wait3A_1320 = tpu.memref_slice %arg7[%mul3A_1132, %dma_wait3A_1319] : memref<32768x128xf32, #tpu.memory_space<hbm>> -> memref<128x128xf32, #tpu.memory_space<hbm>>
    %dma_wait3A_1321 = arith.constant 0 : i32
    %dma_wait3A_1322 = tpu.memref_slice %arg7[%mul3A_1132, %dma_wait3A_1321] : memref<32768x128xf32, #tpu.memory_space<hbm>> -> memref<128x128xf32, #tpu.memory_space<hbm>>
    %dma_wait3A_1323 = arith.constant 0 : i32
    %dma_wait3A_1324 = arith.constant 0 : i32
    %dma_wait3A_1325 = tpu.memref_slice %arg14[%dma_wait3A_1314, %dma_wait3A_1323, %dma_wait3A_1324] : memref<4x128x128xf32, #tpu.memory_space<vmem>> -> memref<1x128x128xf32, #tpu.memory_space<vmem>>
    %dma_wait3A_1326 = tpu.memref_squeeze %dma_wait3A_1325 : memref<1x128x128xf32, #tpu.memory_space<vmem>> -> memref<128x128xf32, #tpu.memory_space<vmem>>
    tpu.wait_dma2 semaphore(%arg19 : memref<!tpu.dma_semaphore, #tpu.memory_space<semaphore_mem>>) src(%dma_wait3A_1326 : memref<128x128xf32, #tpu.memory_space<vmem>>) dst(%dma_wait3A_1322 : memref<128x128xf32, #tpu.memory_space<hbm>>)
    %dma_wait3A_1327 = arith.constant 1 : i32
    %dma_wait3A_1328 = arith.constant 0 : i32
    %dma_wait3A_1329 = arith.constant 0 : i32
    %dma_wait3A_1330 = tpu.memref_slice %arg14[%dma_wait3A_1327, %dma_wait3A_1328, %dma_wait3A_1329] : memref<4x128x128xf32, #tpu.memory_space<vmem>> -> memref<1x128x128xf32, #tpu.memory_space<vmem>>
    %dma_wait3A_1331 = tpu.memref_squeeze %dma_wait3A_1330 : memref<1x128x128xf32, #tpu.memory_space<vmem>> -> memref<128x128xf32, #tpu.memory_space<vmem>>
    %dma_wait3A_1332 = arith.constant 0 : i32
    %dma_wait3A_1333 = tpu.memref_slice %arg7[%mul3A_1188, %dma_wait3A_1332] : memref<32768x128xf32, #tpu.memory_space<hbm>> -> memref<128x128xf32, #tpu.memory_space<hbm>>
    %dma_wait3A_1334 = arith.constant 0 : i32
    %dma_wait3A_1335 = tpu.memref_slice %arg7[%mul3A_1188, %dma_wait3A_1334] : memref<32768x128xf32, #tpu.memory_space<hbm>> -> memref<128x128xf32, #tpu.memory_space<hbm>>
    %dma_wait3A_1336 = arith.constant 0 : i32
    %dma_wait3A_1337 = arith.constant 0 : i32
    %dma_wait3A_1338 = tpu.memref_slice %arg14[%dma_wait3A_1327, %dma_wait3A_1336, %dma_wait3A_1337] : memref<4x128x128xf32, #tpu.memory_space<vmem>> -> memref<1x128x128xf32, #tpu.memory_space<vmem>>
    %dma_wait3A_1339 = tpu.memref_squeeze %dma_wait3A_1338 : memref<1x128x128xf32, #tpu.memory_space<vmem>> -> memref<128x128xf32, #tpu.memory_space<vmem>>
    tpu.wait_dma2 semaphore(%arg20 : memref<!tpu.dma_semaphore, #tpu.memory_space<semaphore_mem>>) src(%dma_wait3A_1339 : memref<128x128xf32, #tpu.memory_space<vmem>>) dst(%dma_wait3A_1335 : memref<128x128xf32, #tpu.memory_space<hbm>>)
    %dma_wait3A_1340 = arith.constant 2 : i32
    %dma_wait3A_1341 = arith.constant 0 : i32
    %dma_wait3A_1342 = arith.constant 0 : i32
    %dma_wait3A_1343 = tpu.memref_slice %arg14[%dma_wait3A_1340, %dma_wait3A_1341, %dma_wait3A_1342] : memref<4x128x128xf32, #tpu.memory_space<vmem>> -> memref<1x128x128xf32, #tpu.memory_space<vmem>>
    %dma_wait3A_1344 = tpu.memref_squeeze %dma_wait3A_1343 : memref<1x128x128xf32, #tpu.memory_space<vmem>> -> memref<128x128xf32, #tpu.memory_space<vmem>>
    %dma_wait3A_1345 = arith.constant 0 : i32
    %dma_wait3A_1346 = tpu.memref_slice %arg7[%mul3A_1244, %dma_wait3A_1345] : memref<32768x128xf32, #tpu.memory_space<hbm>> -> memref<128x128xf32, #tpu.memory_space<hbm>>
    %dma_wait3A_1347 = arith.constant 0 : i32
    %dma_wait3A_1348 = tpu.memref_slice %arg7[%mul3A_1244, %dma_wait3A_1347] : memref<32768x128xf32, #tpu.memory_space<hbm>> -> memref<128x128xf32, #tpu.memory_space<hbm>>
    %dma_wait3A_1349 = arith.constant 0 : i32
    %dma_wait3A_1350 = arith.constant 0 : i32
    %dma_wait3A_1351 = tpu.memref_slice %arg14[%dma_wait3A_1340, %dma_wait3A_1349, %dma_wait3A_1350] : memref<4x128x128xf32, #tpu.memory_space<vmem>> -> memref<1x128x128xf32, #tpu.memory_space<vmem>>
    %dma_wait3A_1352 = tpu.memref_squeeze %dma_wait3A_1351 : memref<1x128x128xf32, #tpu.memory_space<vmem>> -> memref<128x128xf32, #tpu.memory_space<vmem>>
    tpu.wait_dma2 semaphore(%arg21 : memref<!tpu.dma_semaphore, #tpu.memory_space<semaphore_mem>>) src(%dma_wait3A_1352 : memref<128x128xf32, #tpu.memory_space<vmem>>) dst(%dma_wait3A_1348 : memref<128x128xf32, #tpu.memory_space<hbm>>)
    %dma_wait3A_1353 = arith.constant 3 : i32
    %dma_wait3A_1354 = arith.constant 0 : i32
    %dma_wait3A_1355 = arith.constant 0 : i32
    %dma_wait3A_1356 = tpu.memref_slice %arg14[%dma_wait3A_1353, %dma_wait3A_1354, %dma_wait3A_1355] : memref<4x128x128xf32, #tpu.memory_space<vmem>> -> memref<1x128x128xf32, #tpu.memory_space<vmem>>
    %dma_wait3A_1357 = tpu.memref_squeeze %dma_wait3A_1356 : memref<1x128x128xf32, #tpu.memory_space<vmem>> -> memref<128x128xf32, #tpu.memory_space<vmem>>
    %dma_wait3A_1358 = arith.constant 0 : i32
    %dma_wait3A_1359 = tpu.memref_slice %arg7[%mul3A_1300, %dma_wait3A_1358] : memref<32768x128xf32, #tpu.memory_space<hbm>> -> memref<128x128xf32, #tpu.memory_space<hbm>>
    %dma_wait3A_1360 = arith.constant 0 : i32
    %dma_wait3A_1361 = tpu.memref_slice %arg7[%mul3A_1300, %dma_wait3A_1360] : memref<32768x128xf32, #tpu.memory_space<hbm>> -> memref<128x128xf32, #tpu.memory_space<hbm>>
    %dma_wait3A_1362 = arith.constant 0 : i32
    %dma_wait3A_1363 = arith.constant 0 : i32
    %dma_wait3A_1364 = tpu.memref_slice %arg14[%dma_wait3A_1353, %dma_wait3A_1362, %dma_wait3A_1363] : memref<4x128x128xf32, #tpu.memory_space<vmem>> -> memref<1x128x128xf32, #tpu.memory_space<vmem>>
    %dma_wait3A_1365 = tpu.memref_squeeze %dma_wait3A_1364 : memref<1x128x128xf32, #tpu.memory_space<vmem>> -> memref<128x128xf32, #tpu.memory_space<vmem>>
    tpu.wait_dma2 semaphore(%arg22 : memref<!tpu.dma_semaphore, #tpu.memory_space<semaphore_mem>>) src(%dma_wait3A_1365 : memref<128x128xf32, #tpu.memory_space<vmem>>) dst(%dma_wait3A_1361 : memref<128x128xf32, #tpu.memory_space<hbm>>)
    return
  }
}

</mosaic_0001>

<sc_bundles>
// kernel: _routing.3.cloned.1.call-start
scs
__scs_entry_jumppad:
0x0: {  	(pc) =	sbr.rel $0x88, $3  }
0x1: {  	(tag) =	ssettag $0x0;
	lr =	simm.s32 $0x1  }
0x2: {  	[smem:$0x3F9E] =	sst lr;
	_ =	strace $0xD0000000  }
0x3: {  	_ = 	snop  }
0x4: {  	_ = 	snop  }
0x5: {  	_ = 	snop  }
0x6: {  	_ = 	snop  }
0x7: {  	_ = 	snop  }
__scs_overlays_trampoline_lowered:
0x8: {  	[smem:$0x3FAD] =	sst s0  }
0x9: {  	[smem:$0x3FAE] =	sst s1  }
0xa: {  	[smem:$0x3FAF] =	sst s2  }
0xb: {  	[smem:$0x3FB0] =	sst s3  }
0xc: {  	[smem:$0x3FB1] =	sst s4  }
0xd: {  	[smem:$0x3FB2] =	sst s5  }
0xe: {  	[smem:$0x3FB3] =	sst s6  }
0xf: {  	[smem:$0x3FB4] =	sst s7  }
0x10: {  	[smem:$0x3FB5] =	sst s8  }
0x11: {  	[smem:$0x3FB6] =	sst s9;
	s0 =	simm.s32 @!p0 $0x0  }
0x12: {  	s1 =	sld [smem:$0x3F9C];
	s0 =	simm.s32 @p0 $0x1  }
0x13: {  	[smem:$0x3FB7] =	sst s0;
	s0 =	simm.s32 @!p1 $0x0  }
0x14: {  	s2 =	sld [smem:$0x3F9B];
	s0 =	simm.s32 @p1 $0x1  }
0x15: {  	[smem:$0x3FB8] =	sst s0;
	s0 =	simm.s32 @!p2 $0x0  }
0x16: {  	s3 =	sld [smem:$0x3FDB];
	s0 =	simm.s32 @p2 $0x1  }
0x17: {  	s4 =	simm.s32 $0x1BF5;
	[smem:$0x3FBA] =	sst s0  }
0x18: {  	s0 =	sld [smem:$0x3F9D];
	_ =	swait.ge [sflag:s4], $0x0  }
0x19: {  	s7 =	sld [smem:$0x3F9E]  }
0x1a: {  	s8 =	sadd.s32 $0xFFFFE003, lr  }
0x1b: {  	s9 =	sadd.s32 $0xFFFFFEF7, lr;
	s5 =	simm.s32 $0xFFFFFFFF;
	p2 =	slt.u32 s8, $0xFFFFF086  }
0x1c: {  	p1 =	slt.u32 s9, $0xF7A;
	s5 =	simm.s32 @!p2 $0x0  }
0x1d: {  	s5 =	simm.s32 @p1 $0x1;
	p0 =	seq.s32 s7, s2  }
0x1e: {  	s7 =	smul.u32 @!p0 $0xF7A, s2;
	p2 =	seq.s32 @!p0 s5, $0x0  }
0x1f: {  	s9 =	smul.u32 $0xF7A, s1;
	s8 =	simm.s32 @!p0 $0x1BF5;
	p2 =	por !p2, p0  }
0x20: {  	[sflag:s8] =	ssyncset.s32 @!p0 $0xFFFFF086;
	s6 =	sadd.s32 @!p0 s3, s7;
	s7 =	simm.s32 @!p0 $0x108  }
0x21: {  	s3 =	sadd.s32 s3, s9;
	s6 =	sadd.s32 @!p0 $0x88, s6;
	s7 =	simm.s32 @p2 $0x1082  }
0x22: {  	[simem:s7], [sflag:s8] =	dma.local @!p0 [hbm:s6], $0xF7A  }
0x23: {  	s9 =	sor.u32 $0xD0000000, s2;
	s6 =	simm.s32 $0x108;
	_ =	swait.ge @!p0 [sflag:s8], $0x0  }
0x24: {  	s3 =	sadd.s32 $0x88, s3;
	s6 =	simm.s32 @!p1 $0x1082;
	[sflag:s4] =	ssyncset.s32 $0xFFFFF086  }
0x25: {  	[simem:s6], [sflag:s4] =	dma.local [hbm:s3], $0xF7A  }
0x26: {  	[smem:$0x3F9E] =	sst s1;
	(tag) =	ssettag s2;
	_ =	strace s9  }
0x27: {  	s1 =	sld [smem:$0x3FAE]  }
0x28: {  	s2 =	sld [smem:$0x3FAF]  }
0x29: {  	s4 =	sld [smem:$0x3FB1]  }
0x2a: {  	p0 =	seq.s32 s5, $0x0;
	s5 =	sld [smem:$0x3FB2]  }
0x2b: {  	s6 =	sld [smem:$0x3FB3]  }
0x2c: {  	s7 =	sld [smem:$0x3FB4]  }
0x2d: {  	s3 =	simm.s32 $0x108;
	s8 =	sld [smem:$0x3FB5]  }
0x2e: {  	s3 =	simm.s32 @!p0 $0x1082;
	s9 =	sld [smem:$0x3FB6]  }
0x2f: {  	lr =	sadd.s32 s0, s3;
	s0 =	sld [smem:$0x3FAD]  }
0x30: {  	s3 =	sld [smem:$0x3FB0]  }
0x31: {  	[smem:$0x3FB9] =	sst s10  }
0x32: {  	s10 =	sld [smem:$0x3FB7];
	_ =	sdelay $0x3  }
0x33: {  	p0 =	seq.s32 s10, $0x1;
	s10 =	sld [smem:$0x3FB9];
	_ =	sdelay $0x3  }
0x34: {  	[smem:$0x3FB9] =	sst s10  }
0x35: {  	s10 =	sld [smem:$0x3FB8];
	_ =	sdelay $0x3  }
0x36: {  	p1 =	seq.s32 s10, $0x1;
	s10 =	sld [smem:$0x3FB9];
	_ =	sdelay $0x3  }
0x37: {  	[smem:$0x3FB9] =	sst s10  }
0x38: {  	s10 =	sld [smem:$0x3FBA]  }
0x39: {  	_ = 	snop;
	(pc) =	sbr.ind lr, $3  }
0x3a: {  	_ = 	snop  }
0x3b: {  	_ = 	snop  }
0x3c: {  	p2 =	seq.s32 s10, $0x1;
	s10 =	sld [smem:$0x3FB9]  }
0x3d: {  	_ =	shalt  }
0x3e: {  	_ =	shalt  }
0x3f: {  	_ =	shalt  }
0x40: {  	_ =	shalt  }
0x41: {  	_ =	shalt  }
0x42: {  	_ =	shalt  }
0x43: {  	_ =	shalt  }
0x44: {  	_ =	shalt  }
0x45: {  	_ =	shalt  }
0x46: {  	_ =	shalt  }
0x47: {  	_ =	shalt  }
0x48: {  	_ =	shalt  }
0x49: {  	_ =	shalt  }
0x4a: {  	_ =	shalt  }
0x4b: {  	_ =	shalt  }
0x4c: {  	_ =	shalt  }
0x4d: {  	_ =	shalt  }
0x4e: {  	_ =	shalt  }
0x4f: {  	_ =	shalt  }
0x50: {  	_ =	shalt  }
0x51: {  	_ =	shalt  }
0x52: {  	_ =	shalt  }
0x53: {  	_ =	shalt  }
0x54: {  	_ =	shalt  }
0x55: {  	_ =	shalt  }
0x56: {  	_ =	shalt  }
0x57: {  	_ =	shalt  }
0x58: {  	_ =	shalt  }
0x59: {  	_ =	shalt  }
0x5a: {  	_ =	shalt  }
0x5b: {  	_ =	shalt  }
0x5c: {  	_ =	shalt  }
0x5d: {  	_ =	shalt  }
0x5e: {  	_ =	shalt  }
0x5f: {  	_ =	shalt  }
0x60: {  	_ =	shalt  }
0x61: {  	_ =	shalt  }
0x62: {  	_ =	shalt  }
0x63: {  	_ =	shalt  }
0x64: {  	_ =	shalt  }
0x65: {  	_ =	shalt  }
0x66: {  	_ =	shalt  }
0x67: {  	_ =	shalt  }
0x68: {  	_ =	shalt  }
0x69: {  	_ =	shalt  }
0x6a: {  	_ =	shalt  }
0x6b: {  	_ =	shalt  }
0x6c: {  	_ =	shalt  }
0x6d: {  	_ =	shalt  }
0x6e: {  	_ =	shalt  }
0x6f: {  	_ =	shalt  }
0x70: {  	_ =	shalt  }
0x71: {  	_ =	shalt  }
0x72: {  	_ =	shalt  }
0x73: {  	_ =	shalt  }
0x74: {  	_ =	shalt  }
0x75: {  	_ =	shalt  }
0x76: {  	_ =	shalt  }
0x77: {  	_ =	shalt  }
0x78: {  	_ =	shalt  }
0x79: {  	_ =	shalt  }
0x7a: {  	_ =	shalt  }
0x7b: {  	_ =	shalt  }
0x7c: {  	_ =	shalt  }
0x7d: {  	_ =	shalt  }
0x7e: {  	_ =	shalt  }
0x7f: {  	_ =	shalt  }
0x80: {  	_ =	shalt  }
0x81: {  	_ =	shalt  }
0x82: {  	_ =	shalt  }
0x83: {  	_ =	shalt  }
0x84: {  	_ =	shalt  }
0x85: {  	_ =	shalt  }
0x86: {  	_ =	shalt  }
0x87: {  	_ =	shalt  }
.Lfunc_end0:
.L_simem_size_0:
called_computation_lowered:
.L_overlay_start_0:
0x88: {  	s2 =	sld [smem:$0x3FD9]  }
0x89: {  	s3 =	sld [smem:$0x3FFE];
	_ =	sdelay $0x1  }
0x8a: {  	s1 =	srdreg.scid  }
0x8b: {  	s0 =	sand.u32 $0x1, s1  }
0x8c: {  	s15 =	sshll.u32 s0, $0xA;
	s2 =	sadd.s32 s3, s2  }
0x8d: {  	s2 =	sadd.s32 s2, s15  }
0x8e: {  	[smem:$0x3FC5] =	sst s2  }
0x8f: {  	_ = 	snop  }
0x90: {  	s2 =	sld [smem:$0x3FD0]  }
0x91: {  	s16 =	sld [smem:$0x3FC9]  }
0x92: {  	s4 =	sld [smem:$0x3FC8]  }
0x93: {  	s6 =	simm.s32 $0xA;
	s7 =	simm.s32 $0x10;
	s5 =	sld [smem:$0x3FC7]  }
0x94: {  	[smem:s7], [sflag:s6] =	dma.local [hbm:s2], $0x1  }
0x95: {  	_ =	swait.eq [sflag:s6], $0x1  }
0x96: {  	s17 =	sld [smem:$0x10];
	[sflag:s6] =	ssyncset.done $0x0  }
0x97: {  	s18 =	sld [smem:$0x11];
	[sflag:s6] =	ssyncadd.s32 $0xFFFFFFFF  }
0x98: {  	s19 =	sld [smem:$0x12];
	(tm) =	ssettm $0x1  }
0x99: {  	s8 =	sld [smem:$0x3FFB];
	_ =	sdelay $0x3  }
0x9a: {  	_ =	strace s8  }
0x9b: {  	s8 =	sld [smem:$0x3FFC];
	_ =	sdelay $0x3  }
0x9c: {  	_ =	strace s8  }
0x9d: {  	s8 =	sld [smem:$0x3FFD];
	_ =	sdelay $0x3  }
0x9e: {  	_ =	strace s8  }
0x9f: {  	_ =	strace $0x8FFFFFFF  }
0xa0: {  	s20 =	sld [smem:$0x3FDB];
	_ =	sdelay $0x1  }
0xa1: {  	s9 =	simm.s32 $_scs_section_size  }
0xa2: {  	s10 =	simm.s32 $_size__tile_overlayer_lowered;
	s11 =	simm.s32 $_tile_overlayer_lowered  }
0xa3: {  	s23 =	simm.s32 $0x1BFF;
	s22 =	sshll.u32 s11, $0x1;
	s8 =	sadd.s32 s9, s20  }
0xa4: {  	s12 =	simm.s32 $0x0;
	s21 =	sshll.u32 s10, $0x1;
	s10 =	sadd.s32 s22, s8  }
0xa5: {  	[timem:s12], [sflag:s23] =	dma.local [hbm:s10], s21  }
0xa6: {  	_ =	swait.ge [sflag:s23], s21  }
0xa7: {  	s9 =	ssub.s32 $0x0, s21;
	[sflag:s23] =	ssyncset.done $0x0  }
0xa8: {  	[sflag:s23] =	ssyncadd.s32 s9;
	_ =	sdelay $0x1  }
0xa9: {  	s24 =	simm.s32 $0x1B8B  }
0xaa: {  	_ =	swait.ge [sflag:s24], $0x1  }
0xab: {  	[sflag:s24] =	ssyncset.done $0x0  }
0xac: {  	s25 =	simm.s32 $0x1B8E;
	[sflag:s24] =	ssyncadd.s32 $0xFFFFFFFF  }
0xad: {  	s26 =	simm.s32 $execute0_lowered;
	[smem:$0x3FD2] =	sst s25  }
0xae: {  	s9 =	sshll.u32 s26, $0x1;
	_ =	strace $0x80000046;
	[dreg:$0x1] =	wrdreg $0xFFFFFFFF  }
0xaf: {  	s28 =	simm.s32 $_size_execute0_lowered;
	s8 =	sadd.s32 s8, s9;
	[dreg:$0x0] =	wrdreg $0x0  }
0xb0: {  	s9 =	sshll.u32 s28, $0x1;
	[dreg:$0x2] =	wrdreg s8  }
0xb1: {  	[dreg:$0x3] =	wrdreg s9  }
0xb2: {  	[dreg:$0x4] =	wrdreg $0xC0  }
0xb3: {  	_ =	task [dreg:s12], $0x5FFFF  }
0xb4: {  	[dreg:$0x1] =	wrdreg $0xFFFFFFFF  }
0xb5: {  	[dreg:$0x0] =	wrdreg $0x60  }
0xb6: {  	[dreg:$0x2] =	wrdreg s16  }
0xb7: {  	[dreg:$0x3] =	wrdreg s4  }
0xb8: {  	[dreg:$0x4] =	wrdreg s5  }
0xb9: {  	[dreg:$0x5] =	wrdreg s17  }
0xba: {  	[dreg:$0x6] =	wrdreg s18  }
0xbb: {  	[dreg:$0x7] =	wrdreg s19  }
0xbc: {  	[dreg:$0x8] =	wrdreg $0x9  }
0xbd: {  	_ =	task.clear_ibuf [dreg:s12], $0x9FFFF;
	_ =	strace $0x90000046  }
0xbe: {  	s29 =	simm.s32 $0x9;
	_ =	strace $0x80000048  }
0xbf: {  	_ =	swait.ge [sflag:s29], $0x1  }
0xc0: {  	[sflag:s29] =	ssyncadd.s32 $0xFFFFFFFF  }
0xc1: {  	_ =	strace $0x90000048  }
0xc2: {  	_ =	sfence  }
0xc3: {  	s30 =	sld [smem:$0x0];
	_ =	sdelay $0x2  }
0xc4: {  	s31 =	sshll.u32 s1, $0xD;
	s1 =	sshrl.u32 s1, $0x2  }
0xc5: {  	s3 =	sand.u32 $0x4000, s31;
	s1 =	sadd.s32 s1, s30  }
0xc6: {  	s0 =	sor.u32 s3, s0;
	s1 =	sshll.u32 s1, $0x11  }
0xc7: {  	s0 =	sor.u32 s1, s0  }
0xc8: {  	s0 =	sadd.s32 $0x8F2B, s0  }
0xc9: {  	[sflag:s0] =	ssyncadd.remote.s32 $0x1  }
0xca: {  	_ =	sfence.sel $0xFFFF  }
0xcb: {  	[dreg:$0x0] =	wrdreg $0xFFFFFFFF;
	(pc) =	sbr.abs _section_cstart, $3  }
0xcc: {  	[dreg:$0x1] =	wrdreg $0xFFFFFFFF  }
0xcd: {  	_ =	task.clear_ibuf [dreg:s12], $0x2FFFF;
	_ =	strace $0x9FFFFFFF  }
0xce: {  	(tm) =	ssettm $0x7FFFFFFF  }
0xcf: {  	_ =	shalt  }
tec
execute0_lowered:
.L_overlay_start_1:
0x0: {  	(tag) =	ssettag $0x1  }
0x1: {  	s3 =	rddreg [dreg:$0x0]  }
0x2: {  	s0 =	srdreg.scid;
	s4 =	rddreg [dreg:$0x1]  }
0x3: {  	s7 =	stileid.u32;
	s1 =	rddreg [dreg:$0x2];
	s0 =	sand.u32 $0x1, s0  }
0x4: {  	s24 =	rddreg [dreg:$0x3];
	s28 =	simm.s32 $0x3200;
	s2 =	ssub.s32 $0x2, s0  }
0x5: {  	s29 =	simm.s32 $0x3280;
	s6 =	sshll.u32 s7, $0x1;
	s5 =	sshrl.u32 s2, $0x1  }
0x6: {  	s30 =	simm.s32 $0x3300;
	s2 =	ssub.s32 s2, s5;
	s5 =	sor.u32 s0, s6  }
0x7: {  	s31 =	simm.s32 $0x3380;
	s6 =	sshrl.u32 s7, $0x2;
	s0 =	sand.u32 $0x7, s5  }
0x8: {  	s25 =	sshll.u32 s5, $0xA;
	s9 =	sshll.u32 s5, $0x7;
	s26 =	sshll.u32 s6, $0xF  }
0x9: {  	s22 =	sshll.u32 s6, $0xA;
	s6 =	sshll.u32 s6, $0x3;
	s8 =	sshll.u32 s0, $0xC  }
0xa: {  	s10 =	sor.u32 $0x80, s25;
	s9 =	sadd.s32 s4, s9;
	s12 =	sor.u32 $0x180, s25  }
0xb: {  	s15 =	sor.u32 $0x200, s25;
	s16 =	sor.u32 $0x300, s25;
	s7 =	sor.u32 $0x380, s25  }
0xc: {  	s3 =	sadd.s32 s3, s6;
	p0 =	sne.s32 s0, $0x0;
	s0 =	simm.s32 $0x3480  }
0xd: {  	[dreg:$0x7] =	wrdreg s9;
	s11 =	sshrl.u32 s10, $0x3;
	s14 =	sshrl.u32 s12, $0x3  }
0xe: {  	v0 =	vmov s26;
	s18 =	sshrl.u32 s15, $0x3;
	s23 =	sor.u32 s26, s8;
	s26 =	rddreg [dreg:$0x4]  }
0xf: {  	s21 =	sshrl.u32 s7, $0x3;
	v1 =	vmov s8;
	[dreg:$0x11] =	wrdreg s3;
	s8 =	simm.s32 $0x2100  }
0x10: {  	s11 =	sadd.s32 s4, s11;
	s17 =	sadd.s32 s4, s14;
	s14 =	sor.u32 $0x280, s25  }
0x11: {  	s9 =	sadd.s32 s26, s6;
	s26 =	sshll.u32 s7, $0x4;
	s6 =	simm.s32 $0xF580  }
0x12: {  	s7 =	simm.s32 $0x2080;
	[dreg:$0x8] =	wrdreg s11;
	s11 =	sor.u32 $0x100, s25  }
0x13: {  	[dreg:$0xa] =	wrdreg s17;
	s19 =	sshrl.u32 s14, $0x3;
	s17 =	sshrl.u32 s16, $0x3  }
0x14: {  	s25 =	sshrl.u32 s23, $0x3;
	[dreg:$0x12] =	wrdreg s9;
	s23 =	sshll.u32 s14, $0x4  }
0x15: {  	s14 =	simm.s32 $0x3500;
	s13 =	sshrl.u32 s11, $0x3;
	s20 =	sadd.s32 s4, s17  }
0x16: {  	v3 =	vimm.s32 $0x38281808;
	v2 =	vlaneseq.u32;
	v5 =	vimm.s32 $0x34241404;
	s9 =	simm.s32 $0x1;
	s13 =	sadd.s32 s4, s13;
	[dreg:$0xd] =	wrdreg s20  }
0x17: {  	v4 =	vimm.s32 $0x30201000;
	vm0 =	vcmask $0x1F10;
	v10 =	vimm.s32 $0x31211101;
	s17 =	sshll.u32 s5, $0xE;
	s5 =	simm.s32 $0xB580;
	[dreg:$0x9] =	wrdreg s13  }
0x18: {  	v11 =	vimm.s32 $0x35251505;
	v12 =	vimm.s32 $0x3A2A1A0A;
	v13 =	vimm.s32 $0x3E2E1E0E;
	s13 =	sadd.s32 s4, s18;
	s18 =	sshll.u32 s10, $0x4;
	s10 =	simm.s32 $0x2  }
0x19: {  	v14 =	vimm.s32 $0x32221202;
	v6 =	vunpack.c.0.s8.s32 v3;
	v3 =	vimm.s32 $0x3C2C1C0C;
	[dreg:$0xb] =	wrdreg s13;
	s13 =	sadd.s32 s4, s19;
	s19 =	sshll.u32 s11, $0x4  }
0x1a: {  	v8 =	vunpack.c.0.s8.s32 v4;
	v9 =	vunpack.c.0.s8.s32 v5;
	v7 =	vunpack.c.0.s8.s32 v3;
	s11 =	simm.s32 $0x3;
	[dreg:$0xc] =	wrdreg s13;
	s13 =	sadd.s32 s4, s21  }
0x1b: {  	v4 =	vor.u32 $0x10, v2;
	v5 =	vor.u32 $0x20, v2;
	v12 =	vunpack.c.0.s8.s32 v12;
	s4 =	sadd.s32 s4, s22;
	s21 =	sshll.u32 s12, $0x4;
	[dreg:$0xe] =	wrdreg s13  }
0x1c: {  	v13 =	vunpack.c.0.s8.s32 v13;
	v8 =	vsel vm0, v9, v8;
	v7 =	vsel vm0, v7, v6;
	s22 =	sshll.u32 s15, $0x4;
	[dreg:$0xf] =	wrdreg s4;
	s4 =	sadd.s32 s24, s25  }
0x1d: {  	v9 =	vimm.s32 $0x3D2D1D0D;
	v7 =	vcombine.low v8, v7;
	v8 =	vimm.s32 $0x39291909;
	s12 =	simm.s32 $0x4;
	s15 =	simm.s32 $0x5;
	[dreg:$0x10] =	wrdreg s4  }
0x1e: {  	v10 =	vunpack.c.0.s8.s32 v10;
	v9 =	vunpack.c.0.s8.s32 v9;
	v8 =	vunpack.c.0.s8.s32 v8;
	s13 =	simm.s32 $0x0;
	s25 =	sshll.u32 s16, $0x4;
	s4 =	rddreg [dreg:$0x5]  }
0x1f: {  	v11 =	vunpack.c.0.s8.s32 v11;
	v3 =	vimm.s32 $0xFFFFFFFF;
	v13 =	vsel vm0, v13, v12;
	s16 =	simm.s32 $0x6;
	[smem:$0x7FF] =	sst s13;
	s3 =	sadd.s32 s4, s17  }
0x20: {  	v12 =	vimm.s32 $0x3F2F1F0F;
	v6 =	vor.u32 $0x30, v2;
	v8 =	vsel vm0, v9, v8;
	s20 =	sadd.s32 s4, s19;
	s24 =	sadd.s32 s4, s23;
	[dreg:$0x13] =	wrdreg s3  }
0x21: {  	v9 =	vsel vm0, v11, v10;
	v10 =	vimm.s32 $0x36261606;
	v11 =	vunpack.c.0.s8.s32 v14;
	s23 =	sadd.s32 s4, s26;
	s26 =	simm.s32 $0x9;
	[dreg:$0x15] =	wrdreg s20  }
0x22: {  	v14 =	vimm.s32 $0x33231303;
	v8 =	vcombine.low v9, v8;
	v9 =	vimm.s32 $0x3B2B1B0B;
	s17 =	simm.s32 $0x7;
	s3 =	sadd.s32 s4, s18;
	[dreg:$0x18] =	wrdreg s24  }
0x23: {  	v10 =	vunpack.c.0.s8.s32 v10;
	v15 =	vunpack.c.0.s8.s32 v9;
	v9 =	vimm.s32 $0x37271707;
	s19 =	simm.s32 $0x0;
	[dreg:$0x14] =	wrdreg s3;
	s3 =	sadd.s32 s4, s21  }
0x24: {  	v12 =	vunpack.c.0.s8.s32 v12;
	v14 =	vunpack.c.0.s8.s32 v14;
	v16 =	vunpack.c.0.s8.s32 v9;
	s24 =	smax.u32 s2, $0x1;
	[dreg:$0x16] =	wrdreg s3;
	s3 =	sadd.s32 s4, s22  }
0x25: {  	v9 =	vor.u32 $0x40, v2;
	v17 =	vsel vm0, v10, v11;
	v10 =	vor.u32 $0x50, v2;
	s2 =	simm.s32 $0x80;
	[dreg:$0x17] =	wrdreg s3;
	s3 =	sadd.s32 s4, s25  }
0x26: {  	v11 =	vor.u32 $0x60, v2;
	v15 =	vsel vm0, v12, v15;
	v14 =	vsel vm0, v16, v14;
	s18 =	simm.s32 $0x8;
	s21 =	simm.s32 $0x3400;
	[dreg:$0x19] =	wrdreg s3  }
0x27: {  	v12 =	vor.u32 $0x70, v2;
	v13 =	vcombine.low v17, v13;
	v14 =	vcombine.low v14, v15;
	s4 =	simm.s32 $0x7580;
	s3 =	simm.s32 $0x3580;
	_ =	strace $0x80000047  }
.LBB2_1:
0x28: {  	s20 =	rddreg [dreg:$0x7];
	s22 =	simm.s32 $0x3180  }
0x29: {  	[tilespmem:s22], [sflag:$0x9] =	stream.linear.gather [hbm4b:s20+s13], $0x80, $0x38;
	[tilespmem:$0x13580] =	vst v63  }
0x2a: {  	_ =	swait.ge [sflag:s26], $0x80  }
0x2b: {  	[sflag:s26] =	ssyncset.done $0x0  }
0x2c: {  	[sflag:s26] =	ssyncadd.s32 $0xFFFFFF80  }
0x2d: {  	v15 =	vld [tilespmem:$0x3180]  }
0x2e: {  	v16 =	vld [tilespmem:$0x3190]  }
0x2f: {  	v17 =	vld [tilespmem:$0x31A0]  }
0x30: {  	v18 =	vld [tilespmem:$0x31B0]  }
0x31: {  	v19 =	vld [tilespmem:$0x31C0]  }
0x32: {  	v20 =	vld [tilespmem:$0x31D0];
	v15 =	vadd.s32 v0, v15  }
0x33: {  	[tilespmem:$0x3180] =	vst v15;
	v15 =	vadd.s32 v0, v16;
	v16 =	vld [tilespmem:$0x31E0]  }
0x34: {  	[tilespmem:$0x3190] =	vst v15;
	v15 =	vadd.s32 v0, v17;
	v17 =	vld [tilespmem:$0x31F0]  }
0x35: {  	[tilespmem:$0x31A0] =	vst v15;
	v15 =	vadd.s32 v0, v18  }
0x36: {  	[tilespmem:$0x31B0] =	vst v15;
	v15 =	vadd.s32 v0, v19  }
0x37: {  	[tilespmem:$0x31C0] =	vst v15;
	v15 =	vadd.s32 v0, v20  }
0x38: {  	[tilespmem:$0x31D0] =	vst v15;
	v15 =	vadd.s32 v0, v16  }
0x39: {  	[tilespmem:$0x31E0] =	vst v15;
	v15 =	vadd.s32 v0, v17  }
0x3a: {  	s25 =	rddreg [dreg:$0x8];
	[tilespmem:$0x31F0] =	vst v15  }
0x3b: {  	[tilespmem:s28], [sflag:$0x9] =	stream.linear.gather [hbm4b:s25+s13], $0x80, $0x38;
	[tilespmem:$0x13580] =	vst v63  }
0x3c: {  	_ =	swait.ge [sflag:s26], $0x80  }
0x3d: {  	[sflag:s26] =	ssyncset.done $0x0  }
0x3e: {  	[sflag:s26] =	ssyncadd.s32 $0xFFFFFF80  }
0x3f: {  	v15 =	vld [tilespmem:$0x3200]  }
0x40: {  	v16 =	vld [tilespmem:$0x3210]  }
0x41: {  	v17 =	vld [tilespmem:$0x3220]  }
0x42: {  	v18 =	vld [tilespmem:$0x3230]  }
0x43: {  	v19 =	vld [tilespmem:$0x3240]  }
0x44: {  	v57 =	vld [tilespmem:$0x3250];
	v15 =	vadd.s32 v0, v15  }
0x45: {  	[tilespmem:$0x3200] =	vst v15;
	v15 =	vadd.s32 v0, v16;
	v16 =	vld [tilespmem:$0x3260]  }
0x46: {  	[tilespmem:$0x3210] =	vst v15;
	v15 =	vadd.s32 v0, v17;
	v17 =	vld [tilespmem:$0x3270]  }
0x47: {  	[tilespmem:$0x3220] =	vst v15;
	v15 =	vadd.s32 v0, v18  }
0x48: {  	[tilespmem:$0x3230] =	vst v15;
	v15 =	vadd.s32 v0, v19  }
0x49: {  	[tilespmem:$0x3240] =	vst v15;
	v15 =	vadd.s32 v0, v57  }
0x4a: {  	[tilespmem:$0x3250] =	vst v15;
	v15 =	vadd.s32 v0, v16  }
0x4b: {  	[tilespmem:$0x3260] =	vst v15;
	v15 =	vadd.s32 v0, v17  }
0x4c: {  	s25 =	rddreg [dreg:$0x9];
	[tilespmem:$0x3270] =	vst v15  }
0x4d: {  	[tilespmem:s29], [sflag:$0x9] =	stream.linear.gather [hbm4b:s25+s13], $0x80, $0x38;
	[tilespmem:$0x13580] =	vst v63  }
0x4e: {  	_ =	swait.ge [sflag:s26], $0x80  }
0x4f: {  	[sflag:s26] =	ssyncset.done $0x0  }
0x50: {  	[sflag:s26] =	ssyncadd.s32 $0xFFFFFF80  }
0x51: {  	v15 =	vld [tilespmem:$0x3280]  }
0x52: {  	v16 =	vld [tilespmem:$0x3290]  }
0x53: {  	v17 =	vld [tilespmem:$0x32A0]  }
0x54: {  	v18 =	vld [tilespmem:$0x32B0]  }
0x55: {  	v19 =	vld [tilespmem:$0x32C0]  }
0x56: {  	v58 =	vld [tilespmem:$0x32D0];
	v15 =	vadd.s32 v0, v15  }
0x57: {  	[tilespmem:$0x3280] =	vst v15;
	v15 =	vadd.s32 v0, v16;
	v16 =	vld [tilespmem:$0x32E0]  }
0x58: {  	[tilespmem:$0x3290] =	vst v15;
	v15 =	vadd.s32 v0, v17;
	v17 =	vld [tilespmem:$0x32F0]  }
0x59: {  	[tilespmem:$0x32A0] =	vst v15;
	v15 =	vadd.s32 v0, v18  }
0x5a: {  	[tilespmem:$0x32B0] =	vst v15;
	v15 =	vadd.s32 v0, v19  }
0x5b: {  	[tilespmem:$0x32C0] =	vst v15;
	v15 =	vadd.s32 v0, v58  }
0x5c: {  	[tilespmem:$0x32D0] =	vst v15;
	v15 =	vadd.s32 v0, v16  }
0x5d: {  	[tilespmem:$0x32E0] =	vst v15;
	v15 =	vadd.s32 v0, v17  }
0x5e: {  	s25 =	rddreg [dreg:$0xa];
	[tilespmem:$0x32F0] =	vst v15  }
0x5f: {  	[tilespmem:s30], [sflag:$0x9] =	stream.linear.gather [hbm4b:s25+s13], $0x80, $0x38;
	[tilespmem:$0x13580] =	vst v63  }
0x60: {  	_ =	swait.ge [sflag:s26], $0x80  }
0x61: {  	[sflag:s26] =	ssyncset.done $0x0  }
0x62: {  	[sflag:s26] =	ssyncadd.s32 $0xFFFFFF80  }
0x63: {  	v15 =	vld [tilespmem:$0x3300]  }
0x64: {  	v16 =	vld [tilespmem:$0x3310]  }
0x65: {  	v17 =	vld [tilespmem:$0x3320]  }
0x66: {  	v18 =	vld [tilespmem:$0x3330]  }
0x67: {  	v19 =	vld [tilespmem:$0x3340]  }
0x68: {  	v59 =	vld [tilespmem:$0x3350];
	v15 =	vadd.s32 v0, v15  }
0x69: {  	[tilespmem:$0x3300] =	vst v15;
	v15 =	vadd.s32 v0, v16;
	v16 =	vld [tilespmem:$0x3360]  }
0x6a: {  	[tilespmem:$0x3310] =	vst v15;
	v15 =	vadd.s32 v0, v17;
	v17 =	vld [tilespmem:$0x3370]  }
0x6b: {  	[tilespmem:$0x3320] =	vst v15;
	v15 =	vadd.s32 v0, v18  }
0x6c: {  	[tilespmem:$0x3330] =	vst v15;
	v15 =	vadd.s32 v0, v19  }
0x6d: {  	[tilespmem:$0x3340] =	vst v15;
	v15 =	vadd.s32 v0, v59  }
0x6e: {  	[tilespmem:$0x3350] =	vst v15;
	v15 =	vadd.s32 v0, v16  }
0x6f: {  	[tilespmem:$0x3360] =	vst v15;
	v15 =	vadd.s32 v0, v17  }
0x70: {  	s25 =	rddreg [dreg:$0xb];
	[tilespmem:$0x3370] =	vst v15  }
0x71: {  	[tilespmem:s31], [sflag:$0x9] =	stream.linear.gather [hbm4b:s25+s13], $0x80, $0x38;
	[tilespmem:$0x13580] =	vst v63  }
0x72: {  	_ =	swait.ge [sflag:s26], $0x80  }
0x73: {  	[sflag:s26] =	ssyncset.done $0x0  }
0x74: {  	[sflag:s26] =	ssyncadd.s32 $0xFFFFFF80  }
0x75: {  	v15 =	vld [tilespmem:$0x3380]  }
0x76: {  	v16 =	vld [tilespmem:$0x3390]  }
0x77: {  	v17 =	vld [tilespmem:$0x33A0]  }
0x78: {  	v18 =	vld [tilespmem:$0x33B0]  }
0x79: {  	v19 =	vld [tilespmem:$0x33C0]  }
0x7a: {  	v60 =	vld [tilespmem:$0x33D0];
	v15 =	vadd.s32 v0, v15  }
0x7b: {  	[tilespmem:$0x3380] =	vst v15;
	v15 =	vadd.s32 v0, v16;
	v16 =	vld [tilespmem:$0x33E0]  }
0x7c: {  	[tilespmem:$0x3390] =	vst v15;
	v15 =	vadd.s32 v0, v17;
	v17 =	vld [tilespmem:$0x33F0]  }
0x7d: {  	[tilespmem:$0x33A0] =	vst v15;
	v15 =	vadd.s32 v0, v18  }
0x7e: {  	[tilespmem:$0x33B0] =	vst v15;
	v15 =	vadd.s32 v0, v19  }
0x7f: {  	[tilespmem:$0x33C0] =	vst v15;
	v15 =	vadd.s32 v0, v60  }
0x80: {  	[tilespmem:$0x33D0] =	vst v15;
	v15 =	vadd.s32 v0, v16  }
0x81: {  	[tilespmem:$0x33E0] =	vst v15;
	v15 =	vadd.s32 v0, v17  }
0x82: {  	s25 =	rddreg [dreg:$0xc];
	[tilespmem:$0x33F0] =	vst v15  }
0x83: {  	[tilespmem:s21], [sflag:$0x9] =	stream.linear.gather [hbm4b:s25+s13], $0x80, $0x38;
	[tilespmem:$0x13580] =	vst v63  }
0x84: {  	_ =	swait.ge [sflag:s26], $0x80  }
0x85: {  	[sflag:s26] =	ssyncset.done $0x0  }
0x86: {  	[sflag:s26] =	ssyncadd.s32 $0xFFFFFF80  }
0x87: {  	v15 =	vld [tilespmem:$0x3400]  }
0x88: {  	v16 =	vld [tilespmem:$0x3410]  }
0x89: {  	v17 =	vld [tilespmem:$0x3420]  }
0x8a: {  	v18 =	vld [tilespmem:$0x3430]  }
0x8b: {  	v19 =	vld [tilespmem:$0x3440]  }
0x8c: {  	v61 =	vld [tilespmem:$0x3450];
	v15 =	vadd.s32 v0, v15  }
0x8d: {  	[tilespmem:$0x3400] =	vst v15;
	v15 =	vadd.s32 v0, v16;
	v16 =	vld [tilespmem:$0x3460]  }
0x8e: {  	[tilespmem:$0x3410] =	vst v15;
	v15 =	vadd.s32 v0, v17;
	v17 =	vld [tilespmem:$0x3470]  }
0x8f: {  	[tilespmem:$0x3420] =	vst v15;
	v15 =	vadd.s32 v0, v18  }
0x90: {  	[tilespmem:$0x3430] =	vst v15;
	v15 =	vadd.s32 v0, v19  }
0x91: {  	[tilespmem:$0x3440] =	vst v15;
	v15 =	vadd.s32 v0, v61  }
0x92: {  	[tilespmem:$0x3450] =	vst v15;
	v15 =	vadd.s32 v0, v16  }
0x93: {  	[tilespmem:$0x3460] =	vst v15;
	v15 =	vadd.s32 v0, v17  }
0x94: {  	s25 =	rddreg [dreg:$0xd];
	[tilespmem:$0x3470] =	vst v15  }
0x95: {  	[tilespmem:s0], [sflag:$0x9] =	stream.linear.gather [hbm4b:s25+s13], $0x80, $0x38;
	[tilespmem:$0x13580] =	vst v63  }
0x96: {  	_ =	swait.ge [sflag:s26], $0x80  }
0x97: {  	[sflag:s26] =	ssyncset.done $0x0  }
0x98: {  	[sflag:s26] =	ssyncadd.s32 $0xFFFFFF80  }
0x99: {  	v15 =	vld [tilespmem:$0x3480]  }
0x9a: {  	v16 =	vld [tilespmem:$0x3490]  }
0x9b: {  	v17 =	vld [tilespmem:$0x34A0]  }
0x9c: {  	v18 =	vld [tilespmem:$0x34B0]  }
0x9d: {  	v19 =	vld [tilespmem:$0x34C0]  }
0x9e: {  	v62 =	vld [tilespmem:$0x34D0];
	v15 =	vadd.s32 v0, v15  }
0x9f: {  	[tilespmem:$0x3480] =	vst v15;
	v15 =	vadd.s32 v0, v16;
	v16 =	vld [tilespmem:$0x34E0]  }
0xa0: {  	[tilespmem:$0x3490] =	vst v15;
	v15 =	vadd.s32 v0, v17;
	v17 =	vld [tilespmem:$0x34F0]  }
0xa1: {  	[tilespmem:$0x34A0] =	vst v15;
	v15 =	vadd.s32 v0, v18  }
0xa2: {  	[tilespmem:$0x34B0] =	vst v15;
	v15 =	vadd.s32 v0, v19  }
0xa3: {  	[tilespmem:$0x34C0] =	vst v15;
	v15 =	vadd.s32 v0, v62  }
0xa4: {  	[tilespmem:$0x34D0] =	vst v15;
	v15 =	vadd.s32 v0, v16  }
0xa5: {  	[tilespmem:$0x34E0] =	vst v15;
	v15 =	vadd.s32 v0, v17  }
0xa6: {  	s25 =	rddreg [dreg:$0xe];
	[tilespmem:$0x34F0] =	vst v15  }
0xa7: {  	[tilespmem:s14], [sflag:$0x9] =	stream.linear.gather [hbm4b:s25+s13], $0x80, $0x38;
	[tilespmem:$0x13580] =	vst v63  }
0xa8: {  	_ =	swait.ge [sflag:s26], $0x80  }
0xa9: {  	[sflag:s26] =	ssyncset.done $0x0  }
0xaa: {  	[sflag:s26] =	ssyncadd.s32 $0xFFFFFF80  }
0xab: {  	v15 =	vld [tilespmem:$0x3500]  }
0xac: {  	v16 =	vld [tilespmem:$0x3510]  }
0xad: {  	v17 =	vld [tilespmem:$0x3520]  }
0xae: {  	v18 =	vld [tilespmem:$0x3530]  }
0xaf: {  	v19 =	vld [tilespmem:$0x3540]  }
0xb0: {  	v63 =	vld [tilespmem:$0x3550];
	v15 =	vadd.s32 v0, v15  }
0xb1: {  	[tilespmem:$0x3500] =	vst v15;
	v15 =	vadd.s32 v0, v16;
	v16 =	vld [tilespmem:$0x3560]  }
0xb2: {  	[tilespmem:$0x3510] =	vst v15;
	v15 =	vadd.s32 v0, v17;
	v17 =	vld [tilespmem:$0x3570]  }
0xb3: {  	[tilespmem:$0x3520] =	vst v15;
	v15 =	vadd.s32 v0, v18  }
0xb4: {  	[tilespmem:$0x3530] =	vst v15;
	v15 =	vadd.s32 v0, v19  }
0xb5: {  	[tilespmem:$0x3540] =	vst v15;
	v15 =	vadd.s32 v0, v63  }
0xb6: {  	[tilespmem:$0x3550] =	vst v15;
	v15 =	vadd.s32 v0, v16  }
0xb7: {  	[tilespmem:$0x3560] =	vst v15;
	v15 =	vadd.s32 v0, v17  }
0xb8: {  	[tilespmem:$0x3570] =	vst v15  }
0xb9: {  	[tilespmem:s3], [sflag:$0x1] =	stream.indirect.gather [hbm4b:s1+s2], $0x80, s22, s2, $0xb8;
	[tilespmem:$0x13580] =	vst v63  }
0xba: {  	_ = 	snop  }
0xbb: {  	[tilespmem:s4], [sflag:$0x2] =	stream.indirect.gather [hbm4b:s1+s2], $0x80, s28, s2, $0xb8;
	[tilespmem:$0x13580] =	vst v63  }
0xbc: {  	_ = 	snop  }
0xbd: {  	[tilespmem:s5], [sflag:$0x3] =	stream.indirect.gather [hbm4b:s1+s2], $0x80, s29, s2, $0xb8;
	[tilespmem:$0x13580] =	vst v63  }
0xbe: {  	_ = 	snop  }
0xbf: {  	[tilespmem:s6], [sflag:$0x4] =	stream.indirect.gather [hbm4b:s1+s2], $0x80, s30, s2, $0xb8;
	[tilespmem:$0x13580] =	vst v63  }
0xc0: {  	s22 =	rddreg [dreg:$0x11]  }
0xc1: {  	[tilespmem:s13], [sflag:$0x9] =	stream.linear.gather [hbm4b:s22+s13], $0x40, $0x38;
	[tilespmem:$0x13580] =	vst v63  }
0xc2: {  	_ =	swait.ge [sflag:s26], $0x40  }
0xc3: {  	[sflag:s26] =	ssyncset.done $0x0  }
0xc4: {  	s25 =	rddreg [dreg:$0xf];
	[sflag:s26] =	ssyncadd.s32 $0xFFFFFFC0  }
0xc5: {  	[tilespmem:s2], [sflag:$0x9] =	stream.linear.gather [hbm4b:s25+s13], $0x2000, $0x38;
	[tilespmem:$0x13580] =	vst v63  }
0xc6: {  	_ =	swait.ge [sflag:s26], $0x2000  }
0xc7: {  	[sflag:s26] =	ssyncset.done $0x0  }
0xc8: {  	v15 =	vmov s13;
	[sflag:s26] =	ssyncadd.s32 $0xFFFFE000  }
0xc9: {  	[tilespmem:$0x2080] =	vst v3  }
0xca: {  	[tilespmem:$0x2090] =	vst v3  }
0xcb: {  	[tilespmem:$0x20A0] =	vst v3  }
0xcc: {  	[tilespmem:$0x20B0] =	vst v3  }
0xcd: {  	v15 =	vld.idx.msk [tilespmem:v15+s13+$0x0], $0xffff;
	_ =	sdelay $0x2  }
0xce: {  	s22 =	simm.s32 $0x1  }
0xcf: {  	v16 =	vmov s22;
	_ =	sdelay $0x2  }
0xd0: {  	v17 =	vadd.s32 s13, v15  }
0xd1: {  	[tilespmem:v15+s7+$0x0] =	vst.idx.msk $0xffff, v17  }
0xd2: {  	v15 =	vld.idx.msk [tilespmem:v16+s13+$0x0], $0xffff  }
0xd3: {  	s25 =	simm.s32 $0x2  }
0xd4: {  	s22 =	simm.s32 $0x0;
	v16 =	vmov s25;
	s25 =	simm.s32 $0x3  }
.LBB2_2:
0xd5: {  	p1 =	sne.s32 s25, $0x3F  }
0xd6: {  	s22 =	sadd.s32 $0x40, s22  }
0xd7: {  	v17 =	vadd.s32 s22, v15  }
0xd8: {  	s20 =	simm.s32 $0x0;
	[tilespmem:v15+s7+$0x0] =	vst.idx.msk $0xffff, v17  }
.Ltmp0:
0xd9: {  	v15 =	vld.idx.msk [tilespmem:v16+s20+$0x0], $0xffff;
	(pc) =	sbr.rel @p1 .LBB2_2-.Ltmp0, $2  }
0xda: {  	_ =	sdelay $0x2  }
0xdb: {  	v16 =	vmov s25;
	s25 =	sadd.s32 $0x1, s25  }
0xdc: {  	_ =	sdelay $0x1  }
0xdd: {  	s22 =	sadd.s32 $0x40, s22  }
0xde: {  	v17 =	vadd.s32 s22, v15  }
0xdf: {  	[tilespmem:v15+s7+$0x0] =	vst.idx.msk $0xffff, v17  }
0xe0: {  	v15 =	vld.idx.msk [tilespmem:v16+s20+$0x0], $0xffff;
	_ =	sdelay $0x2  }
0xe1: {  	p1 =	por $0x1, $0x1  }
.Ltmp1:
0xe2: {  	_ = 	snop;
	(pc) =	sbr.rel @!p1 .LBB2_5-.Ltmp1, $4  }
0xe3: {  	_ = 	snop  }
0xe4: {  	s22 =	sadd.s32 $0x40, s22  }
0xe5: {  	v16 =	vadd.s32 s22, v15  }
0xe6: {  	s25 =	simm.s32 $0x0;
	s22 =	simm.s32 $0x40;
	[tilespmem:v15+s7+$0x0] =	vst.idx.msk $0xffff, v16  }
.LBB2_4:
0xe7: {  	p1 =	sne.s32 s22, $0x3FC0;
	[tilespmem:s25+$0x2100] =	vst v3;
	s25 =	smov.u32 s22;
	s22 =	sadd.s32 $0x40, s22  }
.Ltmp2:
0xe8: {  	(pc) =	sbr.rel @p1 .LBB2_4-.Ltmp2, $2  }
0xe9: {  	_ =	sdelay $0x2  }
0xea: {  	s25 =	sshra.s32 s25, $0x2  }
.LBB2_5:
0xeb: {  	[tilespmem:s25+$0x2100] =	vst v3;
	s22 =	simm.s32 $0x0  }
.LBB2_6:
0xec: {  	v15 =	vmov s20  }
0xed: {  	v15 =	vshrl.u32 v15, $0x7  }
0xee: {  	v15 =	vshll.u32 v15, $0x7  }
0xef: {  	v15 =	vbroadcast v15, $0x0;
	_ =	sdelay $0x1  }
0xf0: {  	v16 =	vor.u32 v2, v15  }
0xf1: {  	v17 =	vmov s22;
	_ =	sdelay $0x3  }
0xf2: {  	v16 =	vld.idx.msk [tilespmem:v16+s2+$0x0], $0xffff  }
0xf3: {  	v17 =	vld.idx.msk [tilespmem:v17+s7+$0x0], $0xffff;
	_ =	sdelay $0x3  }
0xf4: {  	v16 =	vsub.s32 v16, v1  }
0xf5: {  	v18 =	vor.u32 v17, v16  }
0xf6: {  	vm1 =	vlt.s32 v16, $0x1000;
	vm0 =	vgt.s32 v18, $0xFFFFFFFF  }
0xf7: {  	vm0 =	vmand vm1, vm0  }
0xf8: {  	v16 =	vnsel vm0, $0x0, v16;
	_ =	sdelay $0x4  }
0xf9: {  	v44 =	vld.idx.msk [tilespmem:v16+s8+$0x0], vm0;
	_ =	sdelay $0x2  }
0xfa: {  	v19 =	vor.u32 v4, v15;
	_ =	sdelay $0x1  }
0xfb: {  	vm6 =	vgt.s32 v44, v17  }
0xfc: {  	v18 =	vsel vm6, v44, v17  }
0xfd: {  	[tilespmem:v16+s8+$0x0] =	vst.idx.msk vm0, v18  }
0xfe: {  	v16 =	vld.idx.msk [tilespmem:v19+s2+$0x0], $0xffff;
	_ =	sdelay $0x4  }
0xff: {  	v16 =	vsub.s32 v16, v1  }
0x100: {  	v45 =	vor.u32 v17, v16  }
0x101: {  	vm8 =	vlt.s32 v16, $0x1000;
	vm7 =	vgt.s32 v45, $0xFFFFFFFF  }
0x102: {  	vm0 =	vmand vm8, vm7  }
0x103: {  	v16 =	vnsel vm0, $0x0, v16;
	_ =	sdelay $0x4  }
0x104: {  	v46 =	vld.idx.msk [tilespmem:v16+s8+$0x0], vm0;
	_ =	sdelay $0x2  }
0x105: {  	v47 =	vor.u32 v5, v15;
	_ =	sdelay $0x1  }
0x106: {  	vm9 =	vgt.s32 v46, v17  }
0x107: {  	v18 =	vsel vm9, v46, v17  }
0x108: {  	[tilespmem:v16+s8+$0x0] =	vst.idx.msk vm0, v18  }
0x109: {  	v16 =	vld.idx.msk [tilespmem:v47+s2+$0x0], $0xffff;
	_ =	sdelay $0x4  }
0x10a: {  	v16 =	vsub.s32 v16, v1  }
0x10b: {  	v48 =	vor.u32 v17, v16  }
0x10c: {  	vm11 =	vlt.s32 v16, $0x1000;
	vm10 =	vgt.s32 v48, $0xFFFFFFFF  }
0x10d: {  	vm0 =	vmand vm11, vm10  }
0x10e: {  	v16 =	vnsel vm0, $0x0, v16;
	_ =	sdelay $0x4  }
0x10f: {  	v49 =	vld.idx.msk [tilespmem:v16+s8+$0x0], vm0;
	_ =	sdelay $0x2  }
0x110: {  	v50 =	vor.u32 v6, v15;
	_ =	sdelay $0x1  }
0x111: {  	vm12 =	vgt.s32 v49, v17  }
0x112: {  	v18 =	vsel vm12, v49, v17  }
0x113: {  	[tilespmem:v16+s8+$0x0] =	vst.idx.msk vm0, v18  }
0x114: {  	v16 =	vld.idx.msk [tilespmem:v50+s2+$0x0], $0xffff;
	_ =	sdelay $0x4  }
0x115: {  	v16 =	vsub.s32 v16, v1  }
0x116: {  	v51 =	vor.u32 v17, v16  }
0x117: {  	vm14 =	vlt.s32 v16, $0x1000;
	vm13 =	vgt.s32 v51, $0xFFFFFFFF  }
0x118: {  	vm0 =	vmand vm14, vm13  }
0x119: {  	v16 =	vnsel vm0, $0x0, v16;
	_ =	sdelay $0x4  }
0x11a: {  	v52 =	vld.idx.msk [tilespmem:v16+s8+$0x0], vm0;
	_ =	sdelay $0x2  }
0x11b: {  	v53 =	vor.u32 v9, v15;
	_ =	sdelay $0x1  }
0x11c: {  	vm15 =	vgt.s32 v52, v17  }
0x11d: {  	v18 =	vsel vm15, v52, v17  }
0x11e: {  	[tilespmem:v16+s8+$0x0] =	vst.idx.msk vm0, v18  }
0x11f: {  	v16 =	vld.idx.msk [tilespmem:v53+s2+$0x0], $0xffff;
	_ =	sdelay $0x4  }
0x120: {  	v16 =	vsub.s32 v16, v1  }
0x121: {  	v54 =	vor.u32 v17, v16  }
0x122: {  	vm5 =	vlt.s32 v16, $0x1000;
	vm4 =	vgt.s32 v54, $0xFFFFFFFF  }
0x123: {  	vm0 =	vmand vm5, vm4  }
0x124: {  	v16 =	vnsel vm0, $0x0, v16;
	_ =	sdelay $0x4  }
0x125: {  	v55 =	vld.idx.msk [tilespmem:v16+s8+$0x0], vm0;
	_ =	sdelay $0x2  }
0x126: {  	v56 =	vor.u32 v10, v15;
	_ =	sdelay $0x1  }
0x127: {  	vm6 =	vgt.s32 v55, v17  }
0x128: {  	v18 =	vsel vm6, v55, v17  }
0x129: {  	[tilespmem:v16+s8+$0x0] =	vst.idx.msk vm0, v18  }
0x12a: {  	v16 =	vld.idx.msk [tilespmem:v56+s2+$0x0], $0xffff;
	_ =	sdelay $0x4  }
0x12b: {  	v16 =	vsub.s32 v16, v1  }
0x12c: {  	v57 =	vor.u32 v17, v16  }
0x12d: {  	vm8 =	vlt.s32 v16, $0x1000;
	vm7 =	vgt.s32 v57, $0xFFFFFFFF  }
0x12e: {  	vm0 =	vmand vm8, vm7  }
0x12f: {  	v16 =	vnsel vm0, $0x0, v16;
	_ =	sdelay $0x4  }
0x130: {  	v58 =	vld.idx.msk [tilespmem:v16+s8+$0x0], vm0;
	_ =	sdelay $0x2  }
0x131: {  	v59 =	vor.u32 v11, v15;
	_ =	sdelay $0x1  }
0x132: {  	vm9 =	vgt.s32 v58, v17  }
0x133: {  	v18 =	vsel vm9, v58, v17  }
0x134: {  	[tilespmem:v16+s8+$0x0] =	vst.idx.msk vm0, v18  }
0x135: {  	v16 =	vld.idx.msk [tilespmem:v59+s2+$0x0], $0xffff;
	_ =	sdelay $0x4  }
0x136: {  	v16 =	vsub.s32 v16, v1  }
0x137: {  	v60 =	vor.u32 v17, v16  }
0x138: {  	vm11 =	vlt.s32 v16, $0x1000;
	vm10 =	vgt.s32 v60, $0xFFFFFFFF  }
0x139: {  	vm0 =	vmand vm11, vm10  }
0x13a: {  	v16 =	vnsel vm0, $0x0, v16;
	_ =	sdelay $0x4  }
0x13b: {  	v61 =	vld.idx.msk [tilespmem:v16+s8+$0x0], vm0;
	_ =	sdelay $0x2  }
0x13c: {  	v15 =	vor.u32 v12, v15;
	_ =	sdelay $0x1  }
0x13d: {  	vm12 =	vgt.s32 v61, v17  }
0x13e: {  	v18 =	vsel vm12, v61, v17  }
0x13f: {  	[tilespmem:v16+s8+$0x0] =	vst.idx.msk vm0, v18  }
0x140: {  	v15 =	vld.idx.msk [tilespmem:v15+s2+$0x0], $0xffff;
	_ =	sdelay $0x4  }
0x141: {  	v15 =	vsub.s32 v15, v1  }
0x142: {  	v62 =	vor.u32 v17, v15  }
0x143: {  	vm14 =	vlt.s32 v15, $0x1000;
	vm13 =	vgt.s32 v62, $0xFFFFFFFF  }
0x144: {  	vm0 =	vmand vm14, vm13  }
0x145: {  	v15 =	vnsel vm0, $0x0, v15;
	_ =	sdelay $0x4  }
0x146: {  	v63 =	vld.idx.msk [tilespmem:v15+s8+$0x0], vm0;
	_ =	sdelay $0x1  }
0x147: {  	p1 =	sne.s32 s22, $0x3F  }
.Ltmp3:
0x148: {  	_ = 	snop;
	(pc) =	sbr.rel @p1 .LBB2_6-.Ltmp3, $4  }
0x149: {  	_ = 	snop  }
0x14a: {  	vm15 =	vgt.s32 v63, v17  }
0x14b: {  	v16 =	vsel vm15, v63, v17  }
0x14c: {  	s20 =	sadd.s32 $0x80, s20;
	s22 =	sadd.s32 $0x1, s22;
	[tilespmem:v15+s8+$0x0] =	vst.idx.msk vm0, v16  }
0x14d: {  	s20 =	simm.s32 $0x0;
	s22 =	simm.s32 $0x40  }
.LBB2_8:
0x14e: {  	p1 =	sne.s32 s22, $0x3FC0;
	v15 =	vld [tilespmem:s20+$0x2100];
	_ =	sdelay $0x2  }
.Ltmp4:
0x14f: {  	(pc) =	sbr.rel @p1 .LBB2_8-.Ltmp4, $4  }
0x150: {  	_ = 	snop  }
0x151: {  	vm0 =	vgt.s32 v15, $0xFFFFFFFF;
	v15 =	vand.u32 $0x3F, v15  }
0x152: {  	v15 =	vnsel vm0, $0x40, v15  }
0x153: {  	[tilespmem:s20+$0x2100] =	vst v15;
	s20 =	sshra.s32 s22, $0x2;
	s22 =	sadd.s32 $0x40, s22  }
0x154: {  	v15 =	vld [tilespmem:s20+$0x2100];
	_ =	sdelay $0x4  }
0x155: {  	vm0 =	vgt.s32 v15, $0xFFFFFFFF;
	v15 =	vand.u32 $0x3F, v15  }
0x156: {  	v15 =	vnsel vm0, $0x40, v15  }
0x157: {  	s22 =	rddreg [dreg:$0x10];
	[tilespmem:s20+$0x2100] =	vst v15  }
0x158: {  	[hbm4b:s22+s13] =	stream.linear.scatter [tilespmem:s8], [sflag:$0x9], $0x1000, $0x38;
	[tilespmem:$0x13580] =	vst v63  }
0x159: {  	_ =	swait.ge [sflag:s26], $0x1000  }
0x15a: {  	[sflag:s26] =	ssyncset.done $0x0  }
0x15b: {  	[sflag:s26] =	ssyncadd.s32 $0xFFFFF000  }
0x15c: {  	v15 =	vld.idx.msk @!p0 [tilespmem:v7+s7+$0x0], $0xffff;
	_ =	sdelay $0x4  }
0x15d: {  	vm0 =	vgt.s32 @!p0 v15, $0xFFFFFFFF  }
0x15e: {  	v15 =	vnsel @!p0 vm0, $0x40, v7  }
0x15f: {  	[tilespmem:$0x3100] =	vst @!p0 v15  }
0x160: {  	v15 =	vld.idx.msk @!p0 [tilespmem:v8+s7+$0x0], $0xffff;
	_ =	sdelay $0x4  }
0x161: {  	vm0 =	vgt.s32 @!p0 v15, $0xFFFFFFFF  }
0x162: {  	v15 =	vnsel @!p0 vm0, $0x40, v8  }
0x163: {  	[tilespmem:$0x3110] =	vst @!p0 v15  }
0x164: {  	v15 =	vld.idx.msk @!p0 [tilespmem:v13+s7+$0x0], $0xffff;
	_ =	sdelay $0x4  }
0x165: {  	vm0 =	vgt.s32 @!p0 v15, $0xFFFFFFFF  }
0x166: {  	v15 =	vnsel @!p0 vm0, $0x40, v13  }
0x167: {  	[tilespmem:$0x3120] =	vst @!p0 v15  }
0x168: {  	v15 =	vld.idx.msk @!p0 [tilespmem:v14+s7+$0x0], $0xffff;
	_ =	sdelay $0x4  }
0x169: {  	vm0 =	vgt.s32 @!p0 v15, $0xFFFFFFFF  }
0x16a: {  	v15 =	vnsel @!p0 vm0, $0x40, v14  }
0x16b: {  	s22 =	simm.s32 @!p0 $0x3100;
	s20 =	rddreg @!p0 [dreg:$0x12];
	[tilespmem:$0x3130] =	vst @!p0 v15  }
0x16c: {  	[hbm4b:s20+s13] =	stream.linear.scatter @!p0 [tilespmem:s22], [sflag:$0x9], $0x40, $0x38;
	[tilespmem:$0x13580] =	vst v63  }
0x16d: {  	_ =	swait.ge @!p0 [sflag:s26], $0x40  }
0x16e: {  	[sflag:s26] =	ssyncset.done @!p0 $0x0  }
0x16f: {  	[sflag:s26] =	ssyncadd.s32 @!p0 $0xFFFFFFC0  }
0x170: {  	_ =	swait.ge [sflag:s9], $0x4000  }
0x171: {  	[sflag:s9] =	ssyncset.done $0x0  }
0x172: {  	s25 =	rddreg [dreg:$0x13];
	[sflag:s9] =	ssyncadd.s32 $0xFFFFC000  }
0x173: {  	[hbm4b:s25+s13] =	stream.linear.scatter [tilespmem:s3], [sflag:$0x5], $0x4000, $0x38;
	[tilespmem:$0x13580] =	vst v63  }
0x174: {  	_ =	swait.ge [sflag:s10], $0x4000  }
0x175: {  	[sflag:s10] =	ssyncset.done $0x0  }
0x176: {  	s22 =	rddreg [dreg:$0x14];
	[sflag:s10] =	ssyncadd.s32 $0xFFFFC000  }
0x177: {  	[hbm4b:s22+s13] =	stream.linear.scatter [tilespmem:s4], [sflag:$0x6], $0x4000, $0x38;
	[tilespmem:$0x13580] =	vst v63  }
0x178: {  	_ =	swait.ge [sflag:s11], $0x4000  }
0x179: {  	[sflag:s11] =	ssyncset.done $0x0  }
0x17a: {  	s25 =	rddreg [dreg:$0x15];
	[sflag:s11] =	ssyncadd.s32 $0xFFFFC000  }
0x17b: {  	[hbm4b:s25+s13] =	stream.linear.scatter [tilespmem:s5], [sflag:$0x7], $0x4000, $0x38;
	[tilespmem:$0x13580] =	vst v63  }
0x17c: {  	_ =	swait.ge [sflag:s12], $0x4000  }
0x17d: {  	[sflag:s12] =	ssyncset.done $0x0  }
0x17e: {  	s22 =	rddreg [dreg:$0x16];
	[sflag:s12] =	ssyncadd.s32 $0xFFFFC000  }
0x17f: {  	[hbm4b:s22+s13] =	stream.linear.scatter [tilespmem:s6], [sflag:$0x8], $0x4000, $0x38;
	[tilespmem:$0x13580] =	vst v63  }
0x180: {  	_ =	swait.ge [sflag:s15], $0x4000  }
0x181: {  	[sflag:s15] =	ssyncset.done $0x0  }
0x182: {  	[sflag:s15] =	ssyncadd.s32 $0xFFFFC000  }
0x183: {  	[tilespmem:s3], [sflag:$0x1] =	stream.indirect.gather [hbm4b:s1+s2], $0x80, s31, s2, $0xb8;
	[tilespmem:$0x13580] =	vst v63  }
0x184: {  	_ =	swait.ge [sflag:s9], $0x4000  }
0x185: {  	[sflag:s9] =	ssyncset.done $0x0  }
0x186: {  	s25 =	rddreg [dreg:$0x17];
	[sflag:s9] =	ssyncadd.s32 $0xFFFFC000  }
0x187: {  	[hbm4b:s25+s13] =	stream.linear.scatter [tilespmem:s3], [sflag:$0x5], $0x4000, $0x38;
	[tilespmem:$0x13580] =	vst v63  }
0x188: {  	_ =	swait.ge [sflag:s16], $0x4000  }
0x189: {  	[sflag:s16] =	ssyncset.done $0x0  }
0x18a: {  	[sflag:s16] =	ssyncadd.s32 $0xFFFFC000  }
0x18b: {  	[tilespmem:s4], [sflag:$0x2] =	stream.indirect.gather [hbm4b:s1+s2], $0x80, s21, s2, $0xb8;
	[tilespmem:$0x13580] =	vst v63  }
0x18c: {  	_ =	swait.ge [sflag:s10], $0x4000  }
0x18d: {  	[sflag:s10] =	ssyncset.done $0x0  }
0x18e: {  	s22 =	rddreg [dreg:$0x18];
	[sflag:s10] =	ssyncadd.s32 $0xFFFFC000  }
0x18f: {  	[hbm4b:s22+s13] =	stream.linear.scatter [tilespmem:s4], [sflag:$0x6], $0x4000, $0x38;
	[tilespmem:$0x13580] =	vst v63  }
0x190: {  	_ =	swait.ge [sflag:s17], $0x4000  }
0x191: {  	[sflag:s17] =	ssyncset.done $0x0  }
0x192: {  	[sflag:s17] =	ssyncadd.s32 $0xFFFFC000  }
0x193: {  	[tilespmem:s5], [sflag:$0x3] =	stream.indirect.gather [hbm4b:s1+s2], $0x80, s0, s2, $0xb8;
	[tilespmem:$0x13580] =	vst v63  }
0x194: {  	_ =	swait.ge [sflag:s11], $0x4000  }
0x195: {  	[sflag:s11] =	ssyncset.done $0x0  }
0x196: {  	s25 =	rddreg [dreg:$0x19];
	[sflag:s11] =	ssyncadd.s32 $0xFFFFC000  }
0x197: {  	[hbm4b:s25+s13] =	stream.linear.scatter [tilespmem:s5], [sflag:$0x7], $0x4000, $0x38;
	[tilespmem:$0x13580] =	vst v63  }
0x198: {  	_ =	swait.ge [sflag:s18], $0x4000  }
0x199: {  	[sflag:s18] =	ssyncset.done $0x0  }
0x19a: {  	[sflag:s18] =	ssyncadd.s32 $0xFFFFC000  }
0x19b: {  	[tilespmem:s6], [sflag:$0x4] =	stream.indirect.gather [hbm4b:s1+s2], $0x80, s14, s2, $0xb8;
	[tilespmem:$0x13580] =	vst v63  }
0x19c: {  	_ =	swait.ge [sflag:s12], $0x4000  }
0x19d: {  	[sflag:s12] =	ssyncset.done $0x0  }
0x19e: {  	[sflag:s12] =	ssyncadd.s32 $0xFFFFC000  }
0x19f: {  	[hbm4b:s23+s13] =	stream.linear.scatter [tilespmem:s6], [sflag:$0x8], $0x4000, $0x38;
	[tilespmem:$0x13580] =	vst v63  }
0x1a0: {  	_ =	swait.ge [sflag:s15], $0x4000  }
0x1a1: {  	[sflag:s15] =	ssyncset.done $0x0  }
0x1a2: {  	[sflag:s15] =	ssyncadd.s32 $0xFFFFC000  }
0x1a3: {  	_ =	swait.ge [sflag:s16], $0x4000  }
0x1a4: {  	[sflag:s16] =	ssyncset.done $0x0  }
0x1a5: {  	s19 =	sadd.s32 $0x1, s19;
	[sflag:s16] =	ssyncadd.s32 $0xFFFFC000  }
0x1a6: {  	p1 =	sne.s32 s19, s24;
	_ =	swait.ge [sflag:s17], $0x4000  }
.Ltmp5:
0x1a7: {  	[sflag:s17] =	ssyncset.done $0x0;
	(pc) =	sbr.rel @p1 .LBB2_1-.Ltmp5, $4  }
0x1a8: {  	[sflag:s17] =	ssyncadd.s32 $0xFFFFC000  }
0x1a9: {  	_ =	swait.ge [sflag:s18], $0x4000  }
0x1aa: {  	[sflag:s18] =	ssyncset.done $0x0  }
0x1ab: {  	[sflag:s18] =	ssyncadd.s32 $0xFFFFC000  }
0x1ac: {  	_ =	sfence.sel $0x180000  }
0x1ad: {  	[bflag:$0x0] =	sbarrier.arrive $0xFFFF  }
0x1ae: {  	_ =	strace $0x90000047  }
0x1af: {  	s0 =	stileid.u32;
	[bflag:$0x2] =	sbarrier.arrive $0xFFFF  }
0x1b0: {  	p0 =	sne.s32 s0, $0x0;
	s0 =	rddreg [dreg:$0x6]  }
0x1b1: {  	s0 =	sadd.s32 @!p0 $0x100000, s0  }
0x1b2: {  	[sflag:s0] =	ssyncadd.tile.s32 @!p0 $0x1;
	_ =	shalt  }
.Lfunc_end2:
_tile_overlayer_lowered:
.L_overlay_start_2:
0x1b3: {  	(tag) =	ssettag $0x2  }
0x1b4: {  	s0 =	rddreg [dreg:$0x0];
	s2 =	stileid.u32  }
0x1b5: {  	s1 =	rddreg [dreg:$0x1];
	p0 =	sne.s32 s2, $0x0  }
0x1b6: {  	s3 =	rddreg [dreg:$0x2];
	[bflag:$0x3] =	sbarrier.arrive $0xFFFF;
	s2 =	simm.s32 @!p0 $0x1C09  }
0x1b7: {  	[timem:s3], [sflag:s2] =	dma.local @!p0 [hbm:s0], s1  }
0x1b8: {  	s0 =	simm.s32 @!p0 $0x9  }
0x1b9: {  	_ =	swait.ge @!p0 [sflag:s0], s1  }
0x1ba: {  	s1 =	ssub.s32 @!p0 $0x0, s1;
	[sflag:s0] =	ssyncset.done @!p0 $0x0  }
0x1bb: {  	[sflag:s0] =	ssyncadd.s32 @!p0 s1  }
0x1bc: {  	[bflag:$0x3] =	sbarrier.arrive $0xFFFF  }
0x1bd: {  	_ =	shalt  }

</sc_bundles>
